<compile_context>
chip_gen: v7x
topology: tpu7x:2x2x1
jax: 0.10.2.dev20260603
libtpu: 0.0.44.dev20260713+nightly
codegen_flags: <defaults>
</compile_context>

<pallas_src>
import jax
import jax.numpy as jnp
from jax import lax
from jax.experimental import pallas as pl
from jax.experimental.pallas import tpu as pltpu
from jax.experimental.pallas import tpu_sc as plsc

NC = 2
NS = 16
NW = NC * NS
CHUNK = 32
LANES = 16


def _emb_body(tok_hbm, tab_hbm, pos_hbm, out_hbm, idx_v, rows_v, pos_v,
              gsem, psem, ssem):
    wid = lax.axis_index("s") * NC + lax.axis_index("c")
    nb = tok_hbm.shape[0]
    seq = pos_hbm.shape[0]
    d = tab_hbm.shape[1]
    per_w = seq // NW
    nl = per_w // CHUNK
    nsteps = nl * nb
    wl0 = wid * per_w

    pltpu.sync_copy(tok_hbm.at[:, pl.ds(wl0, per_w)], idx_v)

    def start_gather(s):
        li = s // nb
        b = lax.rem(s, nb)
        slot = lax.rem(s, 3)
        pltpu.async_copy(
            tab_hbm.at[idx_v.at[b, pl.ds(li * CHUNK, CHUNK)]],
            rows_v.at[slot], gsem.at[slot])

    def start_pos(li):
        pltpu.async_copy(
            pos_hbm.at[pl.ds(wl0 + li * CHUNK, CHUNK)],
            pos_v.at[lax.rem(li, 2)], psem.at[lax.rem(li, 2)])

    def wait_gather(slot):
        pltpu.make_async_copy(
            tab_hbm.at[idx_v.at[0, pl.ds(0, CHUNK)]], rows_v.at[slot],
            gsem.at[slot]).wait()

    def wait_pos(pli):
        pltpu.make_async_copy(
            pos_hbm.at[pl.ds(0, CHUNK)], pos_v.at[pli],
            psem.at[pli]).wait()

    def wait_one_store(slot):
        pltpu.make_async_copy(
            rows_v.at[slot], out_hbm.at[0, pl.ds(0, CHUNK)],
            ssem.at[slot]).wait()

    start_pos(0)
    start_gather(0)

    def step(s, carry):
        li = s // nb
        b = lax.rem(s, nb)
        slot = lax.rem(s, 3)
        pli = lax.rem(li, 2)

        @pl.when(s + 1 < nsteps)
        def _():
            @pl.when(b == nb - 1)
            def _():
                start_pos(li + 1)

            @pl.when(s >= 2)
            def _():
                wait_one_store(lax.rem(s + 1, 3))

            start_gather(s + 1)

        wait_gather(slot)

        @pl.when(b == 0)
        def _():
            wait_pos(pli)

        l0 = wl0 + li * CHUNK
        half = CHUNK // 2
        for h in range(2):
            @plsc.parallel_loop(h * half, (h + 1) * half, unroll=2)
            def _row(r):
                for g in range(0, d // LANES, 8):
                    a = [rows_v[slot, r, pl.ds((g + i) * LANES, LANES)]
                         for i in range(8)]
                    p = [pos_v[pli, r, pl.ds((g + i) * LANES, LANES)]
                         for i in range(8)]
                    for i in range(8):
                        rows_v[slot, r, pl.ds((g + i) * LANES, LANES)] = (
                            a[i] + p[i])

            pltpu.async_copy(
                rows_v.at[slot, pl.ds(h * half, half)],
                out_hbm.at[b, pl.ds(l0 + h * half, half)], ssem.at[slot])
        return carry

    lax.fori_loop(0, nsteps, step, 0)
    wait_one_store((nsteps - 2) % 3)
    wait_one_store((nsteps - 1) % 3)


def kernel(tokens, token_table, pos_table):
    B, L = tokens.shape
    V, D = token_table.shape
    tok = tokens.astype(jnp.int32)
    mesh = plsc.VectorSubcoreMesh(
        core_axis_name="c", subcore_axis_name="s", num_cores=NC,
        num_subcores=NS
    )
    out = pl.kernel(
        _emb_body,
        out_type=jax.ShapeDtypeStruct((B, L, D), jnp.float32),
        mesh=mesh,
        scratch_types=[
            pltpu.VMEM((B, L // NW), jnp.int32),
            pltpu.VMEM((3, CHUNK, D), jnp.float32),
            pltpu.VMEM((2, CHUNK, D), jnp.float32),
            pltpu.SemaphoreType.DMA((3,)),
            pltpu.SemaphoreType.DMA((2,)),
            pltpu.SemaphoreType.DMA((3,)),
        ],
    )(tok, token_table, pos_table)
    return out

# --- scband reference (transcript-rebuilt; emitter-appended) ---
"""Pipeline reference for scband-text-embedding-33165737460090 (READ-ONLY COPY).

The authoritative reference and input builder live on the scoring server;
editing this copy changes nothing except your own understanding.
"""

import jax, jax.numpy as jnp
import numpy as np

VOCAB = 100000
D_MODEL = 768
SEQ_LEN = 8192
BATCH = 4

def setup_inputs(seed: int = 0) -> dict:
    key = jax.random.key(seed)
    k_tok, k_emb, k_pos = jax.random.split(key, 3)
    tokens = jax.random.randint(k_tok, (BATCH, SEQ_LEN), 0, VOCAB, dtype=jnp.int64 if jax.config.jax_enable_x64 else jnp.int32)
    token_table = jax.random.normal(k_emb, (VOCAB, D_MODEL), dtype=jnp.float32)
    pos_table = jax.random.normal(k_pos, (SEQ_LEN, D_MODEL), dtype=jnp.float32)
    return {"tokens": tokens, "token_table": token_table, "pos_table": pos_table}

def reference(tokens, token_table, pos_table):
    B, L = tokens.shape
    embedding = jnp.take(token_table, tokens, axis=0)  # (B, L, d_model)
    pos_emb = jnp.take(pos_table, jnp.arange(L), axis=0)  # (L, d_model)
    embedding = embedding + pos_emb[None, :, :]
    return embedding

if __name__ == "__main__":
    import jax
    _d = setup_inputs()
    print(jax.jit(kernel)(*tuple(_d.values())))

</pallas_src>

<mosaic_0001>
#map = affine_map<(d0, d1) -> (0, 0)>
#map1 = affine_map<(d0, d1) -> (0, 0, 0)>
module attributes {stable_mosaic.version = 14 : i64} {
  func.func @_emb_body(%arg0: i32, %arg1: i32, %arg2: memref<4x8192xi32, #tpu.memory_space<hbm>>, %arg3: memref<100000x768xf32, #tpu.memory_space<hbm>>, %arg4: memref<8192x768xf32, #tpu.memory_space<hbm>>, %arg5: memref<4x8192x768xf32, #tpu.memory_space<hbm>>, %arg6: memref<4x256xi32, #tpu.memory_space<vmem>>, %arg7: memref<3x32x768xf32, #tpu.memory_space<vmem>>, %arg8: memref<2x32x768xf32, #tpu.memory_space<vmem>>, %arg9: memref<3x!tpu.dma_semaphore, #tpu.memory_space<semaphore_mem>>, %arg10: memref<2x!tpu.dma_semaphore, #tpu.memory_space<semaphore_mem>>, %arg11: memref<3x!tpu.dma_semaphore, #tpu.memory_space<semaphore_mem>>) attributes {dimension_semantics = [#tpu.dimension_semantics<core_parallel>, #tpu.dimension_semantics<subcore_parallel>], iteration_bounds = array<i64: 2, 16>, scalar_prefetch = 0 : i64, scratch_operands = 6 : i64, tpu.core_type = #tpu.core_type<sc_vector_subcore>, window_params = [{transform_indices = #map}, {transform_indices = #map}, {transform_indices = #map}, {transform_indices = #map1}]} {
    %mul3A = arith.constant 2 : i32
    %mul3A_0 = arith.muli %arg1, %mul3A : i32
    %add3A = arith.addi %mul3A_0, %arg0 : i32
    %mul3A_1 = arith.constant 256 : i32
    %mul3A_2 = arith.muli %add3A, %mul3A_1 : i32
    "tpu.region"() ({
      %run_scoped3A = tpu.sem_alloc : memref<!tpu.dma_semaphore, #tpu.memory_space<semaphore_mem>>
      %dma_start3A_87 = arith.constant 0 : i32
      %dma_start3A_88 = tpu.memref_slice %arg2[%dma_start3A_87, %mul3A_2] : memref<4x8192xi32, #tpu.memory_space<hbm>> -> memref<4x256xi32, #tpu.memory_space<hbm>>
      %dma_start3A_89 = arith.constant 0 : i32
      %dma_start3A_90 = tpu.memref_slice %arg2[%dma_start3A_89, %mul3A_2] : memref<4x8192xi32, #tpu.memory_space<hbm>> -> memref<4x256xi32, #tpu.memory_space<hbm>>
      tpu.enqueue_dma source(%dma_start3A_90 : memref<4x256xi32, #tpu.memory_space<hbm>>) target(%arg6 : memref<4x256xi32, #tpu.memory_space<vmem>>) target_semaphore(%run_scoped3A : memref<!tpu.dma_semaphore, #tpu.memory_space<semaphore_mem>>)
      %dma_wait3A_91 = arith.constant 0 : i32
      %dma_wait3A_92 = tpu.memref_slice %arg2[%dma_wait3A_91, %mul3A_2] : memref<4x8192xi32, #tpu.memory_space<hbm>> -> memref<4x256xi32, #tpu.memory_space<hbm>>
      %dma_wait3A_93 = arith.constant 0 : i32
      %dma_wait3A_94 = tpu.memref_slice %arg2[%dma_wait3A_93, %mul3A_2] : memref<4x8192xi32, #tpu.memory_space<hbm>> -> memref<4x256xi32, #tpu.memory_space<hbm>>
      tpu.wait_dma2 semaphore(%run_scoped3A : memref<!tpu.dma_semaphore, #tpu.memory_space<semaphore_mem>>) src(%dma_wait3A_94 : memref<4x256xi32, #tpu.memory_space<hbm>>) dst(%arg6 : memref<4x256xi32, #tpu.memory_space<vmem>>)
      tpu.yield
    }) : () -> ()
    %add3A_3 = arith.constant 0 : i32
    %add3A_4 = arith.addi %mul3A_2, %add3A_3 : i32
    %rem3A = arith.constant 0 : i32
    %rem3A_5 = arith.constant 2 : i32
    %rem3A_6 = arith.remsi %rem3A, %rem3A_5 : i32
    %rem3A_7 = arith.constant 0 : i32
    %rem3A_8 = arith.constant 2 : i32
    %rem3A_9 = arith.remsi %rem3A_7, %rem3A_8 : i32
    %dma_start3A = arith.constant 0 : i32
    %dma_start3A_10 = arith.constant 0 : i32
    %dma_start3A_11 = tpu.memref_slice %arg8[%rem3A_6, %dma_start3A, %dma_start3A_10] : memref<2x32x768xf32, #tpu.memory_space<vmem>> -> memref<1x32x768xf32, #tpu.memory_space<vmem>>
    %dma_start3A_12 = tpu.memref_squeeze %dma_start3A_11 : memref<1x32x768xf32, #tpu.memory_space<vmem>> -> memref<32x768xf32, #tpu.memory_space<vmem>>
    %dma_start3A_13 = arith.constant 0 : i32
    %dma_start3A_14 = tpu.memref_slice %arg4[%add3A_4, %dma_start3A_13] : memref<8192x768xf32, #tpu.memory_space<hbm>> -> memref<32x768xf32, #tpu.memory_space<hbm>>
    %dma_start3A_15 = tpu.memref_slice %arg10[%rem3A_9] : memref<2x!tpu.dma_semaphore, #tpu.memory_space<semaphore_mem>> -> memref<1x!tpu.dma_semaphore, #tpu.memory_space<semaphore_mem>>
    %dma_start3A_16 = tpu.memref_squeeze %dma_start3A_15 : memref<1x!tpu.dma_semaphore, #tpu.memory_space<semaphore_mem>> -> memref<!tpu.dma_semaphore, #tpu.memory_space<semaphore_mem>>
    %dma_start3A_17 = arith.constant 0 : i32
    %dma_start3A_18 = arith.constant 0 : i32
    %dma_start3A_19 = tpu.memref_slice %arg8[%rem3A_6, %dma_start3A_17, %dma_start3A_18] : memref<2x32x768xf32, #tpu.memory_space<vmem>> -> memref<1x32x768xf32, #tpu.memory_space<vmem>>
    %dma_start3A_20 = tpu.memref_squeeze %dma_start3A_19 : memref<1x32x768xf32, #tpu.memory_space<vmem>> -> memref<32x768xf32, #tpu.memory_space<vmem>>
    %dma_start3A_21 = arith.constant 0 : i32
    %dma_start3A_22 = tpu.memref_slice %arg4[%add3A_4, %dma_start3A_21] : memref<8192x768xf32, #tpu.memory_space<hbm>> -> memref<32x768xf32, #tpu.memory_space<hbm>>
    tpu.enqueue_dma source(%dma_start3A_22 : memref<32x768xf32, #tpu.memory_space<hbm>>) target(%dma_start3A_20 : memref<32x768xf32, #tpu.memory_space<vmem>>) target_semaphore(%dma_start3A_16 : memref<!tpu.dma_semaphore, #tpu.memory_space<semaphore_mem>>)
    %rem3A_23 = arith.constant 0 : i32
    %rem3A_24 = arith.constant 4 : i32
    %rem3A_25 = arith.remsi %rem3A_23, %rem3A_24 : i32
    %rem3A_26 = arith.constant 0 : i32
    %rem3A_27 = arith.constant 3 : i32
    %rem3A_28 = arith.remsi %rem3A_26, %rem3A_27 : i32
    %dma_start3A_29 = arith.constant 0 : i32
    %dma_start3A_30 = arith.constant 0 : i32
    %dma_start3A_31 = tpu.memref_slice %arg7[%rem3A_28, %dma_start3A_29, %dma_start3A_30] : memref<3x32x768xf32, #tpu.memory_space<vmem>> -> memref<1x32x768xf32, #tpu.memory_space<vmem>>
    %dma_start3A_32 = tpu.memref_squeeze %dma_start3A_31 : memref<1x32x768xf32, #tpu.memory_space<vmem>> -> memref<32x768xf32, #tpu.memory_space<vmem>>
    %dma_start3A_33 = arith.constant 0 : i32
    %dma_start3A_34 = tpu.memref_slice %arg6[%rem3A_25, %dma_start3A_33] : memref<4x256xi32, #tpu.memory_space<vmem>> -> memref<1x32xi32, #tpu.memory_space<vmem>>
    %dma_start3A_35 = tpu.memref_squeeze %dma_start3A_34 : memref<1x32xi32, #tpu.memory_space<vmem>> -> memref<32xi32, #tpu.memory_space<vmem>>
    %dma_start3A_36 = arith.constant 0 : i32
    %dma_start3A_37 = arith.constant 0 : i32
    %dma_start3A_38 = tpu.memref_slice %arg3[%dma_start3A_36, %dma_start3A_37] : memref<100000x768xf32, #tpu.memory_space<hbm>> -> memref<100000x768xf32, #tpu.memory_space<hbm>>
    %dma_start3A_39 = tpu.memref_slice %arg9[%rem3A_28] : memref<3x!tpu.dma_semaphore, #tpu.memory_space<semaphore_mem>> -> memref<1x!tpu.dma_semaphore, #tpu.memory_space<semaphore_mem>>
    %dma_start3A_40 = tpu.memref_squeeze %dma_start3A_39 : memref<1x!tpu.dma_semaphore, #tpu.memory_space<semaphore_mem>> -> memref<!tpu.dma_semaphore, #tpu.memory_space<semaphore_mem>>
    tpu.enqueue_indirect_dma source(%dma_start3A_38 : memref<100000x768xf32, #tpu.memory_space<hbm>>) target(%dma_start3A_32 : memref<32x768xf32, #tpu.memory_space<vmem>>) offsets(%dma_start3A_35 : memref<32xi32, #tpu.memory_space<vmem>>) semaphore(%dma_start3A_40 : memref<!tpu.dma_semaphore, #tpu.memory_space<semaphore_mem>>)
    %scan3A = arith.constant 0 : i32
    %scan3A_41 = arith.constant 0 : i32
    %scan3A_42 = arith.constant 32 : i32
    %scan3A_43 = arith.addi %scan3A_41, %scan3A_42 : i32
    %scan3A_44 = arith.constant 1 : i32
    scf.for %scan3A_87 = %scan3A_41 to %scan3A_43 step %scan3A_44  : i32 {
      %jit3A = arith.constant 4 : i32
      %div3A = arith.divsi %scan3A_87, %jit3A : i32
      %sign3A = arith.constant 0 : i32
      %sign3A_88 = arith.cmpi sgt, %scan3A_87, %sign3A : i32
      %sign3A_89 = arith.extui %sign3A_88 : i1 to i32
      %sign3A_90 = arith.constant 0 : i32
      %sign3A_91 = arith.cmpi slt, %scan3A_87, %sign3A_90 : i32
      %sign3A_92 = arith.extui %sign3A_91 : i1 to i32
      %sign3A_93 = arith.subi %sign3A_89, %sign3A_92 : i32
      %sign3A_94 = arith.constant 0 : i32
      %sign3A_95 = arith.cmpi sgt, %jit3A, %sign3A_94 : i32
      %sign3A_96 = arith.extui %sign3A_95 : i1 to i32
      %sign3A_97 = arith.constant 0 : i32
      %sign3A_98 = arith.cmpi slt, %jit3A, %sign3A_97 : i32
      %sign3A_99 = arith.extui %sign3A_98 : i1 to i32
      %sign3A_100 = arith.subi %sign3A_96, %sign3A_99 : i32
      %ne3A = arith.cmpi ne, %sign3A_93, %sign3A_100 : i32
      %rem3A_101 = arith.remsi %scan3A_87, %jit3A : i32
      %ne3A_102 = arith.constant 0 : i32
      %ne3A_103 = arith.cmpi ne, %rem3A_101, %ne3A_102 : i32
      %and3A = arith.andi %ne3A, %ne3A_103 : i1
      %sub3A = arith.constant 1 : i32
      %sub3A_104 = arith.subi %div3A, %sub3A : i32
      %select_n3A = arith.select %and3A, %sub3A_104, %div3A : i32
      %rem3A_105 = arith.constant 4 : i32
      %rem3A_106 = arith.remsi %scan3A_87, %rem3A_105 : i32
      %rem3A_107 = arith.constant 3 : i32
      %rem3A_108 = arith.remsi %scan3A_87, %rem3A_107 : i32
      %rem3A_109 = arith.constant 2 : i32
      %rem3A_110 = arith.remsi %select_n3A, %rem3A_109 : i32
      %add3A_111 = arith.constant 1 : i32
      %add3A_112 = arith.addi %scan3A_87, %add3A_111 : i32
      %lt3A = arith.constant 32 : i32
      %lt3A_113 = arith.cmpi slt, %add3A_112, %lt3A : i32
      %convert_element_type3A = arith.extui %lt3A_113 : i1 to i32
      %cond3A = arith.constant 0 : i32
      %cond3A_114 = arith.cmpi ne, %convert_element_type3A, %cond3A : i32
      scf.if %cond3A_114 {
        %eq3A_176 = arith.constant 3 : i32
        %eq3A_177 = arith.cmpi eq, %rem3A_106, %eq3A_176 : i32
        %convert_element_type3A_178 = arith.extui %eq3A_177 : i1 to i32
        %cond3A_179 = arith.constant 0 : i32
        %cond3A_180 = arith.cmpi ne, %convert_element_type3A_178, %cond3A_179 : i32
        scf.if %cond3A_180 {
          %add3A_228 = arith.constant 1 : i32
          %add3A_229 = arith.addi %select_n3A, %add3A_228 : i32
          %mul3A_230 = arith.constant 32 : i32
          %mul3A_231 = arith.muli %add3A_229, %mul3A_230 : i32
          %add3A_232 = arith.addi %mul3A_2, %mul3A_231 : i32
          %rem3A_233 = arith.constant 2 : i32
          %rem3A_234 = arith.remsi %add3A_229, %rem3A_233 : i32
          %rem3A_235 = arith.constant 2 : i32
          %rem3A_236 = arith.remsi %add3A_229, %rem3A_235 : i32
          %dma_start3A_237 = arith.constant 0 : i32
          %dma_start3A_238 = arith.constant 0 : i32
          %dma_start3A_239 = tpu.memref_slice %arg8[%rem3A_234, %dma_start3A_237, %dma_start3A_238] : memref<2x32x768xf32, #tpu.memory_space<vmem>> -> memref<1x32x768xf32, #tpu.memory_space<vmem>>
          %dma_start3A_240 = tpu.memref_squeeze %dma_start3A_239 : memref<1x32x768xf32, #tpu.memory_space<vmem>> -> memref<32x768xf32, #tpu.memory_space<vmem>>
          %dma_start3A_241 = arith.constant 0 : i32
          %dma_start3A_242 = tpu.memref_slice %arg4[%add3A_232, %dma_start3A_241] : memref<8192x768xf32, #tpu.memory_space<hbm>> -> memref<32x768xf32, #tpu.memory_space<hbm>>
          %dma_start3A_243 = tpu.memref_slice %arg10[%rem3A_236] : memref<2x!tpu.dma_semaphore, #tpu.memory_space<semaphore_mem>> -> memref<1x!tpu.dma_semaphore, #tpu.memory_space<semaphore_mem>>
          %dma_start3A_244 = tpu.memref_squeeze %dma_start3A_243 : memref<1x!tpu.dma_semaphore, #tpu.memory_space<semaphore_mem>> -> memref<!tpu.dma_semaphore, #tpu.memory_space<semaphore_mem>>
          %dma_start3A_245 = arith.constant 0 : i32
          %dma_start3A_246 = arith.constant 0 : i32
          %dma_start3A_247 = tpu.memref_slice %arg8[%rem3A_234, %dma_start3A_245, %dma_start3A_246] : memref<2x32x768xf32, #tpu.memory_space<vmem>> -> memref<1x32x768xf32, #tpu.memory_space<vmem>>
          %dma_start3A_248 = tpu.memref_squeeze %dma_start3A_247 : memref<1x32x768xf32, #tpu.memory_space<vmem>> -> memref<32x768xf32, #tpu.memory_space<vmem>>
          %dma_start3A_249 = arith.constant 0 : i32
          %dma_start3A_250 = tpu.memref_slice %arg4[%add3A_232, %dma_start3A_249] : memref<8192x768xf32, #tpu.memory_space<hbm>> -> memref<32x768xf32, #tpu.memory_space<hbm>>
          tpu.enqueue_dma source(%dma_start3A_250 : memref<32x768xf32, #tpu.memory_space<hbm>>) target(%dma_start3A_248 : memref<32x768xf32, #tpu.memory_space<vmem>>) target_semaphore(%dma_start3A_244 : memref<!tpu.dma_semaphore, #tpu.memory_space<semaphore_mem>>)
        } else {
        }
        %ge3A = arith.constant 2 : i32
        %ge3A_181 = arith.cmpi sge, %scan3A_87, %ge3A : i32
        %convert_element_type3A_182 = arith.extui %ge3A_181 : i1 to i32
        %cond3A_183 = arith.constant 0 : i32
        %cond3A_184 = arith.cmpi ne, %convert_element_type3A_182, %cond3A_183 : i32
        scf.if %cond3A_184 {
          %add3A_228 = arith.constant 1 : i32
          %add3A_229 = arith.addi %scan3A_87, %add3A_228 : i32
          %rem3A_230 = arith.constant 3 : i32
          %rem3A_231 = arith.remsi %add3A_229, %rem3A_230 : i32
          %dma_wait3A_232 = arith.constant 0 : i32
          %dma_wait3A_233 = arith.constant 0 : i32
          %dma_wait3A_234 = arith.constant 0 : i32
          %dma_wait3A_235 = tpu.memref_slice %arg7[%rem3A_231, %dma_wait3A_233, %dma_wait3A_234] : memref<3x32x768xf32, #tpu.memory_space<vmem>> -> memref<1x32x768xf32, #tpu.memory_space<vmem>>
          %dma_wait3A_236 = tpu.memref_squeeze %dma_wait3A_235 : memref<1x32x768xf32, #tpu.memory_space<vmem>> -> memref<32x768xf32, #tpu.memory_space<vmem>>
          %dma_wait3A_237 = arith.constant 0 : i32
          %dma_wait3A_238 = arith.constant 0 : i32
          %dma_wait3A_239 = tpu.memref_slice %arg5[%dma_wait3A_232, %dma_wait3A_237, %dma_wait3A_238] : memref<4x8192x768xf32, #tpu.memory_space<hbm>> -> memref<1x32x768xf32, #tpu.memory_space<hbm>>
          %dma_wait3A_240 = tpu.memref_squeeze %dma_wait3A_239 : memref<1x32x768xf32, #tpu.memory_space<hbm>> -> memref<32x768xf32, #tpu.memory_space<hbm>>
          %dma_wait3A_241 = tpu.memref_slice %arg11[%rem3A_231] : memref<3x!tpu.dma_semaphore, #tpu.memory_space<semaphore_mem>> -> memref<1x!tpu.dma_semaphore, #tpu.memory_space<semaphore_mem>>
          %dma_wait3A_242 = tpu.memref_squeeze %dma_wait3A_241 : memref<1x!tpu.dma_semaphore, #tpu.memory_space<semaphore_mem>> -> memref<!tpu.dma_semaphore, #tpu.memory_space<semaphore_mem>>
          %dma_wait3A_243 = arith.constant 0 : i32
          %dma_wait3A_244 = arith.constant 0 : i32
          %dma_wait3A_245 = tpu.memref_slice %arg5[%dma_wait3A_232, %dma_wait3A_243, %dma_wait3A_244] : memref<4x8192x768xf32, #tpu.memory_space<hbm>> -> memref<1x32x768xf32, #tpu.memory_space<hbm>>
          %dma_wait3A_246 = tpu.memref_squeeze %dma_wait3A_245 : memref<1x32x768xf32, #tpu.memory_space<hbm>> -> memref<32x768xf32, #tpu.memory_space<hbm>>
          %dma_wait3A_247 = arith.constant 0 : i32
          %dma_wait3A_248 = arith.constant 0 : i32
          %dma_wait3A_249 = tpu.memref_slice %arg7[%rem3A_231, %dma_wait3A_247, %dma_wait3A_248] : memref<3x32x768xf32, #tpu.memory_space<vmem>> -> memref<1x32x768xf32, #tpu.memory_space<vmem>>
          %dma_wait3A_250 = tpu.memref_squeeze %dma_wait3A_249 : memref<1x32x768xf32, #tpu.memory_space<vmem>> -> memref<32x768xf32, #tpu.memory_space<vmem>>
          tpu.wait_dma2 semaphore(%dma_wait3A_242 : memref<!tpu.dma_semaphore, #tpu.memory_space<semaphore_mem>>) src(%dma_wait3A_250 : memref<32x768xf32, #tpu.memory_space<vmem>>) dst(%dma_wait3A_246 : memref<32x768xf32, #tpu.memory_space<hbm>>)
        } else {
        }
        %add3A_185 = arith.constant 1 : i32
        %add3A_186 = arith.addi %scan3A_87, %add3A_185 : i32
        %jit3A_187 = arith.constant 4 : i32
        %div3A_188 = arith.divsi %add3A_186, %jit3A_187 : i32
        %sign3A_189 = arith.constant 0 : i32
        %sign3A_190 = arith.cmpi sgt, %add3A_186, %sign3A_189 : i32
        %sign3A_191 = arith.extui %sign3A_190 : i1 to i32
        %sign3A_192 = arith.constant 0 : i32
        %sign3A_193 = arith.cmpi slt, %add3A_186, %sign3A_192 : i32
        %sign3A_194 = arith.extui %sign3A_193 : i1 to i32
        %sign3A_195 = arith.subi %sign3A_191, %sign3A_194 : i32
        %sign3A_196 = arith.constant 0 : i32
        %sign3A_197 = arith.cmpi sgt, %jit3A_187, %sign3A_196 : i32
        %sign3A_198 = arith.extui %sign3A_197 : i1 to i32
        %sign3A_199 = arith.constant 0 : i32
        %sign3A_200 = arith.cmpi slt, %jit3A_187, %sign3A_199 : i32
        %sign3A_201 = arith.extui %sign3A_200 : i1 to i32
        %sign3A_202 = arith.subi %sign3A_198, %sign3A_201 : i32
        %ne3A_203 = arith.cmpi ne, %sign3A_195, %sign3A_202 : i32
        %rem3A_204 = arith.remsi %add3A_186, %jit3A_187 : i32
        %ne3A_205 = arith.constant 0 : i32
        %ne3A_206 = arith.cmpi ne, %rem3A_204, %ne3A_205 : i32
        %and3A_207 = arith.andi %ne3A_203, %ne3A_206 : i1
        %sub3A_208 = arith.constant 1 : i32
        %sub3A_209 = arith.subi %div3A_188, %sub3A_208 : i32
        %select_n3A_210 = arith.select %and3A_207, %sub3A_209, %div3A_188 : i32
        %rem3A_211 = arith.constant 4 : i32
        %rem3A_212 = arith.remsi %add3A_186, %rem3A_211 : i32
        %rem3A_213 = arith.constant 3 : i32
        %rem3A_214 = arith.remsi %add3A_186, %rem3A_213 : i32
        %mul3A_215 = arith.constant 32 : i32
        %mul3A_216 = arith.muli %select_n3A_210, %mul3A_215 : i32
        %dma_start3A_217 = arith.constant 0 : i32
        %dma_start3A_218 = arith.constant 0 : i32
        %dma_start3A_219 = tpu.memref_slice %arg7[%rem3A_214, %dma_start3A_217, %dma_start3A_218] : memref<3x32x768xf32, #tpu.memory_space<vmem>> -> memref<1x32x768xf32, #tpu.memory_space<vmem>>
        %dma_start3A_220 = tpu.memref_squeeze %dma_start3A_219 : memref<1x32x768xf32, #tpu.memory_space<vmem>> -> memref<32x768xf32, #tpu.memory_space<vmem>>
        %dma_start3A_221 = tpu.memref_slice %arg6[%rem3A_212, %mul3A_216] : memref<4x256xi32, #tpu.memory_space<vmem>> -> memref<1x32xi32, #tpu.memory_space<vmem>>
        %dma_start3A_222 = tpu.memref_squeeze %dma_start3A_221 : memref<1x32xi32, #tpu.memory_space<vmem>> -> memref<32xi32, #tpu.memory_space<vmem>>
        %dma_start3A_223 = arith.constant 0 : i32
        %dma_start3A_224 = arith.constant 0 : i32
        %dma_start3A_225 = tpu.memref_slice %arg3[%dma_start3A_223, %dma_start3A_224] : memref<100000x768xf32, #tpu.memory_space<hbm>> -> memref<100000x768xf32, #tpu.memory_space<hbm>>
        %dma_start3A_226 = tpu.memref_slice %arg9[%rem3A_214] : memref<3x!tpu.dma_semaphore, #tpu.memory_space<semaphore_mem>> -> memref<1x!tpu.dma_semaphore, #tpu.memory_space<semaphore_mem>>
        %dma_start3A_227 = tpu.memref_squeeze %dma_start3A_226 : memref<1x!tpu.dma_semaphore, #tpu.memory_space<semaphore_mem>> -> memref<!tpu.dma_semaphore, #tpu.memory_space<semaphore_mem>>
        tpu.enqueue_indirect_dma source(%dma_start3A_225 : memref<100000x768xf32, #tpu.memory_space<hbm>>) target(%dma_start3A_220 : memref<32x768xf32, #tpu.memory_space<vmem>>) offsets(%dma_start3A_222 : memref<32xi32, #tpu.memory_space<vmem>>) semaphore(%dma_start3A_227 : memref<!tpu.dma_semaphore, #tpu.memory_space<semaphore_mem>>)
      } else {
      }
      %dma_wait3A_115 = arith.constant 0 : i32
      %dma_wait3A_116 = arith.constant 0 : i32
      %dma_wait3A_117 = arith.constant 0 : i32
      %dma_wait3A_118 = tpu.memref_slice %arg7[%rem3A_108, %dma_wait3A_116, %dma_wait3A_117] : memref<3x32x768xf32, #tpu.memory_space<vmem>> -> memref<1x32x768xf32, #tpu.memory_space<vmem>>
      %dma_wait3A_119 = tpu.memref_squeeze %dma_wait3A_118 : memref<1x32x768xf32, #tpu.memory_space<vmem>> -> memref<32x768xf32, #tpu.memory_space<vmem>>
      %dma_wait3A_120 = arith.constant 0 : i32
      %dma_wait3A_121 = tpu.memref_slice %arg6[%dma_wait3A_115, %dma_wait3A_120] : memref<4x256xi32, #tpu.memory_space<vmem>> -> memref<1x32xi32, #tpu.memory_space<vmem>>
      %dma_wait3A_122 = tpu.memref_squeeze %dma_wait3A_121 : memref<1x32xi32, #tpu.memory_space<vmem>> -> memref<32xi32, #tpu.memory_space<vmem>>
      %dma_wait3A_123 = arith.constant 0 : i32
      %dma_wait3A_124 = arith.constant 0 : i32
      %dma_wait3A_125 = tpu.memref_slice %arg3[%dma_wait3A_123, %dma_wait3A_124] : memref<100000x768xf32, #tpu.memory_space<hbm>> -> memref<100000x768xf32, #tpu.memory_space<hbm>>
      %dma_wait3A_126 = tpu.memref_slice %arg9[%rem3A_108] : memref<3x!tpu.dma_semaphore, #tpu.memory_space<semaphore_mem>> -> memref<1x!tpu.dma_semaphore, #tpu.memory_space<semaphore_mem>>
      %dma_wait3A_127 = tpu.memref_squeeze %dma_wait3A_126 : memref<1x!tpu.dma_semaphore, #tpu.memory_space<semaphore_mem>> -> memref<!tpu.dma_semaphore, #tpu.memory_space<semaphore_mem>>
      tpu.wait_indirect_dma semaphore(%dma_wait3A_127 : memref<!tpu.dma_semaphore, #tpu.memory_space<semaphore_mem>>) src(%dma_wait3A_125 : memref<100000x768xf32, #tpu.memory_space<hbm>>) dst(%dma_wait3A_119 : memref<32x768xf32, #tpu.memory_space<vmem>>)
      %eq3A = arith.constant 0 : i32
      %eq3A_128 = arith.cmpi eq, %rem3A_106, %eq3A : i32
      %convert_element_type3A_129 = arith.extui %eq3A_128 : i1 to i32
      %cond3A_130 = arith.constant 0 : i32
      %cond3A_131 = arith.cmpi ne, %convert_element_type3A_129, %cond3A_130 : i32
      scf.if %cond3A_131 {
        %dma_wait3A_176 = arith.constant 0 : i32
        %dma_wait3A_177 = arith.constant 0 : i32
        %dma_wait3A_178 = tpu.memref_slice %arg8[%rem3A_110, %dma_wait3A_176, %dma_wait3A_177] : memref<2x32x768xf32, #tpu.memory_space<vmem>> -> memref<1x32x768xf32, #tpu.memory_space<vmem>>
        %dma_wait3A_179 = tpu.memref_squeeze %dma_wait3A_178 : memref<1x32x768xf32, #tpu.memory_space<vmem>> -> memref<32x768xf32, #tpu.memory_space<vmem>>
        %dma_wait3A_180 = arith.constant 0 : i32
        %dma_wait3A_181 = arith.constant 0 : i32
        %dma_wait3A_182 = tpu.memref_slice %arg4[%dma_wait3A_180, %dma_wait3A_181] : memref<8192x768xf32, #tpu.memory_space<hbm>> -> memref<32x768xf32, #tpu.memory_space<hbm>>
        %dma_wait3A_183 = tpu.memref_slice %arg10[%rem3A_110] : memref<2x!tpu.dma_semaphore, #tpu.memory_space<semaphore_mem>> -> memref<1x!tpu.dma_semaphore, #tpu.memory_space<semaphore_mem>>
        %dma_wait3A_184 = tpu.memref_squeeze %dma_wait3A_183 : memref<1x!tpu.dma_semaphore, #tpu.memory_space<semaphore_mem>> -> memref<!tpu.dma_semaphore, #tpu.memory_space<semaphore_mem>>
        %dma_wait3A_185 = arith.constant 0 : i32
        %dma_wait3A_186 = arith.constant 0 : i32
        %dma_wait3A_187 = tpu.memref_slice %arg8[%rem3A_110, %dma_wait3A_185, %dma_wait3A_186] : memref<2x32x768xf32, #tpu.memory_space<vmem>> -> memref<1x32x768xf32, #tpu.memory_space<vmem>>
        %dma_wait3A_188 = tpu.memref_squeeze %dma_wait3A_187 : memref<1x32x768xf32, #tpu.memory_space<vmem>> -> memref<32x768xf32, #tpu.memory_space<vmem>>
        %dma_wait3A_189 = arith.constant 0 : i32
        %dma_wait3A_190 = arith.constant 0 : i32
        %dma_wait3A_191 = tpu.memref_slice %arg4[%dma_wait3A_189, %dma_wait3A_190] : memref<8192x768xf32, #tpu.memory_space<hbm>> -> memref<32x768xf32, #tpu.memory_space<hbm>>
        tpu.wait_dma2 semaphore(%dma_wait3A_184 : memref<!tpu.dma_semaphore, #tpu.memory_space<semaphore_mem>>) src(%dma_wait3A_191 : memref<32x768xf32, #tpu.memory_space<hbm>>) dst(%dma_wait3A_188 : memref<32x768xf32, #tpu.memory_space<vmem>>)
      } else {
      }
      %mul3A_132 = arith.constant 32 : i32
      %mul3A_133 = arith.muli %select_n3A, %mul3A_132 : i32
      %add3A_134 = arith.addi %mul3A_2, %mul3A_133 : i32
      %parallel_loop3A = arith.constant 0 : i32
      %parallel_loop3A_135 = arith.constant 16 : i32
      %parallel_loop3A_136 = arith.constant 1 : i32
      scf.for %parallel_loop3A_176 = %parallel_loop3A to %parallel_loop3A_135 step %parallel_loop3A_136  : i32 {
        %parallel_loop3A_177 = arith.index_cast %rem3A_108 : i32 to index
        %parallel_loop3A_178 = arith.index_cast %parallel_loop3A_176 : i32 to index
        %parallel_loop3A_179 = arith.constant 0 : index
        %parallel_loop3A_180 = tpu.vector_load %arg7[%parallel_loop3A_177, %parallel_loop3A_178, %parallel_loop3A_179] {strides = array<i32>} : memref<3x32x768xf32, #tpu.memory_space<vmem>>, vector<1x1x16xf32>,
        %parallel_loop3A_181 = vector.shape_cast %parallel_loop3A_180 : vector<1x1x16xf32> to vector<16xf32>
        %parallel_loop3A_182 = arith.index_cast %rem3A_108 : i32 to index
        %parallel_loop3A_183 = arith.index_cast %parallel_loop3A_176 : i32 to index
        %parallel_loop3A_184 = arith.constant 16 : index
        %parallel_loop3A_185 = tpu.vector_load %arg7[%parallel_loop3A_182, %parallel_loop3A_183, %parallel_loop3A_184] {strides = array<i32>} : memref<3x32x768xf32, #tpu.memory_space<vmem>>, vector<1x1x16xf32>,
        %parallel_loop3A_186 = vector.shape_cast %parallel_loop3A_185 : vector<1x1x16xf32> to vector<16xf32>
        %parallel_loop3A_187 = arith.index_cast %rem3A_108 : i32 to index
        %parallel_loop3A_188 = arith.index_cast %parallel_loop3A_176 : i32 to index
        %parallel_loop3A_189 = arith.constant 32 : index
        %parallel_loop3A_190 = tpu.vector_load %arg7[%parallel_loop3A_187, %parallel_loop3A_188, %parallel_loop3A_189] {strides = array<i32>} : memref<3x32x768xf32, #tpu.memory_space<vmem>>, vector<1x1x16xf32>,
        %parallel_loop3A_191 = vector.shape_cast %parallel_loop3A_190 : vector<1x1x16xf32> to vector<16xf32>
        %parallel_loop3A_192 = arith.index_cast %rem3A_108 : i32 to index
        %parallel_loop3A_193 = arith.index_cast %parallel_loop3A_176 : i32 to index
        %parallel_loop3A_194 = arith.constant 48 : index
        %parallel_loop3A_195 = tpu.vector_load %arg7[%parallel_loop3A_192, %parallel_loop3A_193, %parallel_loop3A_194] {strides = array<i32>} : memref<3x32x768xf32, #tpu.memory_space<vmem>>, vector<1x1x16xf32>,
        %parallel_loop3A_196 = vector.shape_cast %parallel_loop3A_195 : vector<1x1x16xf32> to vector<16xf32>
        %parallel_loop3A_197 = arith.index_cast %rem3A_108 : i32 to index
        %parallel_loop3A_198 = arith.index_cast %parallel_loop3A_176 : i32 to index
        %parallel_loop3A_199 = arith.constant 64 : index
        %parallel_loop3A_200 = tpu.vector_load %arg7[%parallel_loop3A_197, %parallel_loop3A_198, %parallel_loop3A_199] {strides = array<i32>} : memref<3x32x768xf32, #tpu.memory_space<vmem>>, vector<1x1x16xf32>,
        %parallel_loop3A_201 = vector.shape_cast %parallel_loop3A_200 : vector<1x1x16xf32> to vector<16xf32>
        %parallel_loop3A_202 = arith.index_cast %rem3A_108 : i32 to index
        %parallel_loop3A_203 = arith.index_cast %parallel_loop3A_176 : i32 to index
        %parallel_loop3A_204 = arith.constant 80 : index
        %parallel_loop3A_205 = tpu.vector_load %arg7[%parallel_loop3A_202, %parallel_loop3A_203, %parallel_loop3A_204] {strides = array<i32>} : memref<3x32x768xf32, #tpu.memory_space<vmem>>, vector<1x1x16xf32>,
        %parallel_loop3A_206 = vector.shape_cast %parallel_loop3A_205 : vector<1x1x16xf32> to vector<16xf32>
        %parallel_loop3A_207 = arith.index_cast %rem3A_108 : i32 to index
        %parallel_loop3A_208 = arith.index_cast %parallel_loop3A_176 : i32 to index
        %parallel_loop3A_209 = arith.constant 96 : index
        %parallel_loop3A_210 = tpu.vector_load %arg7[%parallel_loop3A_207, %parallel_loop3A_208, %parallel_loop3A_209] {strides = array<i32>} : memref<3x32x768xf32, #tpu.memory_space<vmem>>, vector<1x1x16xf32>,
        %parallel_loop3A_211 = vector.shape_cast %parallel_loop3A_210 : vector<1x1x16xf32> to vector<16xf32>
        %parallel_loop3A_212 = arith.index_cast %rem3A_108 : i32 to index
        %parallel_loop3A_213 = arith.index_cast %parallel_loop3A_176 : i32 to index
        %parallel_loop3A_214 = arith.constant 112 : index
        %parallel_loop3A_215 = tpu.vector_load %arg7[%parallel_loop3A_212, %parallel_loop3A_213, %parallel_loop3A_214] {strides = array<i32>} : memref<3x32x768xf32, #tpu.memory_space<vmem>>, vector<1x1x16xf32>,
        %parallel_loop3A_216 = vector.shape_cast %parallel_loop3A_215 : vector<1x1x16xf32> to vector<16xf32>
        %parallel_loop3A_217 = arith.index_cast %rem3A_110 : i32 to index
        %parallel_loop3A_218 = arith.index_cast %parallel_loop3A_176 : i32 to index
        %parallel_loop3A_219 = arith.constant 0 : index
        %parallel_loop3A_220 = tpu.vector_load %arg8[%parallel_loop3A_217, %parallel_loop3A_218, %parallel_loop3A_219] {strides = array<i32>} : memref<2x32x768xf32, #tpu.memory_space<vmem>>, vector<1x1x16xf32>,
        %parallel_loop3A_221 = vector.shape_cast %parallel_loop3A_220 : vector<1x1x16xf32> to vector<16xf32>
        %parallel_loop3A_222 = arith.index_cast %rem3A_110 : i32 to index
        %parallel_loop3A_223 = arith.index_cast %parallel_loop3A_176 : i32 to index
        %parallel_loop3A_224 = arith.constant 16 : index
        %parallel_loop3A_225 = tpu.vector_load %arg8[%parallel_loop3A_222, %parallel_loop3A_223, %parallel_loop3A_224] {strides = array<i32>} : memref<2x32x768xf32, #tpu.memory_space<vmem>>, vector<1x1x16xf32>,
        %parallel_loop3A_226 = vector.shape_cast %parallel_loop3A_225 : vector<1x1x16xf32> to vector<16xf32>
        %parallel_loop3A_227 = arith.index_cast %rem3A_110 : i32 to index
        %parallel_loop3A_228 = arith.index_cast %parallel_loop3A_176 : i32 to index
        %parallel_loop3A_229 = arith.constant 32 : index
        %parallel_loop3A_230 = tpu.vector_load %arg8[%parallel_loop3A_227, %parallel_loop3A_228, %parallel_loop3A_229] {strides = array<i32>} : memref<2x32x768xf32, #tpu.memory_space<vmem>>, vector<1x1x16xf32>,
        %parallel_loop3A_231 = vector.shape_cast %parallel_loop3A_230 : vector<1x1x16xf32> to vector<16xf32>
        %parallel_loop3A_232 = arith.index_cast %rem3A_110 : i32 to index
        %parallel_loop3A_233 = arith.index_cast %parallel_loop3A_176 : i32 to index
        %parallel_loop3A_234 = arith.constant 48 : index
        %parallel_loop3A_235 = tpu.vector_load %arg8[%parallel_loop3A_232, %parallel_loop3A_233, %parallel_loop3A_234] {strides = array<i32>} : memref<2x32x768xf32, #tpu.memory_space<vmem>>, vector<1x1x16xf32>,
        %parallel_loop3A_236 = vector.shape_cast %parallel_loop3A_235 : vector<1x1x16xf32> to vector<16xf32>
        %parallel_loop3A_237 = arith.index_cast %rem3A_110 : i32 to index
        %parallel_loop3A_238 = arith.index_cast %parallel_loop3A_176 : i32 to index
        %parallel_loop3A_239 = arith.constant 64 : index
        %parallel_loop3A_240 = tpu.vector_load %arg8[%parallel_loop3A_237, %parallel_loop3A_238, %parallel_loop3A_239] {strides = array<i32>} : memref<2x32x768xf32, #tpu.memory_space<vmem>>, vector<1x1x16xf32>,
        %parallel_loop3A_241 = vector.shape_cast %parallel_loop3A_240 : vector<1x1x16xf32> to vector<16xf32>
        %parallel_loop3A_242 = arith.index_cast %rem3A_110 : i32 to index
        %parallel_loop3A_243 = arith.index_cast %parallel_loop3A_176 : i32 to index
        %parallel_loop3A_244 = arith.constant 80 : index
        %parallel_loop3A_245 = tpu.vector_load %arg8[%parallel_loop3A_242, %parallel_loop3A_243, %parallel_loop3A_244] {strides = array<i32>} : memref<2x32x768xf32, #tpu.memory_space<vmem>>, vector<1x1x16xf32>,
        %parallel_loop3A_246 = vector.shape_cast %parallel_loop3A_245 : vector<1x1x16xf32> to vector<16xf32>
        %parallel_loop3A_247 = arith.index_cast %rem3A_110 : i32 to index
        %parallel_loop3A_248 = arith.index_cast %parallel_loop3A_176 : i32 to index
        %parallel_loop3A_249 = arith.constant 96 : index
        %parallel_loop3A_250 = tpu.vector_load %arg8[%parallel_loop3A_247, %parallel_loop3A_248, %parallel_loop3A_249] {strides = array<i32>} : memref<2x32x768xf32, #tpu.memory_space<vmem>>, vector<1x1x16xf32>,
        %parallel_loop3A_251 = vector.shape_cast %parallel_loop3A_250 : vector<1x1x16xf32> to vector<16xf32>
        %parallel_loop3A_252 = arith.index_cast %rem3A_110 : i32 to index
        %parallel_loop3A_253 = arith.index_cast %parallel_loop3A_176 : i32 to index
        %parallel_loop3A_254 = arith.constant 112 : index
        %parallel_loop3A_255 = tpu.vector_load %arg8[%parallel_loop3A_252, %parallel_loop3A_253, %parallel_loop3A_254] {strides = array<i32>} : memref<2x32x768xf32, #tpu.memory_space<vmem>>, vector<1x1x16xf32>,
        %parallel_loop3A_256 = vector.shape_cast %parallel_loop3A_255 : vector<1x1x16xf32> to vector<16xf32>
        %parallel_loop3A_257 = arith.addf %parallel_loop3A_181, %parallel_loop3A_221 : vector<16xf32>
        %parallel_loop3A_258 = arith.index_cast %rem3A_108 : i32 to index
        %parallel_loop3A_259 = arith.index_cast %parallel_loop3A_176 : i32 to index
        %parallel_loop3A_260 = arith.constant 0 : index
        %parallel_loop3A_261 = tpu.vector_load %arg7[%parallel_loop3A_258, %parallel_loop3A_259, %parallel_loop3A_260] {strides = array<i32>} : memref<3x32x768xf32, #tpu.memory_space<vmem>>, vector<1x1x16xf32>,
        %parallel_loop3A_262 = vector.shape_cast %parallel_loop3A_261 : vector<1x1x16xf32> to vector<16xf32>
        %parallel_loop3A_263 = vector.shape_cast %parallel_loop3A_257 : vector<16xf32> to vector<1x1x16xf32>
        tpu.vector_store %arg7[%parallel_loop3A_258, %parallel_loop3A_259, %parallel_loop3A_260], %parallel_loop3A_263 {strides = array<i32>} : memref<3x32x768xf32, #tpu.memory_space<vmem>>, vector<1x1x16xf32>,
        %parallel_loop3A_264 = arith.addf %parallel_loop3A_186, %parallel_loop3A_226 : vector<16xf32>
        %parallel_loop3A_265 = arith.index_cast %rem3A_108 : i32 to index
        %parallel_loop3A_266 = arith.index_cast %parallel_loop3A_176 : i32 to index
        %parallel_loop3A_267 = arith.constant 16 : index
        %parallel_loop3A_268 = tpu.vector_load %arg7[%parallel_loop3A_265, %parallel_loop3A_266, %parallel_loop3A_267] {strides = array<i32>} : memref<3x32x768xf32, #tpu.memory_space<vmem>>, vector<1x1x16xf32>,
        %parallel_loop3A_269 = vector.shape_cast %parallel_loop3A_268 : vector<1x1x16xf32> to vector<16xf32>
        %parallel_loop3A_270 = vector.shape_cast %parallel_loop3A_264 : vector<16xf32> to vector<1x1x16xf32>
        tpu.vector_store %arg7[%parallel_loop3A_265, %parallel_loop3A_266, %parallel_loop3A_267], %parallel_loop3A_270 {strides = array<i32>} : memref<3x32x768xf32, #tpu.memory_space<vmem>>, vector<1x1x16xf32>,
        %parallel_loop3A_271 = arith.addf %parallel_loop3A_191, %parallel_loop3A_231 : vector<16xf32>
        %parallel_loop3A_272 = arith.index_cast %rem3A_108 : i32 to index
        %parallel_loop3A_273 = arith.index_cast %parallel_loop3A_176 : i32 to index
        %parallel_loop3A_274 = arith.constant 32 : index
        %parallel_loop3A_275 = tpu.vector_load %arg7[%parallel_loop3A_272, %parallel_loop3A_273, %parallel_loop3A_274] {strides = array<i32>} : memref<3x32x768xf32, #tpu.memory_space<vmem>>, vector<1x1x16xf32>,
        %parallel_loop3A_276 = vector.shape_cast %parallel_loop3A_275 : vector<1x1x16xf32> to vector<16xf32>
        %parallel_loop3A_277 = vector.shape_cast %parallel_loop3A_271 : vector<16xf32> to vector<1x1x16xf32>
        tpu.vector_store %arg7[%parallel_loop3A_272, %parallel_loop3A_273, %parallel_loop3A_274], %parallel_loop3A_277 {strides = array<i32>} : memref<3x32x768xf32, #tpu.memory_space<vmem>>, vector<1x1x16xf32>,
        %parallel_loop3A_278 = arith.addf %parallel_loop3A_196, %parallel_loop3A_236 : vector<16xf32>
        %parallel_loop3A_279 = arith.index_cast %rem3A_108 : i32 to index
        %parallel_loop3A_280 = arith.index_cast %parallel_loop3A_176 : i32 to index
        %parallel_loop3A_281 = arith.constant 48 : index
        %parallel_loop3A_282 = tpu.vector_load %arg7[%parallel_loop3A_279, %parallel_loop3A_280, %parallel_loop3A_281] {strides = array<i32>} : memref<3x32x768xf32, #tpu.memory_space<vmem>>, vector<1x1x16xf32>,
        %parallel_loop3A_283 = vector.shape_cast %parallel_loop3A_282 : vector<1x1x16xf32> to vector<16xf32>
        %parallel_loop3A_284 = vector.shape_cast %parallel_loop3A_278 : vector<16xf32> to vector<1x1x16xf32>
        tpu.vector_store %arg7[%parallel_loop3A_279, %parallel_loop3A_280, %parallel_loop3A_281], %parallel_loop3A_284 {strides = array<i32>} : memref<3x32x768xf32, #tpu.memory_space<vmem>>, vector<1x1x16xf32>,
        %parallel_loop3A_285 = arith.addf %parallel_loop3A_201, %parallel_loop3A_241 : vector<16xf32>
        %parallel_loop3A_286 = arith.index_cast %rem3A_108 : i32 to index
        %parallel_loop3A_287 = arith.index_cast %parallel_loop3A_176 : i32 to index
        %parallel_loop3A_288 = arith.constant 64 : index
        %parallel_loop3A_289 = tpu.vector_load %arg7[%parallel_loop3A_286, %parallel_loop3A_287, %parallel_loop3A_288] {strides = array<i32>} : memref<3x32x768xf32, #tpu.memory_space<vmem>>, vector<1x1x16xf32>,
        %parallel_loop3A_290 = vector.shape_cast %parallel_loop3A_289 : vector<1x1x16xf32> to vector<16xf32>
        %parallel_loop3A_291 = vector.shape_cast %parallel_loop3A_285 : vector<16xf32> to vector<1x1x16xf32>
        tpu.vector_store %arg7[%parallel_loop3A_286, %parallel_loop3A_287, %parallel_loop3A_288], %parallel_loop3A_291 {strides = array<i32>} : memref<3x32x768xf32, #tpu.memory_space<vmem>>, vector<1x1x16xf32>,
        %parallel_loop3A_292 = arith.addf %parallel_loop3A_206, %parallel_loop3A_246 : vector<16xf32>
        %parallel_loop3A_293 = arith.index_cast %rem3A_108 : i32 to index
        %parallel_loop3A_294 = arith.index_cast %parallel_loop3A_176 : i32 to index
        %parallel_loop3A_295 = arith.constant 80 : index
        %parallel_loop3A_296 = tpu.vector_load %arg7[%parallel_loop3A_293, %parallel_loop3A_294, %parallel_loop3A_295] {strides = array<i32>} : memref<3x32x768xf32, #tpu.memory_space<vmem>>, vector<1x1x16xf32>,
        %parallel_loop3A_297 = vector.shape_cast %parallel_loop3A_296 : vector<1x1x16xf32> to vector<16xf32>
        %parallel_loop3A_298 = vector.shape_cast %parallel_loop3A_292 : vector<16xf32> to vector<1x1x16xf32>
        tpu.vector_store %arg7[%parallel_loop3A_293, %parallel_loop3A_294, %parallel_loop3A_295], %parallel_loop3A_298 {strides = array<i32>} : memref<3x32x768xf32, #tpu.memory_space<vmem>>, vector<1x1x16xf32>,
        %parallel_loop3A_299 = arith.addf %parallel_loop3A_211, %parallel_loop3A_251 : vector<16xf32>
        %parallel_loop3A_300 = arith.index_cast %rem3A_108 : i32 to index
        %parallel_loop3A_301 = arith.index_cast %parallel_loop3A_176 : i32 to index
        %parallel_loop3A_302 = arith.constant 96 : index
        %parallel_loop3A_303 = tpu.vector_load %arg7[%parallel_loop3A_300, %parallel_loop3A_301, %parallel_loop3A_302] {strides = array<i32>} : memref<3x32x768xf32, #tpu.memory_space<vmem>>, vector<1x1x16xf32>,
        %parallel_loop3A_304 = vector.shape_cast %parallel_loop3A_303 : vector<1x1x16xf32> to vector<16xf32>
        %parallel_loop3A_305 = vector.shape_cast %parallel_loop3A_299 : vector<16xf32> to vector<1x1x16xf32>
        tpu.vector_store %arg7[%parallel_loop3A_300, %parallel_loop3A_301, %parallel_loop3A_302], %parallel_loop3A_305 {strides = array<i32>} : memref<3x32x768xf32, #tpu.memory_space<vmem>>, vector<1x1x16xf32>,
        %parallel_loop3A_306 = arith.addf %parallel_loop3A_216, %parallel_loop3A_256 : vector<16xf32>
        %parallel_loop3A_307 = arith.index_cast %rem3A_108 : i32 to index
        %parallel_loop3A_308 = arith.index_cast %parallel_loop3A_176 : i32 to index
        %parallel_loop3A_309 = arith.constant 112 : index
        %parallel_loop3A_310 = tpu.vector_load %arg7[%parallel_loop3A_307, %parallel_loop3A_308, %parallel_loop3A_309] {strides = array<i32>} : memref<3x32x768xf32, #tpu.memory_space<vmem>>, vector<1x1x16xf32>,
        %parallel_loop3A_311 = vector.shape_cast %parallel_loop3A_310 : vector<1x1x16xf32> to vector<16xf32>
        %parallel_loop3A_312 = vector.shape_cast %parallel_loop3A_306 : vector<16xf32> to vector<1x1x16xf32>
        tpu.vector_store %arg7[%parallel_loop3A_307, %parallel_loop3A_308, %parallel_loop3A_309], %parallel_loop3A_312 {strides = array<i32>} : memref<3x32x768xf32, #tpu.memory_space<vmem>>, vector<1x1x16xf32>,
        %parallel_loop3A_313 = arith.index_cast %rem3A_108 : i32 to index
        %parallel_loop3A_314 = arith.index_cast %parallel_loop3A_176 : i32 to index
        %parallel_loop3A_315 = arith.constant 128 : index
        %parallel_loop3A_316 = tpu.vector_load %arg7[%parallel_loop3A_313, %parallel_loop3A_314, %parallel_loop3A_315] {strides = array<i32>} : memref<3x32x768xf32, #tpu.memory_space<vmem>>, vector<1x1x16xf32>,
        %parallel_loop3A_317 = vector.shape_cast %parallel_loop3A_316 : vector<1x1x16xf32> to vector<16xf32>
        %parallel_loop3A_318 = arith.index_cast %rem3A_108 : i32 to index
        %parallel_loop3A_319 = arith.index_cast %parallel_loop3A_176 : i32 to index
        %parallel_loop3A_320 = arith.constant 144 : index
        %parallel_loop3A_321 = tpu.vector_load %arg7[%parallel_loop3A_318, %parallel_loop3A_319, %parallel_loop3A_320] {strides = array<i32>} : memref<3x32x768xf32, #tpu.memory_space<vmem>>, vector<1x1x16xf32>,
        %parallel_loop3A_322 = vector.shape_cast %parallel_loop3A_321 : vector<1x1x16xf32> to vector<16xf32>
        %parallel_loop3A_323 = arith.index_cast %rem3A_108 : i32 to index
        %parallel_loop3A_324 = arith.index_cast %parallel_loop3A_176 : i32 to index
        %parallel_loop3A_325 = arith.constant 160 : index
        %parallel_loop3A_326 = tpu.vector_load %arg7[%parallel_loop3A_323, %parallel_loop3A_324, %parallel_loop3A_325] {strides = array<i32>} : memref<3x32x768xf32, #tpu.memory_space<vmem>>, vector<1x1x16xf32>,
        %parallel_loop3A_327 = vector.shape_cast %parallel_loop3A_326 : vector<1x1x16xf32> to vector<16xf32>
        %parallel_loop3A_328 = arith.index_cast %rem3A_108 : i32 to index
        %parallel_loop3A_329 = arith.index_cast %parallel_loop3A_176 : i32 to index
        %parallel_loop3A_330 = arith.constant 176 : index
        %parallel_loop3A_331 = tpu.vector_load %arg7[%parallel_loop3A_328, %parallel_loop3A_329, %parallel_loop3A_330] {strides = array<i32>} : memref<3x32x768xf32, #tpu.memory_space<vmem>>, vector<1x1x16xf32>,
        %parallel_loop3A_332 = vector.shape_cast %parallel_loop3A_331 : vector<1x1x16xf32> to vector<16xf32>
        %parallel_loop3A_333 = arith.index_cast %rem3A_108 : i32 to index
        %parallel_loop3A_334 = arith.index_cast %parallel_loop3A_176 : i32 to index
        %parallel_loop3A_335 = arith.constant 192 : index
        %parallel_loop3A_336 = tpu.vector_load %arg7[%parallel_loop3A_333, %parallel_loop3A_334, %parallel_loop3A_335] {strides = array<i32>} : memref<3x32x768xf32, #tpu.memory_space<vmem>>, vector<1x1x16xf32>,
        %parallel_loop3A_337 = vector.shape_cast %parallel_loop3A_336 : vector<1x1x16xf32> to vector<16xf32>
        %parallel_loop3A_338 = arith.index_cast %rem3A_108 : i32 to index
        %parallel_loop3A_339 = arith.index_cast %parallel_loop3A_176 : i32 to index
        %parallel_loop3A_340 = arith.constant 208 : index
        %parallel_loop3A_341 = tpu.vector_load %arg7[%parallel_loop3A_338, %parallel_loop3A_339, %parallel_loop3A_340] {strides = array<i32>} : memref<3x32x768xf32, #tpu.memory_space<vmem>>, vector<1x1x16xf32>,
        %parallel_loop3A_342 = vector.shape_cast %parallel_loop3A_341 : vector<1x1x16xf32> to vector<16xf32>
        %parallel_loop3A_343 = arith.index_cast %rem3A_108 : i32 to index
        %parallel_loop3A_344 = arith.index_cast %parallel_loop3A_176 : i32 to index
        %parallel_loop3A_345 = arith.constant 224 : index
        %parallel_loop3A_346 = tpu.vector_load %arg7[%parallel_loop3A_343, %parallel_loop3A_344, %parallel_loop3A_345] {strides = array<i32>} : memref<3x32x768xf32, #tpu.memory_space<vmem>>, vector<1x1x16xf32>,
        %parallel_loop3A_347 = vector.shape_cast %parallel_loop3A_346 : vector<1x1x16xf32> to vector<16xf32>
        %parallel_loop3A_348 = arith.index_cast %rem3A_108 : i32 to index
        %parallel_loop3A_349 = arith.index_cast %parallel_loop3A_176 : i32 to index
        %parallel_loop3A_350 = arith.constant 240 : index
        %parallel_loop3A_351 = tpu.vector_load %arg7[%parallel_loop3A_348, %parallel_loop3A_349, %parallel_loop3A_350] {strides = array<i32>} : memref<3x32x768xf32, #tpu.memory_space<vmem>>, vector<1x1x16xf32>,
        %parallel_loop3A_352 = vector.shape_cast %parallel_loop3A_351 : vector<1x1x16xf32> to vector<16xf32>
        %parallel_loop3A_353 = arith.index_cast %rem3A_110 : i32 to index
        %parallel_loop3A_354 = arith.index_cast %parallel_loop3A_176 : i32 to index
        %parallel_loop3A_355 = arith.constant 128 : index
        %parallel_loop3A_356 = tpu.vector_load %arg8[%parallel_loop3A_353, %parallel_loop3A_354, %parallel_loop3A_355] {strides = array<i32>} : memref<2x32x768xf32, #tpu.memory_space<vmem>>, vector<1x1x16xf32>,
        %parallel_loop3A_357 = vector.shape_cast %parallel_loop3A_356 : vector<1x1x16xf32> to vector<16xf32>
        %parallel_loop3A_358 = arith.index_cast %rem3A_110 : i32 to index
        %parallel_loop3A_359 = arith.index_cast %parallel_loop3A_176 : i32 to index
        %parallel_loop3A_360 = arith.constant 144 : index
        %parallel_loop3A_361 = tpu.vector_load %arg8[%parallel_loop3A_358, %parallel_loop3A_359, %parallel_loop3A_360] {strides = array<i32>} : memref<2x32x768xf32, #tpu.memory_space<vmem>>, vector<1x1x16xf32>,
        %parallel_loop3A_362 = vector.shape_cast %parallel_loop3A_361 : vector<1x1x16xf32> to vector<16xf32>
        %parallel_loop3A_363 = arith.index_cast %rem3A_110 : i32 to index
        %parallel_loop3A_364 = arith.index_cast %parallel_loop3A_176 : i32 to index
        %parallel_loop3A_365 = arith.constant 160 : index
        %parallel_loop3A_366 = tpu.vector_load %arg8[%parallel_loop3A_363, %parallel_loop3A_364, %parallel_loop3A_365] {strides = array<i32>} : memref<2x32x768xf32, #tpu.memory_space<vmem>>, vector<1x1x16xf32>,
        %parallel_loop3A_367 = vector.shape_cast %parallel_loop3A_366 : vector<1x1x16xf32> to vector<16xf32>
        %parallel_loop3A_368 = arith.index_cast %rem3A_110 : i32 to index
        %parallel_loop3A_369 = arith.index_cast %parallel_loop3A_176 : i32 to index
        %parallel_loop3A_370 = arith.constant 176 : index
        %parallel_loop3A_371 = tpu.vector_load %arg8[%parallel_loop3A_368, %parallel_loop3A_369, %parallel_loop3A_370] {strides = array<i32>} : memref<2x32x768xf32, #tpu.memory_space<vmem>>, vector<1x1x16xf32>,
        %parallel_loop3A_372 = vector.shape_cast %parallel_loop3A_371 : vector<1x1x16xf32> to vector<16xf32>
        %parallel_loop3A_373 = arith.index_cast %rem3A_110 : i32 to index
        %parallel_loop3A_374 = arith.index_cast %parallel_loop3A_176 : i32 to index
        %parallel_loop3A_375 = arith.constant 192 : index
        %parallel_loop3A_376 = tpu.vector_load %arg8[%parallel_loop3A_373, %parallel_loop3A_374, %parallel_loop3A_375] {strides = array<i32>} : memref<2x32x768xf32, #tpu.memory_space<vmem>>, vector<1x1x16xf32>,
        %parallel_loop3A_377 = vector.shape_cast %parallel_loop3A_376 : vector<1x1x16xf32> to vector<16xf32>
        %parallel_loop3A_378 = arith.index_cast %rem3A_110 : i32 to index
        %parallel_loop3A_379 = arith.index_cast %parallel_loop3A_176 : i32 to index
        %parallel_loop3A_380 = arith.constant 208 : index
        %parallel_loop3A_381 = tpu.vector_load %arg8[%parallel_loop3A_378, %parallel_loop3A_379, %parallel_loop3A_380] {strides = array<i32>} : memref<2x32x768xf32, #tpu.memory_space<vmem>>, vector<1x1x16xf32>,
        %parallel_loop3A_382 = vector.shape_cast %parallel_loop3A_381 : vector<1x1x16xf32> to vector<16xf32>
        %parallel_loop3A_383 = arith.index_cast %rem3A_110 : i32 to index
        %parallel_loop3A_384 = arith.index_cast %parallel_loop3A_176 : i32 to index
        %parallel_loop3A_385 = arith.constant 224 : index
        %parallel_loop3A_386 = tpu.vector_load %arg8[%parallel_loop3A_383, %parallel_loop3A_384, %parallel_loop3A_385] {strides = array<i32>} : memref<2x32x768xf32, #tpu.memory_space<vmem>>, vector<1x1x16xf32>,
        %parallel_loop3A_387 = vector.shape_cast %parallel_loop3A_386 : vector<1x1x16xf32> to vector<16xf32>
        %parallel_loop3A_388 = arith.index_cast %rem3A_110 : i32 to index
        %parallel_loop3A_389 = arith.index_cast %parallel_loop3A_176 : i32 to index
        %parallel_loop3A_390 = arith.constant 240 : index
        %parallel_loop3A_391 = tpu.vector_load %arg8[%parallel_loop3A_388, %parallel_loop3A_389, %parallel_loop3A_390] {strides = array<i32>} : memref<2x32x768xf32, #tpu.memory_space<vmem>>, vector<1x1x16xf32>,
        %parallel_loop3A_392 = vector.shape_cast %parallel_loop3A_391 : vector<1x1x16xf32> to vector<16xf32>
        %parallel_loop3A_393 = arith.addf %parallel_loop3A_317, %parallel_loop3A_357 : vector<16xf32>
        %parallel_loop3A_394 = arith.index_cast %rem3A_108 : i32 to index
        %parallel_loop3A_395 = arith.index_cast %parallel_loop3A_176 : i32 to index
        %parallel_loop3A_396 = arith.constant 128 : index
        %parallel_loop3A_397 = tpu.vector_load %arg7[%parallel_loop3A_394, %parallel_loop3A_395, %parallel_loop3A_396] {strides = array<i32>} : memref<3x32x768xf32, #tpu.memory_space<vmem>>, vector<1x1x16xf32>,
        %parallel_loop3A_398 = vector.shape_cast %parallel_loop3A_397 : vector<1x1x16xf32> to vector<16xf32>
        %parallel_loop3A_399 = vector.shape_cast %parallel_loop3A_393 : vector<16xf32> to vector<1x1x16xf32>
        tpu.vector_store %arg7[%parallel_loop3A_394, %parallel_loop3A_395, %parallel_loop3A_396], %parallel_loop3A_399 {strides = array<i32>} : memref<3x32x768xf32, #tpu.memory_space<vmem>>, vector<1x1x16xf32>,
        %parallel_loop3A_400 = arith.addf %parallel_loop3A_322, %parallel_loop3A_362 : vector<16xf32>
        %parallel_loop3A_401 = arith.index_cast %rem3A_108 : i32 to index
        %parallel_loop3A_402 = arith.index_cast %parallel_loop3A_176 : i32 to index
        %parallel_loop3A_403 = arith.constant 144 : index
        %parallel_loop3A_404 = tpu.vector_load %arg7[%parallel_loop3A_401, %parallel_loop3A_402, %parallel_loop3A_403] {strides = array<i32>} : memref<3x32x768xf32, #tpu.memory_space<vmem>>, vector<1x1x16xf32>,
        %parallel_loop3A_405 = vector.shape_cast %parallel_loop3A_404 : vector<1x1x16xf32> to vector<16xf32>
        %parallel_loop3A_406 = vector.shape_cast %parallel_loop3A_400 : vector<16xf32> to vector<1x1x16xf32>
        tpu.vector_store %arg7[%parallel_loop3A_401, %parallel_loop3A_402, %parallel_loop3A_403], %parallel_loop3A_406 {strides = array<i32>} : memref<3x32x768xf32, #tpu.memory_space<vmem>>, vector<1x1x16xf32>,
        %parallel_loop3A_407 = arith.addf %parallel_loop3A_327, %parallel_loop3A_367 : vector<16xf32>
        %parallel_loop3A_408 = arith.index_cast %rem3A_108 : i32 to index
        %parallel_loop3A_409 = arith.index_cast %parallel_loop3A_176 : i32 to index
        %parallel_loop3A_410 = arith.constant 160 : index
        %parallel_loop3A_411 = tpu.vector_load %arg7[%parallel_loop3A_408, %parallel_loop3A_409, %parallel_loop3A_410] {strides = array<i32>} : memref<3x32x768xf32, #tpu.memory_space<vmem>>, vector<1x1x16xf32>,
        %parallel_loop3A_412 = vector.shape_cast %parallel_loop3A_411 : vector<1x1x16xf32> to vector<16xf32>
        %parallel_loop3A_413 = vector.shape_cast %parallel_loop3A_407 : vector<16xf32> to vector<1x1x16xf32>
        tpu.vector_store %arg7[%parallel_loop3A_408, %parallel_loop3A_409, %parallel_loop3A_410], %parallel_loop3A_413 {strides = array<i32>} : memref<3x32x768xf32, #tpu.memory_space<vmem>>, vector<1x1x16xf32>,
        %parallel_loop3A_414 = arith.addf %parallel_loop3A_332, %parallel_loop3A_372 : vector<16xf32>
        %parallel_loop3A_415 = arith.index_cast %rem3A_108 : i32 to index
        %parallel_loop3A_416 = arith.index_cast %parallel_loop3A_176 : i32 to index
        %parallel_loop3A_417 = arith.constant 176 : index
        %parallel_loop3A_418 = tpu.vector_load %arg7[%parallel_loop3A_415, %parallel_loop3A_416, %parallel_loop3A_417] {strides = array<i32>} : memref<3x32x768xf32, #tpu.memory_space<vmem>>, vector<1x1x16xf32>,
        %parallel_loop3A_419 = vector.shape_cast %parallel_loop3A_418 : vector<1x1x16xf32> to vector<16xf32>
        %parallel_loop3A_420 = vector.shape_cast %parallel_loop3A_414 : vector<16xf32> to vector<1x1x16xf32>
        tpu.vector_store %arg7[%parallel_loop3A_415, %parallel_loop3A_416, %parallel_loop3A_417], %parallel_loop3A_420 {strides = array<i32>} : memref<3x32x768xf32, #tpu.memory_space<vmem>>, vector<1x1x16xf32>,
        %parallel_loop3A_421 = arith.addf %parallel_loop3A_337, %parallel_loop3A_377 : vector<16xf32>
        %parallel_loop3A_422 = arith.index_cast %rem3A_108 : i32 to index
        %parallel_loop3A_423 = arith.index_cast %parallel_loop3A_176 : i32 to index
        %parallel_loop3A_424 = arith.constant 192 : index
        %parallel_loop3A_425 = tpu.vector_load %arg7[%parallel_loop3A_422, %parallel_loop3A_423, %parallel_loop3A_424] {strides = array<i32>} : memref<3x32x768xf32, #tpu.memory_space<vmem>>, vector<1x1x16xf32>,
        %parallel_loop3A_426 = vector.shape_cast %parallel_loop3A_425 : vector<1x1x16xf32> to vector<16xf32>
        %parallel_loop3A_427 = vector.shape_cast %parallel_loop3A_421 : vector<16xf32> to vector<1x1x16xf32>
        tpu.vector_store %arg7[%parallel_loop3A_422, %parallel_loop3A_423, %parallel_loop3A_424], %parallel_loop3A_427 {strides = array<i32>} : memref<3x32x768xf32, #tpu.memory_space<vmem>>, vector<1x1x16xf32>,
        %parallel_loop3A_428 = arith.addf %parallel_loop3A_342, %parallel_loop3A_382 : vector<16xf32>
        %parallel_loop3A_429 = arith.index_cast %rem3A_108 : i32 to index
        %parallel_loop3A_430 = arith.index_cast %parallel_loop3A_176 : i32 to index
        %parallel_loop3A_431 = arith.constant 208 : index
        %parallel_loop3A_432 = tpu.vector_load %arg7[%parallel_loop3A_429, %parallel_loop3A_430, %parallel_loop3A_431] {strides = array<i32>} : memref<3x32x768xf32, #tpu.memory_space<vmem>>, vector<1x1x16xf32>,
        %parallel_loop3A_433 = vector.shape_cast %parallel_loop3A_432 : vector<1x1x16xf32> to vector<16xf32>
        %parallel_loop3A_434 = vector.shape_cast %parallel_loop3A_428 : vector<16xf32> to vector<1x1x16xf32>
        tpu.vector_store %arg7[%parallel_loop3A_429, %parallel_loop3A_430, %parallel_loop3A_431], %parallel_loop3A_434 {strides = array<i32>} : memref<3x32x768xf32, #tpu.memory_space<vmem>>, vector<1x1x16xf32>,
        %parallel_loop3A_435 = arith.addf %parallel_loop3A_347, %parallel_loop3A_387 : vector<16xf32>
        %parallel_loop3A_436 = arith.index_cast %rem3A_108 : i32 to index
        %parallel_loop3A_437 = arith.index_cast %parallel_loop3A_176 : i32 to index
        %parallel_loop3A_438 = arith.constant 224 : index
        %parallel_loop3A_439 = tpu.vector_load %arg7[%parallel_loop3A_436, %parallel_loop3A_437, %parallel_loop3A_438] {strides = array<i32>} : memref<3x32x768xf32, #tpu.memory_space<vmem>>, vector<1x1x16xf32>,
        %parallel_loop3A_440 = vector.shape_cast %parallel_loop3A_439 : vector<1x1x16xf32> to vector<16xf32>
        %parallel_loop3A_441 = vector.shape_cast %parallel_loop3A_435 : vector<16xf32> to vector<1x1x16xf32>
        tpu.vector_store %arg7[%parallel_loop3A_436, %parallel_loop3A_437, %parallel_loop3A_438], %parallel_loop3A_441 {strides = array<i32>} : memref<3x32x768xf32, #tpu.memory_space<vmem>>, vector<1x1x16xf32>,
        %parallel_loop3A_442 = arith.addf %parallel_loop3A_352, %parallel_loop3A_392 : vector<16xf32>
        %parallel_loop3A_443 = arith.index_cast %rem3A_108 : i32 to index
        %parallel_loop3A_444 = arith.index_cast %parallel_loop3A_176 : i32 to index
        %parallel_loop3A_445 = arith.constant 240 : index
        %parallel_loop3A_446 = tpu.vector_load %arg7[%parallel_loop3A_443, %parallel_loop3A_444, %parallel_loop3A_445] {strides = array<i32>} : memref<3x32x768xf32, #tpu.memory_space<vmem>>, vector<1x1x16xf32>,
        %parallel_loop3A_447 = vector.shape_cast %parallel_loop3A_446 : vector<1x1x16xf32> to vector<16xf32>
        %parallel_loop3A_448 = vector.shape_cast %parallel_loop3A_442 : vector<16xf32> to vector<1x1x16xf32>
        tpu.vector_store %arg7[%parallel_loop3A_443, %parallel_loop3A_444, %parallel_loop3A_445], %parallel_loop3A_448 {strides = array<i32>} : memref<3x32x768xf32, #tpu.memory_space<vmem>>, vector<1x1x16xf32>,
        %parallel_loop3A_449 = arith.index_cast %rem3A_108 : i32 to index
        %parallel_loop3A_450 = arith.index_cast %parallel_loop3A_176 : i32 to index
        %parallel_loop3A_451 = arith.constant 256 : index
        %parallel_loop3A_452 = tpu.vector_load %arg7[%parallel_loop3A_449, %parallel_loop3A_450, %parallel_loop3A_451] {strides = array<i32>} : memref<3x32x768xf32, #tpu.memory_space<vmem>>, vector<1x1x16xf32>,
        %parallel_loop3A_453 = vector.shape_cast %parallel_loop3A_452 : vector<1x1x16xf32> to vector<16xf32>
        %parallel_loop3A_454 = arith.index_cast %rem3A_108 : i32 to index
        %parallel_loop3A_455 = arith.index_cast %parallel_loop3A_176 : i32 to index
        %parallel_loop3A_456 = arith.constant 272 : index
        %parallel_loop3A_457 = tpu.vector_load %arg7[%parallel_loop3A_454, %parallel_loop3A_455, %parallel_loop3A_456] {strides = array<i32>} : memref<3x32x768xf32, #tpu.memory_space<vmem>>, vector<1x1x16xf32>,
        %parallel_loop3A_458 = vector.shape_cast %parallel_loop3A_457 : vector<1x1x16xf32> to vector<16xf32>
        %parallel_loop3A_459 = arith.index_cast %rem3A_108 : i32 to index
        %parallel_loop3A_460 = arith.index_cast %parallel_loop3A_176 : i32 to index
        %parallel_loop3A_461 = arith.constant 288 : index
        %parallel_loop3A_462 = tpu.vector_load %arg7[%parallel_loop3A_459, %parallel_loop3A_460, %parallel_loop3A_461] {strides = array<i32>} : memref<3x32x768xf32, #tpu.memory_space<vmem>>, vector<1x1x16xf32>,
        %parallel_loop3A_463 = vector.shape_cast %parallel_loop3A_462 : vector<1x1x16xf32> to vector<16xf32>
        %parallel_loop3A_464 = arith.index_cast %rem3A_108 : i32 to index
        %parallel_loop3A_465 = arith.index_cast %parallel_loop3A_176 : i32 to index
        %parallel_loop3A_466 = arith.constant 304 : index
        %parallel_loop3A_467 = tpu.vector_load %arg7[%parallel_loop3A_464, %parallel_loop3A_465, %parallel_loop3A_466] {strides = array<i32>} : memref<3x32x768xf32, #tpu.memory_space<vmem>>, vector<1x1x16xf32>,
        %parallel_loop3A_468 = vector.shape_cast %parallel_loop3A_467 : vector<1x1x16xf32> to vector<16xf32>
        %parallel_loop3A_469 = arith.index_cast %rem3A_108 : i32 to index
        %parallel_loop3A_470 = arith.index_cast %parallel_loop3A_176 : i32 to index
        %parallel_loop3A_471 = arith.constant 320 : index
        %parallel_loop3A_472 = tpu.vector_load %arg7[%parallel_loop3A_469, %parallel_loop3A_470, %parallel_loop3A_471] {strides = array<i32>} : memref<3x32x768xf32, #tpu.memory_space<vmem>>, vector<1x1x16xf32>,
        %parallel_loop3A_473 = vector.shape_cast %parallel_loop3A_472 : vector<1x1x16xf32> to vector<16xf32>
        %parallel_loop3A_474 = arith.index_cast %rem3A_108 : i32 to index
        %parallel_loop3A_475 = arith.index_cast %parallel_loop3A_176 : i32 to index
        %parallel_loop3A_476 = arith.constant 336 : index
        %parallel_loop3A_477 = tpu.vector_load %arg7[%parallel_loop3A_474, %parallel_loop3A_475, %parallel_loop3A_476] {strides = array<i32>} : memref<3x32x768xf32, #tpu.memory_space<vmem>>, vector<1x1x16xf32>,
        %parallel_loop3A_478 = vector.shape_cast %parallel_loop3A_477 : vector<1x1x16xf32> to vector<16xf32>
        %parallel_loop3A_479 = arith.index_cast %rem3A_108 : i32 to index
        %parallel_loop3A_480 = arith.index_cast %parallel_loop3A_176 : i32 to index
        %parallel_loop3A_481 = arith.constant 352 : index
        %parallel_loop3A_482 = tpu.vector_load %arg7[%parallel_loop3A_479, %parallel_loop3A_480, %parallel_loop3A_481] {strides = array<i32>} : memref<3x32x768xf32, #tpu.memory_space<vmem>>, vector<1x1x16xf32>,
        %parallel_loop3A_483 = vector.shape_cast %parallel_loop3A_482 : vector<1x1x16xf32> to vector<16xf32>
        %parallel_loop3A_484 = arith.index_cast %rem3A_108 : i32 to index
        %parallel_loop3A_485 = arith.index_cast %parallel_loop3A_176 : i32 to index
        %parallel_loop3A_486 = arith.constant 368 : index
        %parallel_loop3A_487 = tpu.vector_load %arg7[%parallel_loop3A_484, %parallel_loop3A_485, %parallel_loop3A_486] {strides = array<i32>} : memref<3x32x768xf32, #tpu.memory_space<vmem>>, vector<1x1x16xf32>,
        %parallel_loop3A_488 = vector.shape_cast %parallel_loop3A_487 : vector<1x1x16xf32> to vector<16xf32>
        %parallel_loop3A_489 = arith.index_cast %rem3A_110 : i32 to index
        %parallel_loop3A_490 = arith.index_cast %parallel_loop3A_176 : i32 to index
        %parallel_loop3A_491 = arith.constant 256 : index
        %parallel_loop3A_492 = tpu.vector_load %arg8[%parallel_loop3A_489, %parallel_loop3A_490, %parallel_loop3A_491] {strides = array<i32>} : memref<2x32x768xf32, #tpu.memory_space<vmem>>, vector<1x1x16xf32>,
        %parallel_loop3A_493 = vector.shape_cast %parallel_loop3A_492 : vector<1x1x16xf32> to vector<16xf32>
        %parallel_loop3A_494 = arith.index_cast %rem3A_110 : i32 to index
        %parallel_loop3A_495 = arith.index_cast %parallel_loop3A_176 : i32 to index
        %parallel_loop3A_496 = arith.constant 272 : index
        %parallel_loop3A_497 = tpu.vector_load %arg8[%parallel_loop3A_494, %parallel_loop3A_495, %parallel_loop3A_496] {strides = array<i32>} : memref<2x32x768xf32, #tpu.memory_space<vmem>>, vector<1x1x16xf32>,
        %parallel_loop3A_498 = vector.shape_cast %parallel_loop3A_497 : vector<1x1x16xf32> to vector<16xf32>
        %parallel_loop3A_499 = arith.index_cast %rem3A_110 : i32 to index
        %parallel_loop3A_500 = arith.index_cast %parallel_loop3A_176 : i32 to index
        %parallel_loop3A_501 = arith.constant 288 : index
        %parallel_loop3A_502 = tpu.vector_load %arg8[%parallel_loop3A_499, %parallel_loop3A_500, %parallel_loop3A_501] {strides = array<i32>} : memref<2x32x768xf32, #tpu.memory_space<vmem>>, vector<1x1x16xf32>,
        %parallel_loop3A_503 = vector.shape_cast %parallel_loop3A_502 : vector<1x1x16xf32> to vector<16xf32>
        %parallel_loop3A_504 = arith.index_cast %rem3A_110 : i32 to index
        %parallel_loop3A_505 = arith.index_cast %parallel_loop3A_176 : i32 to index
        %parallel_loop3A_506 = arith.constant 304 : index
        %parallel_loop3A_507 = tpu.vector_load %arg8[%parallel_loop3A_504, %parallel_loop3A_505, %parallel_loop3A_506] {strides = array<i32>} : memref<2x32x768xf32, #tpu.memory_space<vmem>>, vector<1x1x16xf32>,
        %parallel_loop3A_508 = vector.shape_cast %parallel_loop3A_507 : vector<1x1x16xf32> to vector<16xf32>
        %parallel_loop3A_509 = arith.index_cast %rem3A_110 : i32 to index
        %parallel_loop3A_510 = arith.index_cast %parallel_loop3A_176 : i32 to index
        %parallel_loop3A_511 = arith.constant 320 : index
        %parallel_loop3A_512 = tpu.vector_load %arg8[%parallel_loop3A_509, %parallel_loop3A_510, %parallel_loop3A_511] {strides = array<i32>} : memref<2x32x768xf32, #tpu.memory_space<vmem>>, vector<1x1x16xf32>,
        %parallel_loop3A_513 = vector.shape_cast %parallel_loop3A_512 : vector<1x1x16xf32> to vector<16xf32>
        %parallel_loop3A_514 = arith.index_cast %rem3A_110 : i32 to index
        %parallel_loop3A_515 = arith.index_cast %parallel_loop3A_176 : i32 to index
        %parallel_loop3A_516 = arith.constant 336 : index
        %parallel_loop3A_517 = tpu.vector_load %arg8[%parallel_loop3A_514, %parallel_loop3A_515, %parallel_loop3A_516] {strides = array<i32>} : memref<2x32x768xf32, #tpu.memory_space<vmem>>, vector<1x1x16xf32>,
        %parallel_loop3A_518 = vector.shape_cast %parallel_loop3A_517 : vector<1x1x16xf32> to vector<16xf32>
        %parallel_loop3A_519 = arith.index_cast %rem3A_110 : i32 to index
        %parallel_loop3A_520 = arith.index_cast %parallel_loop3A_176 : i32 to index
        %parallel_loop3A_521 = arith.constant 352 : index
        %parallel_loop3A_522 = tpu.vector_load %arg8[%parallel_loop3A_519, %parallel_loop3A_520, %parallel_loop3A_521] {strides = array<i32>} : memref<2x32x768xf32, #tpu.memory_space<vmem>>, vector<1x1x16xf32>,
        %parallel_loop3A_523 = vector.shape_cast %parallel_loop3A_522 : vector<1x1x16xf32> to vector<16xf32>
        %parallel_loop3A_524 = arith.index_cast %rem3A_110 : i32 to index
        %parallel_loop3A_525 = arith.index_cast %parallel_loop3A_176 : i32 to index
        %parallel_loop3A_526 = arith.constant 368 : index
        %parallel_loop3A_527 = tpu.vector_load %arg8[%parallel_loop3A_524, %parallel_loop3A_525, %parallel_loop3A_526] {strides = array<i32>} : memref<2x32x768xf32, #tpu.memory_space<vmem>>, vector<1x1x16xf32>,
        %parallel_loop3A_528 = vector.shape_cast %parallel_loop3A_527 : vector<1x1x16xf32> to vector<16xf32>
        %parallel_loop3A_529 = arith.addf %parallel_loop3A_453, %parallel_loop3A_493 : vector<16xf32>
        %parallel_loop3A_530 = arith.index_cast %rem3A_108 : i32 to index
        %parallel_loop3A_531 = arith.index_cast %parallel_loop3A_176 : i32 to index
        %parallel_loop3A_532 = arith.constant 256 : index
        %parallel_loop3A_533 = tpu.vector_load %arg7[%parallel_loop3A_530, %parallel_loop3A_531, %parallel_loop3A_532] {strides = array<i32>} : memref<3x32x768xf32, #tpu.memory_space<vmem>>, vector<1x1x16xf32>,
        %parallel_loop3A_534 = vector.shape_cast %parallel_loop3A_533 : vector<1x1x16xf32> to vector<16xf32>
        %parallel_loop3A_535 = vector.shape_cast %parallel_loop3A_529 : vector<16xf32> to vector<1x1x16xf32>
        tpu.vector_store %arg7[%parallel_loop3A_530, %parallel_loop3A_531, %parallel_loop3A_532], %parallel_loop3A_535 {strides = array<i32>} : memref<3x32x768xf32, #tpu.memory_space<vmem>>, vector<1x1x16xf32>,
        %parallel_loop3A_536 = arith.addf %parallel_loop3A_458, %parallel_loop3A_498 : vector<16xf32>
        %parallel_loop3A_537 = arith.index_cast %rem3A_108 : i32 to index
        %parallel_loop3A_538 = arith.index_cast %parallel_loop3A_176 : i32 to index
        %parallel_loop3A_539 = arith.constant 272 : index
        %parallel_loop3A_540 = tpu.vector_load %arg7[%parallel_loop3A_537, %parallel_loop3A_538, %parallel_loop3A_539] {strides = array<i32>} : memref<3x32x768xf32, #tpu.memory_space<vmem>>, vector<1x1x16xf32>,
        %parallel_loop3A_541 = vector.shape_cast %parallel_loop3A_540 : vector<1x1x16xf32> to vector<16xf32>
        %parallel_loop3A_542 = vector.shape_cast %parallel_loop3A_536 : vector<16xf32> to vector<1x1x16xf32>
        tpu.vector_store %arg7[%parallel_loop3A_537, %parallel_loop3A_538, %parallel_loop3A_539], %parallel_loop3A_542 {strides = array<i32>} : memref<3x32x768xf32, #tpu.memory_space<vmem>>, vector<1x1x16xf32>,
        %parallel_loop3A_543 = arith.addf %parallel_loop3A_463, %parallel_loop3A_503 : vector<16xf32>
        %parallel_loop3A_544 = arith.index_cast %rem3A_108 : i32 to index
        %parallel_loop3A_545 = arith.index_cast %parallel_loop3A_176 : i32 to index
        %parallel_loop3A_546 = arith.constant 288 : index
        %parallel_loop3A_547 = tpu.vector_load %arg7[%parallel_loop3A_544, %parallel_loop3A_545, %parallel_loop3A_546] {strides = array<i32>} : memref<3x32x768xf32, #tpu.memory_space<vmem>>, vector<1x1x16xf32>,
        %parallel_loop3A_548 = vector.shape_cast %parallel_loop3A_547 : vector<1x1x16xf32> to vector<16xf32>
        %parallel_loop3A_549 = vector.shape_cast %parallel_loop3A_543 : vector<16xf32> to vector<1x1x16xf32>
        tpu.vector_store %arg7[%parallel_loop3A_544, %parallel_loop3A_545, %parallel_loop3A_546], %parallel_loop3A_549 {strides = array<i32>} : memref<3x32x768xf32, #tpu.memory_space<vmem>>, vector<1x1x16xf32>,
        %parallel_loop3A_550 = arith.addf %parallel_loop3A_468, %parallel_loop3A_508 : vector<16xf32>
        %parallel_loop3A_551 = arith.index_cast %rem3A_108 : i32 to index
        %parallel_loop3A_552 = arith.index_cast %parallel_loop3A_176 : i32 to index
        %parallel_loop3A_553 = arith.constant 304 : index
        %parallel_loop3A_554 = tpu.vector_load %arg7[%parallel_loop3A_551, %parallel_loop3A_552, %parallel_loop3A_553] {strides = array<i32>} : memref<3x32x768xf32, #tpu.memory_space<vmem>>, vector<1x1x16xf32>,
        %parallel_loop3A_555 = vector.shape_cast %parallel_loop3A_554 : vector<1x1x16xf32> to vector<16xf32>
        %parallel_loop3A_556 = vector.shape_cast %parallel_loop3A_550 : vector<16xf32> to vector<1x1x16xf32>
        tpu.vector_store %arg7[%parallel_loop3A_551, %parallel_loop3A_552, %parallel_loop3A_553], %parallel_loop3A_556 {strides = array<i32>} : memref<3x32x768xf32, #tpu.memory_space<vmem>>, vector<1x1x16xf32>,
        %parallel_loop3A_557 = arith.addf %parallel_loop3A_473, %parallel_loop3A_513 : vector<16xf32>
        %parallel_loop3A_558 = arith.index_cast %rem3A_108 : i32 to index
        %parallel_loop3A_559 = arith.index_cast %parallel_loop3A_176 : i32 to index
        %parallel_loop3A_560 = arith.constant 320 : index
        %parallel_loop3A_561 = tpu.vector_load %arg7[%parallel_loop3A_558, %parallel_loop3A_559, %parallel_loop3A_560] {strides = array<i32>} : memref<3x32x768xf32, #tpu.memory_space<vmem>>, vector<1x1x16xf32>,
        %parallel_loop3A_562 = vector.shape_cast %parallel_loop3A_561 : vector<1x1x16xf32> to vector<16xf32>
        %parallel_loop3A_563 = vector.shape_cast %parallel_loop3A_557 : vector<16xf32> to vector<1x1x16xf32>
        tpu.vector_store %arg7[%parallel_loop3A_558, %parallel_loop3A_559, %parallel_loop3A_560], %parallel_loop3A_563 {strides = array<i32>} : memref<3x32x768xf32, #tpu.memory_space<vmem>>, vector<1x1x16xf32>,
        %parallel_loop3A_564 = arith.addf %parallel_loop3A_478, %parallel_loop3A_518 : vector<16xf32>
        %parallel_loop3A_565 = arith.index_cast %rem3A_108 : i32 to index
        %parallel_loop3A_566 = arith.index_cast %parallel_loop3A_176 : i32 to index
        %parallel_loop3A_567 = arith.constant 336 : index
        %parallel_loop3A_568 = tpu.vector_load %arg7[%parallel_loop3A_565, %parallel_loop3A_566, %parallel_loop3A_567] {strides = array<i32>} : memref<3x32x768xf32, #tpu.memory_space<vmem>>, vector<1x1x16xf32>,
        %parallel_loop3A_569 = vector.shape_cast %parallel_loop3A_568 : vector<1x1x16xf32> to vector<16xf32>
        %parallel_loop3A_570 = vector.shape_cast %parallel_loop3A_564 : vector<16xf32> to vector<1x1x16xf32>
        tpu.vector_store %arg7[%parallel_loop3A_565, %parallel_loop3A_566, %parallel_loop3A_567], %parallel_loop3A_570 {strides = array<i32>} : memref<3x32x768xf32, #tpu.memory_space<vmem>>, vector<1x1x16xf32>,
        %parallel_loop3A_571 = arith.addf %parallel_loop3A_483, %parallel_loop3A_523 : vector<16xf32>
        %parallel_loop3A_572 = arith.index_cast %rem3A_108 : i32 to index
        %parallel_loop3A_573 = arith.index_cast %parallel_loop3A_176 : i32 to index
        %parallel_loop3A_574 = arith.constant 352 : index
        %parallel_loop3A_575 = tpu.vector_load %arg7[%parallel_loop3A_572, %parallel_loop3A_573, %parallel_loop3A_574] {strides = array<i32>} : memref<3x32x768xf32, #tpu.memory_space<vmem>>, vector<1x1x16xf32>,
        %parallel_loop3A_576 = vector.shape_cast %parallel_loop3A_575 : vector<1x1x16xf32> to vector<16xf32>
        %parallel_loop3A_577 = vector.shape_cast %parallel_loop3A_571 : vector<16xf32> to vector<1x1x16xf32>
        tpu.vector_store %arg7[%parallel_loop3A_572, %parallel_loop3A_573, %parallel_loop3A_574], %parallel_loop3A_577 {strides = array<i32>} : memref<3x32x768xf32, #tpu.memory_space<vmem>>, vector<1x1x16xf32>,
        %parallel_loop3A_578 = arith.addf %parallel_loop3A_488, %parallel_loop3A_528 : vector<16xf32>
        %parallel_loop3A_579 = arith.index_cast %rem3A_108 : i32 to index
        %parallel_loop3A_580 = arith.index_cast %parallel_loop3A_176 : i32 to index
        %parallel_loop3A_581 = arith.constant 368 : index
        %parallel_loop3A_582 = tpu.vector_load %arg7[%parallel_loop3A_579, %parallel_loop3A_580, %parallel_loop3A_581] {strides = array<i32>} : memref<3x32x768xf32, #tpu.memory_space<vmem>>, vector<1x1x16xf32>,
        %parallel_loop3A_583 = vector.shape_cast %parallel_loop3A_582 : vector<1x1x16xf32> to vector<16xf32>
        %parallel_loop3A_584 = vector.shape_cast %parallel_loop3A_578 : vector<16xf32> to vector<1x1x16xf32>
        tpu.vector_store %arg7[%parallel_loop3A_579, %parallel_loop3A_580, %parallel_loop3A_581], %parallel_loop3A_584 {strides = array<i32>} : memref<3x32x768xf32, #tpu.memory_space<vmem>>, vector<1x1x16xf32>,
        %parallel_loop3A_585 = arith.index_cast %rem3A_108 : i32 to index
        %parallel_loop3A_586 = arith.index_cast %parallel_loop3A_176 : i32 to index
        %parallel_loop3A_587 = arith.constant 384 : index
        %parallel_loop3A_588 = tpu.vector_load %arg7[%parallel_loop3A_585, %parallel_loop3A_586, %parallel_loop3A_587] {strides = array<i32>} : memref<3x32x768xf32, #tpu.memory_space<vmem>>, vector<1x1x16xf32>,
        %parallel_loop3A_589 = vector.shape_cast %parallel_loop3A_588 : vector<1x1x16xf32> to vector<16xf32>
        %parallel_loop3A_590 = arith.index_cast %rem3A_108 : i32 to index
        %parallel_loop3A_591 = arith.index_cast %parallel_loop3A_176 : i32 to index
        %parallel_loop3A_592 = arith.constant 400 : index
        %parallel_loop3A_593 = tpu.vector_load %arg7[%parallel_loop3A_590, %parallel_loop3A_591, %parallel_loop3A_592] {strides = array<i32>} : memref<3x32x768xf32, #tpu.memory_space<vmem>>, vector<1x1x16xf32>,
        %parallel_loop3A_594 = vector.shape_cast %parallel_loop3A_593 : vector<1x1x16xf32> to vector<16xf32>
        %parallel_loop3A_595 = arith.index_cast %rem3A_108 : i32 to index
        %parallel_loop3A_596 = arith.index_cast %parallel_loop3A_176 : i32 to index
        %parallel_loop3A_597 = arith.constant 416 : index
        %parallel_loop3A_598 = tpu.vector_load %arg7[%parallel_loop3A_595, %parallel_loop3A_596, %parallel_loop3A_597] {strides = array<i32>} : memref<3x32x768xf32, #tpu.memory_space<vmem>>, vector<1x1x16xf32>,
        %parallel_loop3A_599 = vector.shape_cast %parallel_loop3A_598 : vector<1x1x16xf32> to vector<16xf32>
        %parallel_loop3A_600 = arith.index_cast %rem3A_108 : i32 to index
        %parallel_loop3A_601 = arith.index_cast %parallel_loop3A_176 : i32 to index
        %parallel_loop3A_602 = arith.constant 432 : index
        %parallel_loop3A_603 = tpu.vector_load %arg7[%parallel_loop3A_600, %parallel_loop3A_601, %parallel_loop3A_602] {strides = array<i32>} : memref<3x32x768xf32, #tpu.memory_space<vmem>>, vector<1x1x16xf32>,
        %parallel_loop3A_604 = vector.shape_cast %parallel_loop3A_603 : vector<1x1x16xf32> to vector<16xf32>
        %parallel_loop3A_605 = arith.index_cast %rem3A_108 : i32 to index
        %parallel_loop3A_606 = arith.index_cast %parallel_loop3A_176 : i32 to index
        %parallel_loop3A_607 = arith.constant 448 : index
        %parallel_loop3A_608 = tpu.vector_load %arg7[%parallel_loop3A_605, %parallel_loop3A_606, %parallel_loop3A_607] {strides = array<i32>} : memref<3x32x768xf32, #tpu.memory_space<vmem>>, vector<1x1x16xf32>,
        %parallel_loop3A_609 = vector.shape_cast %parallel_loop3A_608 : vector<1x1x16xf32> to vector<16xf32>
        %parallel_loop3A_610 = arith.index_cast %rem3A_108 : i32 to index
        %parallel_loop3A_611 = arith.index_cast %parallel_loop3A_176 : i32 to index
        %parallel_loop3A_612 = arith.constant 464 : index
        %parallel_loop3A_613 = tpu.vector_load %arg7[%parallel_loop3A_610, %parallel_loop3A_611, %parallel_loop3A_612] {strides = array<i32>} : memref<3x32x768xf32, #tpu.memory_space<vmem>>, vector<1x1x16xf32>,
        %parallel_loop3A_614 = vector.shape_cast %parallel_loop3A_613 : vector<1x1x16xf32> to vector<16xf32>
        %parallel_loop3A_615 = arith.index_cast %rem3A_108 : i32 to index
        %parallel_loop3A_616 = arith.index_cast %parallel_loop3A_176 : i32 to index
        %parallel_loop3A_617 = arith.constant 480 : index
        %parallel_loop3A_618 = tpu.vector_load %arg7[%parallel_loop3A_615, %parallel_loop3A_616, %parallel_loop3A_617] {strides = array<i32>} : memref<3x32x768xf32, #tpu.memory_space<vmem>>, vector<1x1x16xf32>,
        %parallel_loop3A_619 = vector.shape_cast %parallel_loop3A_618 : vector<1x1x16xf32> to vector<16xf32>
        %parallel_loop3A_620 = arith.index_cast %rem3A_108 : i32 to index
        %parallel_loop3A_621 = arith.index_cast %parallel_loop3A_176 : i32 to index
        %parallel_loop3A_622 = arith.constant 496 : index
        %parallel_loop3A_623 = tpu.vector_load %arg7[%parallel_loop3A_620, %parallel_loop3A_621, %parallel_loop3A_622] {strides = array<i32>} : memref<3x32x768xf32, #tpu.memory_space<vmem>>, vector<1x1x16xf32>,
        %parallel_loop3A_624 = vector.shape_cast %parallel_loop3A_623 : vector<1x1x16xf32> to vector<16xf32>
        %parallel_loop3A_625 = arith.index_cast %rem3A_110 : i32 to index
        %parallel_loop3A_626 = arith.index_cast %parallel_loop3A_176 : i32 to index
        %parallel_loop3A_627 = arith.constant 384 : index
        %parallel_loop3A_628 = tpu.vector_load %arg8[%parallel_loop3A_625, %parallel_loop3A_626, %parallel_loop3A_627] {strides = array<i32>} : memref<2x32x768xf32, #tpu.memory_space<vmem>>, vector<1x1x16xf32>,
        %parallel_loop3A_629 = vector.shape_cast %parallel_loop3A_628 : vector<1x1x16xf32> to vector<16xf32>
        %parallel_loop3A_630 = arith.index_cast %rem3A_110 : i32 to index
        %parallel_loop3A_631 = arith.index_cast %parallel_loop3A_176 : i32 to index
        %parallel_loop3A_632 = arith.constant 400 : index
        %parallel_loop3A_633 = tpu.vector_load %arg8[%parallel_loop3A_630, %parallel_loop3A_631, %parallel_loop3A_632] {strides = array<i32>} : memref<2x32x768xf32, #tpu.memory_space<vmem>>, vector<1x1x16xf32>,
        %parallel_loop3A_634 = vector.shape_cast %parallel_loop3A_633 : vector<1x1x16xf32> to vector<16xf32>
        %parallel_loop3A_635 = arith.index_cast %rem3A_110 : i32 to index
        %parallel_loop3A_636 = arith.index_cast %parallel_loop3A_176 : i32 to index
        %parallel_loop3A_637 = arith.constant 416 : index
        %parallel_loop3A_638 = tpu.vector_load %arg8[%parallel_loop3A_635, %parallel_loop3A_636, %parallel_loop3A_637] {strides = array<i32>} : memref<2x32x768xf32, #tpu.memory_space<vmem>>, vector<1x1x16xf32>,
        %parallel_loop3A_639 = vector.shape_cast %parallel_loop3A_638 : vector<1x1x16xf32> to vector<16xf32>
        %parallel_loop3A_640 = arith.index_cast %rem3A_110 : i32 to index
        %parallel_loop3A_641 = arith.index_cast %parallel_loop3A_176 : i32 to index
        %parallel_loop3A_642 = arith.constant 432 : index
        %parallel_loop3A_643 = tpu.vector_load %arg8[%parallel_loop3A_640, %parallel_loop3A_641, %parallel_loop3A_642] {strides = array<i32>} : memref<2x32x768xf32, #tpu.memory_space<vmem>>, vector<1x1x16xf32>,
        %parallel_loop3A_644 = vector.shape_cast %parallel_loop3A_643 : vector<1x1x16xf32> to vector<16xf32>
        %parallel_loop3A_645 = arith.index_cast %rem3A_110 : i32 to index
        %parallel_loop3A_646 = arith.index_cast %parallel_loop3A_176 : i32 to index
        %parallel_loop3A_647 = arith.constant 448 : index
        %parallel_loop3A_648 = tpu.vector_load %arg8[%parallel_loop3A_645, %parallel_loop3A_646, %parallel_loop3A_647] {strides = array<i32>} : memref<2x32x768xf32, #tpu.memory_space<vmem>>, vector<1x1x16xf32>,
        %parallel_loop3A_649 = vector.shape_cast %parallel_loop3A_648 : vector<1x1x16xf32> to vector<16xf32>
        %parallel_loop3A_650 = arith.index_cast %rem3A_110 : i32 to index
        %parallel_loop3A_651 = arith.index_cast %parallel_loop3A_176 : i32 to index
        %parallel_loop3A_652 = arith.constant 464 : index
        %parallel_loop3A_653 = tpu.vector_load %arg8[%parallel_loop3A_650, %parallel_loop3A_651, %parallel_loop3A_652] {strides = array<i32>} : memref<2x32x768xf32, #tpu.memory_space<vmem>>, vector<1x1x16xf32>,
        %parallel_loop3A_654 = vector.shape_cast %parallel_loop3A_653 : vector<1x1x16xf32> to vector<16xf32>
        %parallel_loop3A_655 = arith.index_cast %rem3A_110 : i32 to index
        %parallel_loop3A_656 = arith.index_cast %parallel_loop3A_176 : i32 to index
        %parallel_loop3A_657 = arith.constant 480 : index
        %parallel_loop3A_658 = tpu.vector_load %arg8[%parallel_loop3A_655, %parallel_loop3A_656, %parallel_loop3A_657] {strides = array<i32>} : memref<2x32x768xf32, #tpu.memory_space<vmem>>, vector<1x1x16xf32>,
        %parallel_loop3A_659 = vector.shape_cast %parallel_loop3A_658 : vector<1x1x16xf32> to vector<16xf32>
        %parallel_loop3A_660 = arith.index_cast %rem3A_110 : i32 to index
        %parallel_loop3A_661 = arith.index_cast %parallel_loop3A_176 : i32 to index
        %parallel_loop3A_662 = arith.constant 496 : index
        %parallel_loop3A_663 = tpu.vector_load %arg8[%parallel_loop3A_660, %parallel_loop3A_661, %parallel_loop3A_662] {strides = array<i32>} : memref<2x32x768xf32, #tpu.memory_space<vmem>>, vector<1x1x16xf32>,
        %parallel_loop3A_664 = vector.shape_cast %parallel_loop3A_663 : vector<1x1x16xf32> to vector<16xf32>
        %parallel_loop3A_665 = arith.addf %parallel_loop3A_589, %parallel_loop3A_629 : vector<16xf32>
        %parallel_loop3A_666 = arith.index_cast %rem3A_108 : i32 to index
        %parallel_loop3A_667 = arith.index_cast %parallel_loop3A_176 : i32 to index
        %parallel_loop3A_668 = arith.constant 384 : index
        %parallel_loop3A_669 = tpu.vector_load %arg7[%parallel_loop3A_666, %parallel_loop3A_667, %parallel_loop3A_668] {strides = array<i32>} : memref<3x32x768xf32, #tpu.memory_space<vmem>>, vector<1x1x16xf32>,
        %parallel_loop3A_670 = vector.shape_cast %parallel_loop3A_669 : vector<1x1x16xf32> to vector<16xf32>
        %parallel_loop3A_671 = vector.shape_cast %parallel_loop3A_665 : vector<16xf32> to vector<1x1x16xf32>
        tpu.vector_store %arg7[%parallel_loop3A_666, %parallel_loop3A_667, %parallel_loop3A_668], %parallel_loop3A_671 {strides = array<i32>} : memref<3x32x768xf32, #tpu.memory_space<vmem>>, vector<1x1x16xf32>,
        %parallel_loop3A_672 = arith.addf %parallel_loop3A_594, %parallel_loop3A_634 : vector<16xf32>
        %parallel_loop3A_673 = arith.index_cast %rem3A_108 : i32 to index
        %parallel_loop3A_674 = arith.index_cast %parallel_loop3A_176 : i32 to index
        %parallel_loop3A_675 = arith.constant 400 : index
        %parallel_loop3A_676 = tpu.vector_load %arg7[%parallel_loop3A_673, %parallel_loop3A_674, %parallel_loop3A_675] {strides = array<i32>} : memref<3x32x768xf32, #tpu.memory_space<vmem>>, vector<1x1x16xf32>,
        %parallel_loop3A_677 = vector.shape_cast %parallel_loop3A_676 : vector<1x1x16xf32> to vector<16xf32>
        %parallel_loop3A_678 = vector.shape_cast %parallel_loop3A_672 : vector<16xf32> to vector<1x1x16xf32>
        tpu.vector_store %arg7[%parallel_loop3A_673, %parallel_loop3A_674, %parallel_loop3A_675], %parallel_loop3A_678 {strides = array<i32>} : memref<3x32x768xf32, #tpu.memory_space<vmem>>, vector<1x1x16xf32>,
        %parallel_loop3A_679 = arith.addf %parallel_loop3A_599, %parallel_loop3A_639 : vector<16xf32>
        %parallel_loop3A_680 = arith.index_cast %rem3A_108 : i32 to index
        %parallel_loop3A_681 = arith.index_cast %parallel_loop3A_176 : i32 to index
        %parallel_loop3A_682 = arith.constant 416 : index
        %parallel_loop3A_683 = tpu.vector_load %arg7[%parallel_loop3A_680, %parallel_loop3A_681, %parallel_loop3A_682] {strides = array<i32>} : memref<3x32x768xf32, #tpu.memory_space<vmem>>, vector<1x1x16xf32>,
        %parallel_loop3A_684 = vector.shape_cast %parallel_loop3A_683 : vector<1x1x16xf32> to vector<16xf32>
        %parallel_loop3A_685 = vector.shape_cast %parallel_loop3A_679 : vector<16xf32> to vector<1x1x16xf32>
        tpu.vector_store %arg7[%parallel_loop3A_680, %parallel_loop3A_681, %parallel_loop3A_682], %parallel_loop3A_685 {strides = array<i32>} : memref<3x32x768xf32, #tpu.memory_space<vmem>>, vector<1x1x16xf32>,
        %parallel_loop3A_686 = arith.addf %parallel_loop3A_604, %parallel_loop3A_644 : vector<16xf32>
        %parallel_loop3A_687 = arith.index_cast %rem3A_108 : i32 to index
        %parallel_loop3A_688 = arith.index_cast %parallel_loop3A_176 : i32 to index
        %parallel_loop3A_689 = arith.constant 432 : index
        %parallel_loop3A_690 = tpu.vector_load %arg7[%parallel_loop3A_687, %parallel_loop3A_688, %parallel_loop3A_689] {strides = array<i32>} : memref<3x32x768xf32, #tpu.memory_space<vmem>>, vector<1x1x16xf32>,
        %parallel_loop3A_691 = vector.shape_cast %parallel_loop3A_690 : vector<1x1x16xf32> to vector<16xf32>
        %parallel_loop3A_692 = vector.shape_cast %parallel_loop3A_686 : vector<16xf32> to vector<1x1x16xf32>
        tpu.vector_store %arg7[%parallel_loop3A_687, %parallel_loop3A_688, %parallel_loop3A_689], %parallel_loop3A_692 {strides = array<i32>} : memref<3x32x768xf32, #tpu.memory_space<vmem>>, vector<1x1x16xf32>,
        %parallel_loop3A_693 = arith.addf %parallel_loop3A_609, %parallel_loop3A_649 : vector<16xf32>
        %parallel_loop3A_694 = arith.index_cast %rem3A_108 : i32 to index
        %parallel_loop3A_695 = arith.index_cast %parallel_loop3A_176 : i32 to index
        %parallel_loop3A_696 = arith.constant 448 : index
        %parallel_loop3A_697 = tpu.vector_load %arg7[%parallel_loop3A_694, %parallel_loop3A_695, %parallel_loop3A_696] {strides = array<i32>} : memref<3x32x768xf32, #tpu.memory_space<vmem>>, vector<1x1x16xf32>,
        %parallel_loop3A_698 = vector.shape_cast %parallel_loop3A_697 : vector<1x1x16xf32> to vector<16xf32>
        %parallel_loop3A_699 = vector.shape_cast %parallel_loop3A_693 : vector<16xf32> to vector<1x1x16xf32>
        tpu.vector_store %arg7[%parallel_loop3A_694, %parallel_loop3A_695, %parallel_loop3A_696], %parallel_loop3A_699 {strides = array<i32>} : memref<3x32x768xf32, #tpu.memory_space<vmem>>, vector<1x1x16xf32>,
        %parallel_loop3A_700 = arith.addf %parallel_loop3A_614, %parallel_loop3A_654 : vector<16xf32>
        %parallel_loop3A_701 = arith.index_cast %rem3A_108 : i32 to index
        %parallel_loop3A_702 = arith.index_cast %parallel_loop3A_176 : i32 to index
        %parallel_loop3A_703 = arith.constant 464 : index
        %parallel_loop3A_704 = tpu.vector_load %arg7[%parallel_loop3A_701, %parallel_loop3A_702, %parallel_loop3A_703] {strides = array<i32>} : memref<3x32x768xf32, #tpu.memory_space<vmem>>, vector<1x1x16xf32>,
        %parallel_loop3A_705 = vector.shape_cast %parallel_loop3A_704 : vector<1x1x16xf32> to vector<16xf32>
        %parallel_loop3A_706 = vector.shape_cast %parallel_loop3A_700 : vector<16xf32> to vector<1x1x16xf32>
        tpu.vector_store %arg7[%parallel_loop3A_701, %parallel_loop3A_702, %parallel_loop3A_703], %parallel_loop3A_706 {strides = array<i32>} : memref<3x32x768xf32, #tpu.memory_space<vmem>>, vector<1x1x16xf32>,
        %parallel_loop3A_707 = arith.addf %parallel_loop3A_619, %parallel_loop3A_659 : vector<16xf32>
        %parallel_loop3A_708 = arith.index_cast %rem3A_108 : i32 to index
        %parallel_loop3A_709 = arith.index_cast %parallel_loop3A_176 : i32 to index
        %parallel_loop3A_710 = arith.constant 480 : index
        %parallel_loop3A_711 = tpu.vector_load %arg7[%parallel_loop3A_708, %parallel_loop3A_709, %parallel_loop3A_710] {strides = array<i32>} : memref<3x32x768xf32, #tpu.memory_space<vmem>>, vector<1x1x16xf32>,
        %parallel_loop3A_712 = vector.shape_cast %parallel_loop3A_711 : vector<1x1x16xf32> to vector<16xf32>
        %parallel_loop3A_713 = vector.shape_cast %parallel_loop3A_707 : vector<16xf32> to vector<1x1x16xf32>
        tpu.vector_store %arg7[%parallel_loop3A_708, %parallel_loop3A_709, %parallel_loop3A_710], %parallel_loop3A_713 {strides = array<i32>} : memref<3x32x768xf32, #tpu.memory_space<vmem>>, vector<1x1x16xf32>,
        %parallel_loop3A_714 = arith.addf %parallel_loop3A_624, %parallel_loop3A_664 : vector<16xf32>
        %parallel_loop3A_715 = arith.index_cast %rem3A_108 : i32 to index
        %parallel_loop3A_716 = arith.index_cast %parallel_loop3A_176 : i32 to index
        %parallel_loop3A_717 = arith.constant 496 : index
        %parallel_loop3A_718 = tpu.vector_load %arg7[%parallel_loop3A_715, %parallel_loop3A_716, %parallel_loop3A_717] {strides = array<i32>} : memref<3x32x768xf32, #tpu.memory_space<vmem>>, vector<1x1x16xf32>,
        %parallel_loop3A_719 = vector.shape_cast %parallel_loop3A_718 : vector<1x1x16xf32> to vector<16xf32>
        %parallel_loop3A_720 = vector.shape_cast %parallel_loop3A_714 : vector<16xf32> to vector<1x1x16xf32>
        tpu.vector_store %arg7[%parallel_loop3A_715, %parallel_loop3A_716, %parallel_loop3A_717], %parallel_loop3A_720 {strides = array<i32>} : memref<3x32x768xf32, #tpu.memory_space<vmem>>, vector<1x1x16xf32>,
        %parallel_loop3A_721 = arith.index_cast %rem3A_108 : i32 to index
        %parallel_loop3A_722 = arith.index_cast %parallel_loop3A_176 : i32 to index
        %parallel_loop3A_723 = arith.constant 512 : index
        %parallel_loop3A_724 = tpu.vector_load %arg7[%parallel_loop3A_721, %parallel_loop3A_722, %parallel_loop3A_723] {strides = array<i32>} : memref<3x32x768xf32, #tpu.memory_space<vmem>>, vector<1x1x16xf32>,
        %parallel_loop3A_725 = vector.shape_cast %parallel_loop3A_724 : vector<1x1x16xf32> to vector<16xf32>
        %parallel_loop3A_726 = arith.index_cast %rem3A_108 : i32 to index
        %parallel_loop3A_727 = arith.index_cast %parallel_loop3A_176 : i32 to index
        %parallel_loop3A_728 = arith.constant 528 : index
        %parallel_loop3A_729 = tpu.vector_load %arg7[%parallel_loop3A_726, %parallel_loop3A_727, %parallel_loop3A_728] {strides = array<i32>} : memref<3x32x768xf32, #tpu.memory_space<vmem>>, vector<1x1x16xf32>,
        %parallel_loop3A_730 = vector.shape_cast %parallel_loop3A_729 : vector<1x1x16xf32> to vector<16xf32>
        %parallel_loop3A_731 = arith.index_cast %rem3A_108 : i32 to index
        %parallel_loop3A_732 = arith.index_cast %parallel_loop3A_176 : i32 to index
        %parallel_loop3A_733 = arith.constant 544 : index
        %parallel_loop3A_734 = tpu.vector_load %arg7[%parallel_loop3A_731, %parallel_loop3A_732, %parallel_loop3A_733] {strides = array<i32>} : memref<3x32x768xf32, #tpu.memory_space<vmem>>, vector<1x1x16xf32>,
        %parallel_loop3A_735 = vector.shape_cast %parallel_loop3A_734 : vector<1x1x16xf32> to vector<16xf32>
        %parallel_loop3A_736 = arith.index_cast %rem3A_108 : i32 to index
        %parallel_loop3A_737 = arith.index_cast %parallel_loop3A_176 : i32 to index
        %parallel_loop3A_738 = arith.constant 560 : index
        %parallel_loop3A_739 = tpu.vector_load %arg7[%parallel_loop3A_736, %parallel_loop3A_737, %parallel_loop3A_738] {strides = array<i32>} : memref<3x32x768xf32, #tpu.memory_space<vmem>>, vector<1x1x16xf32>,
        %parallel_loop3A_740 = vector.shape_cast %parallel_loop3A_739 : vector<1x1x16xf32> to vector<16xf32>
        %parallel_loop3A_741 = arith.index_cast %rem3A_108 : i32 to index
        %parallel_loop3A_742 = arith.index_cast %parallel_loop3A_176 : i32 to index
        %parallel_loop3A_743 = arith.constant 576 : index
        %parallel_loop3A_744 = tpu.vector_load %arg7[%parallel_loop3A_741, %parallel_loop3A_742, %parallel_loop3A_743] {strides = array<i32>} : memref<3x32x768xf32, #tpu.memory_space<vmem>>, vector<1x1x16xf32>,
        %parallel_loop3A_745 = vector.shape_cast %parallel_loop3A_744 : vector<1x1x16xf32> to vector<16xf32>
        %parallel_loop3A_746 = arith.index_cast %rem3A_108 : i32 to index
        %parallel_loop3A_747 = arith.index_cast %parallel_loop3A_176 : i32 to index
        %parallel_loop3A_748 = arith.constant 592 : index
        %parallel_loop3A_749 = tpu.vector_load %arg7[%parallel_loop3A_746, %parallel_loop3A_747, %parallel_loop3A_748] {strides = array<i32>} : memref<3x32x768xf32, #tpu.memory_space<vmem>>, vector<1x1x16xf32>,
        %parallel_loop3A_750 = vector.shape_cast %parallel_loop3A_749 : vector<1x1x16xf32> to vector<16xf32>
        %parallel_loop3A_751 = arith.index_cast %rem3A_108 : i32 to index
        %parallel_loop3A_752 = arith.index_cast %parallel_loop3A_176 : i32 to index
        %parallel_loop3A_753 = arith.constant 608 : index
        %parallel_loop3A_754 = tpu.vector_load %arg7[%parallel_loop3A_751, %parallel_loop3A_752, %parallel_loop3A_753] {strides = array<i32>} : memref<3x32x768xf32, #tpu.memory_space<vmem>>, vector<1x1x16xf32>,
        %parallel_loop3A_755 = vector.shape_cast %parallel_loop3A_754 : vector<1x1x16xf32> to vector<16xf32>
        %parallel_loop3A_756 = arith.index_cast %rem3A_108 : i32 to index
        %parallel_loop3A_757 = arith.index_cast %parallel_loop3A_176 : i32 to index
        %parallel_loop3A_758 = arith.constant 624 : index
        %parallel_loop3A_759 = tpu.vector_load %arg7[%parallel_loop3A_756, %parallel_loop3A_757, %parallel_loop3A_758] {strides = array<i32>} : memref<3x32x768xf32, #tpu.memory_space<vmem>>, vector<1x1x16xf32>,
        %parallel_loop3A_760 = vector.shape_cast %parallel_loop3A_759 : vector<1x1x16xf32> to vector<16xf32>
        %parallel_loop3A_761 = arith.index_cast %rem3A_110 : i32 to index
        %parallel_loop3A_762 = arith.index_cast %parallel_loop3A_176 : i32 to index
        %parallel_loop3A_763 = arith.constant 512 : index
        %parallel_loop3A_764 = tpu.vector_load %arg8[%parallel_loop3A_761, %parallel_loop3A_762, %parallel_loop3A_763] {strides = array<i32>} : memref<2x32x768xf32, #tpu.memory_space<vmem>>, vector<1x1x16xf32>,
        %parallel_loop3A_765 = vector.shape_cast %parallel_loop3A_764 : vector<1x1x16xf32> to vector<16xf32>
        %parallel_loop3A_766 = arith.index_cast %rem3A_110 : i32 to index
        %parallel_loop3A_767 = arith.index_cast %parallel_loop3A_176 : i32 to index
        %parallel_loop3A_768 = arith.constant 528 : index
        %parallel_loop3A_769 = tpu.vector_load %arg8[%parallel_loop3A_766, %parallel_loop3A_767, %parallel_loop3A_768] {strides = array<i32>} : memref<2x32x768xf32, #tpu.memory_space<vmem>>, vector<1x1x16xf32>,
        %parallel_loop3A_770 = vector.shape_cast %parallel_loop3A_769 : vector<1x1x16xf32> to vector<16xf32>
        %parallel_loop3A_771 = arith.index_cast %rem3A_110 : i32 to index
        %parallel_loop3A_772 = arith.index_cast %parallel_loop3A_176 : i32 to index
        %parallel_loop3A_773 = arith.constant 544 : index
        %parallel_loop3A_774 = tpu.vector_load %arg8[%parallel_loop3A_771, %parallel_loop3A_772, %parallel_loop3A_773] {strides = array<i32>} : memref<2x32x768xf32, #tpu.memory_space<vmem>>, vector<1x1x16xf32>,
        %parallel_loop3A_775 = vector.shape_cast %parallel_loop3A_774 : vector<1x1x16xf32> to vector<16xf32>
        %parallel_loop3A_776 = arith.index_cast %rem3A_110 : i32 to index
        %parallel_loop3A_777 = arith.index_cast %parallel_loop3A_176 : i32 to index
        %parallel_loop3A_778 = arith.constant 560 : index
        %parallel_loop3A_779 = tpu.vector_load %arg8[%parallel_loop3A_776, %parallel_loop3A_777, %parallel_loop3A_778] {strides = array<i32>} : memref<2x32x768xf32, #tpu.memory_space<vmem>>, vector<1x1x16xf32>,
        %parallel_loop3A_780 = vector.shape_cast %parallel_loop3A_779 : vector<1x1x16xf32> to vector<16xf32>
        %parallel_loop3A_781 = arith.index_cast %rem3A_110 : i32 to index
        %parallel_loop3A_782 = arith.index_cast %parallel_loop3A_176 : i32 to index
        %parallel_loop3A_783 = arith.constant 576 : index
        %parallel_loop3A_784 = tpu.vector_load %arg8[%parallel_loop3A_781, %parallel_loop3A_782, %parallel_loop3A_783] {strides = array<i32>} : memref<2x32x768xf32, #tpu.memory_space<vmem>>, vector<1x1x16xf32>,
        %parallel_loop3A_785 = vector.shape_cast %parallel_loop3A_784 : vector<1x1x16xf32> to vector<16xf32>
        %parallel_loop3A_786 = arith.index_cast %rem3A_110 : i32 to index
        %parallel_loop3A_787 = arith.index_cast %parallel_loop3A_176 : i32 to index
        %parallel_loop3A_788 = arith.constant 592 : index
        %parallel_loop3A_789 = tpu.vector_load %arg8[%parallel_loop3A_786, %parallel_loop3A_787, %parallel_loop3A_788] {strides = array<i32>} : memref<2x32x768xf32, #tpu.memory_space<vmem>>, vector<1x1x16xf32>,
        %parallel_loop3A_790 = vector.shape_cast %parallel_loop3A_789 : vector<1x1x16xf32> to vector<16xf32>
        %parallel_loop3A_791 = arith.index_cast %rem3A_110 : i32 to index
        %parallel_loop3A_792 = arith.index_cast %parallel_loop3A_176 : i32 to index
        %parallel_loop3A_793 = arith.constant 608 : index
        %parallel_loop3A_794 = tpu.vector_load %arg8[%parallel_loop3A_791, %parallel_loop3A_792, %parallel_loop3A_793] {strides = array<i32>} : memref<2x32x768xf32, #tpu.memory_space<vmem>>, vector<1x1x16xf32>,
        %parallel_loop3A_795 = vector.shape_cast %parallel_loop3A_794 : vector<1x1x16xf32> to vector<16xf32>
        %parallel_loop3A_796 = arith.index_cast %rem3A_110 : i32 to index
        %parallel_loop3A_797 = arith.index_cast %parallel_loop3A_176 : i32 to index
        %parallel_loop3A_798 = arith.constant 624 : index
        %parallel_loop3A_799 = tpu.vector_load %arg8[%parallel_loop3A_796, %parallel_loop3A_797, %parallel_loop3A_798] {strides = array<i32>} : memref<2x32x768xf32, #tpu.memory_space<vmem>>, vector<1x1x16xf32>,
        %parallel_loop3A_800 = vector.shape_cast %parallel_loop3A_799 : vector<1x1x16xf32> to vector<16xf32>
        %parallel_loop3A_801 = arith.addf %parallel_loop3A_725, %parallel_loop3A_765 : vector<16xf32>
        %parallel_loop3A_802 = arith.index_cast %rem3A_108 : i32 to index
        %parallel_loop3A_803 = arith.index_cast %parallel_loop3A_176 : i32 to index
        %parallel_loop3A_804 = arith.constant 512 : index
        %parallel_loop3A_805 = tpu.vector_load %arg7[%parallel_loop3A_802, %parallel_loop3A_803, %parallel_loop3A_804] {strides = array<i32>} : memref<3x32x768xf32, #tpu.memory_space<vmem>>, vector<1x1x16xf32>,
        %parallel_loop3A_806 = vector.shape_cast %parallel_loop3A_805 : vector<1x1x16xf32> to vector<16xf32>
        %parallel_loop3A_807 = vector.shape_cast %parallel_loop3A_801 : vector<16xf32> to vector<1x1x16xf32>
        tpu.vector_store %arg7[%parallel_loop3A_802, %parallel_loop3A_803, %parallel_loop3A_804], %parallel_loop3A_807 {strides = array<i32>} : memref<3x32x768xf32, #tpu.memory_space<vmem>>, vector<1x1x16xf32>,
        %parallel_loop3A_808 = arith.addf %parallel_loop3A_730, %parallel_loop3A_770 : vector<16xf32>
        %parallel_loop3A_809 = arith.index_cast %rem3A_108 : i32 to index
        %parallel_loop3A_810 = arith.index_cast %parallel_loop3A_176 : i32 to index
        %parallel_loop3A_811 = arith.constant 528 : index
        %parallel_loop3A_812 = tpu.vector_load %arg7[%parallel_loop3A_809, %parallel_loop3A_810, %parallel_loop3A_811] {strides = array<i32>} : memref<3x32x768xf32, #tpu.memory_space<vmem>>, vector<1x1x16xf32>,
        %parallel_loop3A_813 = vector.shape_cast %parallel_loop3A_812 : vector<1x1x16xf32> to vector<16xf32>
        %parallel_loop3A_814 = vector.shape_cast %parallel_loop3A_808 : vector<16xf32> to vector<1x1x16xf32>
        tpu.vector_store %arg7[%parallel_loop3A_809, %parallel_loop3A_810, %parallel_loop3A_811], %parallel_loop3A_814 {strides = array<i32>} : memref<3x32x768xf32, #tpu.memory_space<vmem>>, vector<1x1x16xf32>,
        %parallel_loop3A_815 = arith.addf %parallel_loop3A_735, %parallel_loop3A_775 : vector<16xf32>
        %parallel_loop3A_816 = arith.index_cast %rem3A_108 : i32 to index
        %parallel_loop3A_817 = arith.index_cast %parallel_loop3A_176 : i32 to index
        %parallel_loop3A_818 = arith.constant 544 : index
        %parallel_loop3A_819 = tpu.vector_load %arg7[%parallel_loop3A_816, %parallel_loop3A_817, %parallel_loop3A_818] {strides = array<i32>} : memref<3x32x768xf32, #tpu.memory_space<vmem>>, vector<1x1x16xf32>,
        %parallel_loop3A_820 = vector.shape_cast %parallel_loop3A_819 : vector<1x1x16xf32> to vector<16xf32>
        %parallel_loop3A_821 = vector.shape_cast %parallel_loop3A_815 : vector<16xf32> to vector<1x1x16xf32>
        tpu.vector_store %arg7[%parallel_loop3A_816, %parallel_loop3A_817, %parallel_loop3A_818], %parallel_loop3A_821 {strides = array<i32>} : memref<3x32x768xf32, #tpu.memory_space<vmem>>, vector<1x1x16xf32>,
        %parallel_loop3A_822 = arith.addf %parallel_loop3A_740, %parallel_loop3A_780 : vector<16xf32>
        %parallel_loop3A_823 = arith.index_cast %rem3A_108 : i32 to index
        %parallel_loop3A_824 = arith.index_cast %parallel_loop3A_176 : i32 to index
        %parallel_loop3A_825 = arith.constant 560 : index
        %parallel_loop3A_826 = tpu.vector_load %arg7[%parallel_loop3A_823, %parallel_loop3A_824, %parallel_loop3A_825] {strides = array<i32>} : memref<3x32x768xf32, #tpu.memory_space<vmem>>, vector<1x1x16xf32>,
        %parallel_loop3A_827 = vector.shape_cast %parallel_loop3A_826 : vector<1x1x16xf32> to vector<16xf32>
        %parallel_loop3A_828 = vector.shape_cast %parallel_loop3A_822 : vector<16xf32> to vector<1x1x16xf32>
        tpu.vector_store %arg7[%parallel_loop3A_823, %parallel_loop3A_824, %parallel_loop3A_825], %parallel_loop3A_828 {strides = array<i32>} : memref<3x32x768xf32, #tpu.memory_space<vmem>>, vector<1x1x16xf32>,
        %parallel_loop3A_829 = arith.addf %parallel_loop3A_745, %parallel_loop3A_785 : vector<16xf32>
        %parallel_loop3A_830 = arith.index_cast %rem3A_108 : i32 to index
        %parallel_loop3A_831 = arith.index_cast %parallel_loop3A_176 : i32 to index
        %parallel_loop3A_832 = arith.constant 576 : index
        %parallel_loop3A_833 = tpu.vector_load %arg7[%parallel_loop3A_830, %parallel_loop3A_831, %parallel_loop3A_832] {strides = array<i32>} : memref<3x32x768xf32, #tpu.memory_space<vmem>>, vector<1x1x16xf32>,
        %parallel_loop3A_834 = vector.shape_cast %parallel_loop3A_833 : vector<1x1x16xf32> to vector<16xf32>
        %parallel_loop3A_835 = vector.shape_cast %parallel_loop3A_829 : vector<16xf32> to vector<1x1x16xf32>
        tpu.vector_store %arg7[%parallel_loop3A_830, %parallel_loop3A_831, %parallel_loop3A_832], %parallel_loop3A_835 {strides = array<i32>} : memref<3x32x768xf32, #tpu.memory_space<vmem>>, vector<1x1x16xf32>,
        %parallel_loop3A_836 = arith.addf %parallel_loop3A_750, %parallel_loop3A_790 : vector<16xf32>
        %parallel_loop3A_837 = arith.index_cast %rem3A_108 : i32 to index
        %parallel_loop3A_838 = arith.index_cast %parallel_loop3A_176 : i32 to index
        %parallel_loop3A_839 = arith.constant 592 : index
        %parallel_loop3A_840 = tpu.vector_load %arg7[%parallel_loop3A_837, %parallel_loop3A_838, %parallel_loop3A_839] {strides = array<i32>} : memref<3x32x768xf32, #tpu.memory_space<vmem>>, vector<1x1x16xf32>,
        %parallel_loop3A_841 = vector.shape_cast %parallel_loop3A_840 : vector<1x1x16xf32> to vector<16xf32>
        %parallel_loop3A_842 = vector.shape_cast %parallel_loop3A_836 : vector<16xf32> to vector<1x1x16xf32>
        tpu.vector_store %arg7[%parallel_loop3A_837, %parallel_loop3A_838, %parallel_loop3A_839], %parallel_loop3A_842 {strides = array<i32>} : memref<3x32x768xf32, #tpu.memory_space<vmem>>, vector<1x1x16xf32>,
        %parallel_loop3A_843 = arith.addf %parallel_loop3A_755, %parallel_loop3A_795 : vector<16xf32>
        %parallel_loop3A_844 = arith.index_cast %rem3A_108 : i32 to index
        %parallel_loop3A_845 = arith.index_cast %parallel_loop3A_176 : i32 to index
        %parallel_loop3A_846 = arith.constant 608 : index
        %parallel_loop3A_847 = tpu.vector_load %arg7[%parallel_loop3A_844, %parallel_loop3A_845, %parallel_loop3A_846] {strides = array<i32>} : memref<3x32x768xf32, #tpu.memory_space<vmem>>, vector<1x1x16xf32>,
        %parallel_loop3A_848 = vector.shape_cast %parallel_loop3A_847 : vector<1x1x16xf32> to vector<16xf32>
        %parallel_loop3A_849 = vector.shape_cast %parallel_loop3A_843 : vector<16xf32> to vector<1x1x16xf32>
        tpu.vector_store %arg7[%parallel_loop3A_844, %parallel_loop3A_845, %parallel_loop3A_846], %parallel_loop3A_849 {strides = array<i32>} : memref<3x32x768xf32, #tpu.memory_space<vmem>>, vector<1x1x16xf32>,
        %parallel_loop3A_850 = arith.addf %parallel_loop3A_760, %parallel_loop3A_800 : vector<16xf32>
        %parallel_loop3A_851 = arith.index_cast %rem3A_108 : i32 to index
        %parallel_loop3A_852 = arith.index_cast %parallel_loop3A_176 : i32 to index
        %parallel_loop3A_853 = arith.constant 624 : index
        %parallel_loop3A_854 = tpu.vector_load %arg7[%parallel_loop3A_851, %parallel_loop3A_852, %parallel_loop3A_853] {strides = array<i32>} : memref<3x32x768xf32, #tpu.memory_space<vmem>>, vector<1x1x16xf32>,
        %parallel_loop3A_855 = vector.shape_cast %parallel_loop3A_854 : vector<1x1x16xf32> to vector<16xf32>
        %parallel_loop3A_856 = vector.shape_cast %parallel_loop3A_850 : vector<16xf32> to vector<1x1x16xf32>
        tpu.vector_store %arg7[%parallel_loop3A_851, %parallel_loop3A_852, %parallel_loop3A_853], %parallel_loop3A_856 {strides = array<i32>} : memref<3x32x768xf32, #tpu.memory_space<vmem>>, vector<1x1x16xf32>,
        %parallel_loop3A_857 = arith.index_cast %rem3A_108 : i32 to index
        %parallel_loop3A_858 = arith.index_cast %parallel_loop3A_176 : i32 to index
        %parallel_loop3A_859 = arith.constant 640 : index
        %parallel_loop3A_860 = tpu.vector_load %arg7[%parallel_loop3A_857, %parallel_loop3A_858, %parallel_loop3A_859] {strides = array<i32>} : memref<3x32x768xf32, #tpu.memory_space<vmem>>, vector<1x1x16xf32>,
        %parallel_loop3A_861 = vector.shape_cast %parallel_loop3A_860 : vector<1x1x16xf32> to vector<16xf32>
        %parallel_loop3A_862 = arith.index_cast %rem3A_108 : i32 to index
        %parallel_loop3A_863 = arith.index_cast %parallel_loop3A_176 : i32 to index
        %parallel_loop3A_864 = arith.constant 656 : index
        %parallel_loop3A_865 = tpu.vector_load %arg7[%parallel_loop3A_862, %parallel_loop3A_863, %parallel_loop3A_864] {strides = array<i32>} : memref<3x32x768xf32, #tpu.memory_space<vmem>>, vector<1x1x16xf32>,
        %parallel_loop3A_866 = vector.shape_cast %parallel_loop3A_865 : vector<1x1x16xf32> to vector<16xf32>
        %parallel_loop3A_867 = arith.index_cast %rem3A_108 : i32 to index
        %parallel_loop3A_868 = arith.index_cast %parallel_loop3A_176 : i32 to index
        %parallel_loop3A_869 = arith.constant 672 : index
        %parallel_loop3A_870 = tpu.vector_load %arg7[%parallel_loop3A_867, %parallel_loop3A_868, %parallel_loop3A_869] {strides = array<i32>} : memref<3x32x768xf32, #tpu.memory_space<vmem>>, vector<1x1x16xf32>,
        %parallel_loop3A_871 = vector.shape_cast %parallel_loop3A_870 : vector<1x1x16xf32> to vector<16xf32>
        %parallel_loop3A_872 = arith.index_cast %rem3A_108 : i32 to index
        %parallel_loop3A_873 = arith.index_cast %parallel_loop3A_176 : i32 to index
        %parallel_loop3A_874 = arith.constant 688 : index
        %parallel_loop3A_875 = tpu.vector_load %arg7[%parallel_loop3A_872, %parallel_loop3A_873, %parallel_loop3A_874] {strides = array<i32>} : memref<3x32x768xf32, #tpu.memory_space<vmem>>, vector<1x1x16xf32>,
        %parallel_loop3A_876 = vector.shape_cast %parallel_loop3A_875 : vector<1x1x16xf32> to vector<16xf32>
        %parallel_loop3A_877 = arith.index_cast %rem3A_108 : i32 to index
        %parallel_loop3A_878 = arith.index_cast %parallel_loop3A_176 : i32 to index
        %parallel_loop3A_879 = arith.constant 704 : index
        %parallel_loop3A_880 = tpu.vector_load %arg7[%parallel_loop3A_877, %parallel_loop3A_878, %parallel_loop3A_879] {strides = array<i32>} : memref<3x32x768xf32, #tpu.memory_space<vmem>>, vector<1x1x16xf32>,
        %parallel_loop3A_881 = vector.shape_cast %parallel_loop3A_880 : vector<1x1x16xf32> to vector<16xf32>
        %parallel_loop3A_882 = arith.index_cast %rem3A_108 : i32 to index
        %parallel_loop3A_883 = arith.index_cast %parallel_loop3A_176 : i32 to index
        %parallel_loop3A_884 = arith.constant 720 : index
        %parallel_loop3A_885 = tpu.vector_load %arg7[%parallel_loop3A_882, %parallel_loop3A_883, %parallel_loop3A_884] {strides = array<i32>} : memref<3x32x768xf32, #tpu.memory_space<vmem>>, vector<1x1x16xf32>,
        %parallel_loop3A_886 = vector.shape_cast %parallel_loop3A_885 : vector<1x1x16xf32> to vector<16xf32>
        %parallel_loop3A_887 = arith.index_cast %rem3A_108 : i32 to index
        %parallel_loop3A_888 = arith.index_cast %parallel_loop3A_176 : i32 to index
        %parallel_loop3A_889 = arith.constant 736 : index
        %parallel_loop3A_890 = tpu.vector_load %arg7[%parallel_loop3A_887, %parallel_loop3A_888, %parallel_loop3A_889] {strides = array<i32>} : memref<3x32x768xf32, #tpu.memory_space<vmem>>, vector<1x1x16xf32>,
        %parallel_loop3A_891 = vector.shape_cast %parallel_loop3A_890 : vector<1x1x16xf32> to vector<16xf32>
        %parallel_loop3A_892 = arith.index_cast %rem3A_108 : i32 to index
        %parallel_loop3A_893 = arith.index_cast %parallel_loop3A_176 : i32 to index
        %parallel_loop3A_894 = arith.constant 752 : index
        %parallel_loop3A_895 = tpu.vector_load %arg7[%parallel_loop3A_892, %parallel_loop3A_893, %parallel_loop3A_894] {strides = array<i32>} : memref<3x32x768xf32, #tpu.memory_space<vmem>>, vector<1x1x16xf32>,
        %parallel_loop3A_896 = vector.shape_cast %parallel_loop3A_895 : vector<1x1x16xf32> to vector<16xf32>
        %parallel_loop3A_897 = arith.index_cast %rem3A_110 : i32 to index
        %parallel_loop3A_898 = arith.index_cast %parallel_loop3A_176 : i32 to index
        %parallel_loop3A_899 = arith.constant 640 : index
        %parallel_loop3A_900 = tpu.vector_load %arg8[%parallel_loop3A_897, %parallel_loop3A_898, %parallel_loop3A_899] {strides = array<i32>} : memref<2x32x768xf32, #tpu.memory_space<vmem>>, vector<1x1x16xf32>,
        %parallel_loop3A_901 = vector.shape_cast %parallel_loop3A_900 : vector<1x1x16xf32> to vector<16xf32>
        %parallel_loop3A_902 = arith.index_cast %rem3A_110 : i32 to index
        %parallel_loop3A_903 = arith.index_cast %parallel_loop3A_176 : i32 to index
        %parallel_loop3A_904 = arith.constant 656 : index
        %parallel_loop3A_905 = tpu.vector_load %arg8[%parallel_loop3A_902, %parallel_loop3A_903, %parallel_loop3A_904] {strides = array<i32>} : memref<2x32x768xf32, #tpu.memory_space<vmem>>, vector<1x1x16xf32>,
        %parallel_loop3A_906 = vector.shape_cast %parallel_loop3A_905 : vector<1x1x16xf32> to vector<16xf32>
        %parallel_loop3A_907 = arith.index_cast %rem3A_110 : i32 to index
        %parallel_loop3A_908 = arith.index_cast %parallel_loop3A_176 : i32 to index
        %parallel_loop3A_909 = arith.constant 672 : index
        %parallel_loop3A_910 = tpu.vector_load %arg8[%parallel_loop3A_907, %parallel_loop3A_908, %parallel_loop3A_909] {strides = array<i32>} : memref<2x32x768xf32, #tpu.memory_space<vmem>>, vector<1x1x16xf32>,
        %parallel_loop3A_911 = vector.shape_cast %parallel_loop3A_910 : vector<1x1x16xf32> to vector<16xf32>
        %parallel_loop3A_912 = arith.index_cast %rem3A_110 : i32 to index
        %parallel_loop3A_913 = arith.index_cast %parallel_loop3A_176 : i32 to index
        %parallel_loop3A_914 = arith.constant 688 : index
        %parallel_loop3A_915 = tpu.vector_load %arg8[%parallel_loop3A_912, %parallel_loop3A_913, %parallel_loop3A_914] {strides = array<i32>} : memref<2x32x768xf32, #tpu.memory_space<vmem>>, vector<1x1x16xf32>,
        %parallel_loop3A_916 = vector.shape_cast %parallel_loop3A_915 : vector<1x1x16xf32> to vector<16xf32>
        %parallel_loop3A_917 = arith.index_cast %rem3A_110 : i32 to index
        %parallel_loop3A_918 = arith.index_cast %parallel_loop3A_176 : i32 to index
        %parallel_loop3A_919 = arith.constant 704 : index
        %parallel_loop3A_920 = tpu.vector_load %arg8[%parallel_loop3A_917, %parallel_loop3A_918, %parallel_loop3A_919] {strides = array<i32>} : memref<2x32x768xf32, #tpu.memory_space<vmem>>, vector<1x1x16xf32>,
        %parallel_loop3A_921 = vector.shape_cast %parallel_loop3A_920 : vector<1x1x16xf32> to vector<16xf32>
        %parallel_loop3A_922 = arith.index_cast %rem3A_110 : i32 to index
        %parallel_loop3A_923 = arith.index_cast %parallel_loop3A_176 : i32 to index
        %parallel_loop3A_924 = arith.constant 720 : index
        %parallel_loop3A_925 = tpu.vector_load %arg8[%parallel_loop3A_922, %parallel_loop3A_923, %parallel_loop3A_924] {strides = array<i32>} : memref<2x32x768xf32, #tpu.memory_space<vmem>>, vector<1x1x16xf32>,
        %parallel_loop3A_926 = vector.shape_cast %parallel_loop3A_925 : vector<1x1x16xf32> to vector<16xf32>
        %parallel_loop3A_927 = arith.index_cast %rem3A_110 : i32 to index
        %parallel_loop3A_928 = arith.index_cast %parallel_loop3A_176 : i32 to index
        %parallel_loop3A_929 = arith.constant 736 : index
        %parallel_loop3A_930 = tpu.vector_load %arg8[%parallel_loop3A_927, %parallel_loop3A_928, %parallel_loop3A_929] {strides = array<i32>} : memref<2x32x768xf32, #tpu.memory_space<vmem>>, vector<1x1x16xf32>,
        %parallel_loop3A_931 = vector.shape_cast %parallel_loop3A_930 : vector<1x1x16xf32> to vector<16xf32>
        %parallel_loop3A_932 = arith.index_cast %rem3A_110 : i32 to index
        %parallel_loop3A_933 = arith.index_cast %parallel_loop3A_176 : i32 to index
        %parallel_loop3A_934 = arith.constant 752 : index
        %parallel_loop3A_935 = tpu.vector_load %arg8[%parallel_loop3A_932, %parallel_loop3A_933, %parallel_loop3A_934] {strides = array<i32>} : memref<2x32x768xf32, #tpu.memory_space<vmem>>, vector<1x1x16xf32>,
        %parallel_loop3A_936 = vector.shape_cast %parallel_loop3A_935 : vector<1x1x16xf32> to vector<16xf32>
        %parallel_loop3A_937 = arith.addf %parallel_loop3A_861, %parallel_loop3A_901 : vector<16xf32>
        %parallel_loop3A_938 = arith.index_cast %rem3A_108 : i32 to index
        %parallel_loop3A_939 = arith.index_cast %parallel_loop3A_176 : i32 to index
        %parallel_loop3A_940 = arith.constant 640 : index
        %parallel_loop3A_941 = tpu.vector_load %arg7[%parallel_loop3A_938, %parallel_loop3A_939, %parallel_loop3A_940] {strides = array<i32>} : memref<3x32x768xf32, #tpu.memory_space<vmem>>, vector<1x1x16xf32>,
        %parallel_loop3A_942 = vector.shape_cast %parallel_loop3A_941 : vector<1x1x16xf32> to vector<16xf32>
        %parallel_loop3A_943 = vector.shape_cast %parallel_loop3A_937 : vector<16xf32> to vector<1x1x16xf32>
        tpu.vector_store %arg7[%parallel_loop3A_938, %parallel_loop3A_939, %parallel_loop3A_940], %parallel_loop3A_943 {strides = array<i32>} : memref<3x32x768xf32, #tpu.memory_space<vmem>>, vector<1x1x16xf32>,
        %parallel_loop3A_944 = arith.addf %parallel_loop3A_866, %parallel_loop3A_906 : vector<16xf32>
        %parallel_loop3A_945 = arith.index_cast %rem3A_108 : i32 to index
        %parallel_loop3A_946 = arith.index_cast %parallel_loop3A_176 : i32 to index
        %parallel_loop3A_947 = arith.constant 656 : index
        %parallel_loop3A_948 = tpu.vector_load %arg7[%parallel_loop3A_945, %parallel_loop3A_946, %parallel_loop3A_947] {strides = array<i32>} : memref<3x32x768xf32, #tpu.memory_space<vmem>>, vector<1x1x16xf32>,
        %parallel_loop3A_949 = vector.shape_cast %parallel_loop3A_948 : vector<1x1x16xf32> to vector<16xf32>
        %parallel_loop3A_950 = vector.shape_cast %parallel_loop3A_944 : vector<16xf32> to vector<1x1x16xf32>
        tpu.vector_store %arg7[%parallel_loop3A_945, %parallel_loop3A_946, %parallel_loop3A_947], %parallel_loop3A_950 {strides = array<i32>} : memref<3x32x768xf32, #tpu.memory_space<vmem>>, vector<1x1x16xf32>,
        %parallel_loop3A_951 = arith.addf %parallel_loop3A_871, %parallel_loop3A_911 : vector<16xf32>
        %parallel_loop3A_952 = arith.index_cast %rem3A_108 : i32 to index
        %parallel_loop3A_953 = arith.index_cast %parallel_loop3A_176 : i32 to index
        %parallel_loop3A_954 = arith.constant 672 : index
        %parallel_loop3A_955 = tpu.vector_load %arg7[%parallel_loop3A_952, %parallel_loop3A_953, %parallel_loop3A_954] {strides = array<i32>} : memref<3x32x768xf32, #tpu.memory_space<vmem>>, vector<1x1x16xf32>,
        %parallel_loop3A_956 = vector.shape_cast %parallel_loop3A_955 : vector<1x1x16xf32> to vector<16xf32>
        %parallel_loop3A_957 = vector.shape_cast %parallel_loop3A_951 : vector<16xf32> to vector<1x1x16xf32>
        tpu.vector_store %arg7[%parallel_loop3A_952, %parallel_loop3A_953, %parallel_loop3A_954], %parallel_loop3A_957 {strides = array<i32>} : memref<3x32x768xf32, #tpu.memory_space<vmem>>, vector<1x1x16xf32>,
        %parallel_loop3A_958 = arith.addf %parallel_loop3A_876, %parallel_loop3A_916 : vector<16xf32>
        %parallel_loop3A_959 = arith.index_cast %rem3A_108 : i32 to index
        %parallel_loop3A_960 = arith.index_cast %parallel_loop3A_176 : i32 to index
        %parallel_loop3A_961 = arith.constant 688 : index
        %parallel_loop3A_962 = tpu.vector_load %arg7[%parallel_loop3A_959, %parallel_loop3A_960, %parallel_loop3A_961] {strides = array<i32>} : memref<3x32x768xf32, #tpu.memory_space<vmem>>, vector<1x1x16xf32>,
        %parallel_loop3A_963 = vector.shape_cast %parallel_loop3A_962 : vector<1x1x16xf32> to vector<16xf32>
        %parallel_loop3A_964 = vector.shape_cast %parallel_loop3A_958 : vector<16xf32> to vector<1x1x16xf32>
        tpu.vector_store %arg7[%parallel_loop3A_959, %parallel_loop3A_960, %parallel_loop3A_961], %parallel_loop3A_964 {strides = array<i32>} : memref<3x32x768xf32, #tpu.memory_space<vmem>>, vector<1x1x16xf32>,
        %parallel_loop3A_965 = arith.addf %parallel_loop3A_881, %parallel_loop3A_921 : vector<16xf32>
        %parallel_loop3A_966 = arith.index_cast %rem3A_108 : i32 to index
        %parallel_loop3A_967 = arith.index_cast %parallel_loop3A_176 : i32 to index
        %parallel_loop3A_968 = arith.constant 704 : index
        %parallel_loop3A_969 = tpu.vector_load %arg7[%parallel_loop3A_966, %parallel_loop3A_967, %parallel_loop3A_968] {strides = array<i32>} : memref<3x32x768xf32, #tpu.memory_space<vmem>>, vector<1x1x16xf32>,
        %parallel_loop3A_970 = vector.shape_cast %parallel_loop3A_969 : vector<1x1x16xf32> to vector<16xf32>
        %parallel_loop3A_971 = vector.shape_cast %parallel_loop3A_965 : vector<16xf32> to vector<1x1x16xf32>
        tpu.vector_store %arg7[%parallel_loop3A_966, %parallel_loop3A_967, %parallel_loop3A_968], %parallel_loop3A_971 {strides = array<i32>} : memref<3x32x768xf32, #tpu.memory_space<vmem>>, vector<1x1x16xf32>,
        %parallel_loop3A_972 = arith.addf %parallel_loop3A_886, %parallel_loop3A_926 : vector<16xf32>
        %parallel_loop3A_973 = arith.index_cast %rem3A_108 : i32 to index
        %parallel_loop3A_974 = arith.index_cast %parallel_loop3A_176 : i32 to index
        %parallel_loop3A_975 = arith.constant 720 : index
        %parallel_loop3A_976 = tpu.vector_load %arg7[%parallel_loop3A_973, %parallel_loop3A_974, %parallel_loop3A_975] {strides = array<i32>} : memref<3x32x768xf32, #tpu.memory_space<vmem>>, vector<1x1x16xf32>,
        %parallel_loop3A_977 = vector.shape_cast %parallel_loop3A_976 : vector<1x1x16xf32> to vector<16xf32>
        %parallel_loop3A_978 = vector.shape_cast %parallel_loop3A_972 : vector<16xf32> to vector<1x1x16xf32>
        tpu.vector_store %arg7[%parallel_loop3A_973, %parallel_loop3A_974, %parallel_loop3A_975], %parallel_loop3A_978 {strides = array<i32>} : memref<3x32x768xf32, #tpu.memory_space<vmem>>, vector<1x1x16xf32>,
        %parallel_loop3A_979 = arith.addf %parallel_loop3A_891, %parallel_loop3A_931 : vector<16xf32>
        %parallel_loop3A_980 = arith.index_cast %rem3A_108 : i32 to index
        %parallel_loop3A_981 = arith.index_cast %parallel_loop3A_176 : i32 to index
        %parallel_loop3A_982 = arith.constant 736 : index
        %parallel_loop3A_983 = tpu.vector_load %arg7[%parallel_loop3A_980, %parallel_loop3A_981, %parallel_loop3A_982] {strides = array<i32>} : memref<3x32x768xf32, #tpu.memory_space<vmem>>, vector<1x1x16xf32>,
        %parallel_loop3A_984 = vector.shape_cast %parallel_loop3A_983 : vector<1x1x16xf32> to vector<16xf32>
        %parallel_loop3A_985 = vector.shape_cast %parallel_loop3A_979 : vector<16xf32> to vector<1x1x16xf32>
        tpu.vector_store %arg7[%parallel_loop3A_980, %parallel_loop3A_981, %parallel_loop3A_982], %parallel_loop3A_985 {strides = array<i32>} : memref<3x32x768xf32, #tpu.memory_space<vmem>>, vector<1x1x16xf32>,
        %parallel_loop3A_986 = arith.addf %parallel_loop3A_896, %parallel_loop3A_936 : vector<16xf32>
        %parallel_loop3A_987 = arith.index_cast %rem3A_108 : i32 to index
        %parallel_loop3A_988 = arith.index_cast %parallel_loop3A_176 : i32 to index
        %parallel_loop3A_989 = arith.constant 752 : index
        %parallel_loop3A_990 = tpu.vector_load %arg7[%parallel_loop3A_987, %parallel_loop3A_988, %parallel_loop3A_989] {strides = array<i32>} : memref<3x32x768xf32, #tpu.memory_space<vmem>>, vector<1x1x16xf32>,
        %parallel_loop3A_991 = vector.shape_cast %parallel_loop3A_990 : vector<1x1x16xf32> to vector<16xf32>
        %parallel_loop3A_992 = vector.shape_cast %parallel_loop3A_986 : vector<16xf32> to vector<1x1x16xf32>
        tpu.vector_store %arg7[%parallel_loop3A_987, %parallel_loop3A_988, %parallel_loop3A_989], %parallel_loop3A_992 {strides = array<i32>} : memref<3x32x768xf32, #tpu.memory_space<vmem>>, vector<1x1x16xf32>,
      } {sc.loop_unroll_factor = 2 : i64, sc.parallel_access}
      %add3A_137 = arith.constant 0 : i32
      %add3A_138 = arith.addi %add3A_134, %add3A_137 : i32
      %dma_start3A_139 = arith.constant 0 : i32
      %dma_start3A_140 = arith.constant 0 : i32
      %dma_start3A_141 = tpu.memref_slice %arg7[%rem3A_108, %dma_start3A_139, %dma_start3A_140] : memref<3x32x768xf32, #tpu.memory_space<vmem>> -> memref<1x16x768xf32, #tpu.memory_space<vmem>>
      %dma_start3A_142 = tpu.memref_squeeze %dma_start3A_141 : memref<1x16x768xf32, #tpu.memory_space<vmem>> -> memref<16x768xf32, #tpu.memory_space<vmem>>
      %dma_start3A_143 = arith.constant 0 : i32
      %dma_start3A_144 = tpu.memref_slice %arg5[%rem3A_106, %add3A_138, %dma_start3A_143] : memref<4x8192x768xf32, #tpu.memory_space<hbm>> -> memref<1x16x768xf32, #tpu.memory_space<hbm>>
      %dma_start3A_145 = tpu.memref_squeeze %dma_start3A_144 : memref<1x16x768xf32, #tpu.memory_space<hbm>> -> memref<16x768xf32, #tpu.memory_space<hbm>>
      %dma_start3A_146 = tpu.memref_slice %arg11[%rem3A_108] : memref<3x!tpu.dma_semaphore, #tpu.memory_space<semaphore_mem>> -> memref<1x!tpu.dma_semaphore, #tpu.memory_space<semaphore_mem>>
      %dma_start3A_147 = tpu.memref_squeeze %dma_start3A_146 : memref<1x!tpu.dma_semaphore, #tpu.memory_space<semaphore_mem>> -> memref<!tpu.dma_semaphore, #tpu.memory_space<semaphore_mem>>
      %dma_start3A_148 = arith.constant 0 : i32
      %dma_start3A_149 = tpu.memref_slice %arg5[%rem3A_106, %add3A_138, %dma_start3A_148] : memref<4x8192x768xf32, #tpu.memory_space<hbm>> -> memref<1x16x768xf32, #tpu.memory_space<hbm>>
      %dma_start3A_150 = tpu.memref_squeeze %dma_start3A_149 : memref<1x16x768xf32, #tpu.memory_space<hbm>> -> memref<16x768xf32, #tpu.memory_space<hbm>>
      %dma_start3A_151 = arith.constant 0 : i32
      %dma_start3A_152 = arith.constant 0 : i32
      %dma_start3A_153 = tpu.memref_slice %arg7[%rem3A_108, %dma_start3A_151, %dma_start3A_152] : memref<3x32x768xf32, #tpu.memory_space<vmem>> -> memref<1x16x768xf32, #tpu.memory_space<vmem>>
      %dma_start3A_154 = tpu.memref_squeeze %dma_start3A_153 : memref<1x16x768xf32, #tpu.memory_space<vmem>> -> memref<16x768xf32, #tpu.memory_space<vmem>>
      tpu.enqueue_dma source(%dma_start3A_154 : memref<16x768xf32, #tpu.memory_space<vmem>>) target(%dma_start3A_150 : memref<16x768xf32, #tpu.memory_space<hbm>>) target_semaphore(%dma_start3A_147 : memref<!tpu.dma_semaphore, #tpu.memory_space<semaphore_mem>>)
      %parallel_loop3A_155 = arith.constant 16 : i32
      %parallel_loop3A_156 = arith.constant 32 : i32
      %parallel_loop3A_157 = arith.constant 1 : i32
      scf.for %parallel_loop3A_176 = %parallel_loop3A_155 to %parallel_loop3A_156 step %parallel_loop3A_157  : i32 {
        %parallel_loop3A_177 = arith.index_cast %rem3A_108 : i32 to index
        %parallel_loop3A_178 = arith.index_cast %parallel_loop3A_176 : i32 to index
        %parallel_loop3A_179 = arith.constant 0 : index
        %parallel_loop3A_180 = tpu.vector_load %arg7[%parallel_loop3A_177, %parallel_loop3A_178, %parallel_loop3A_179] {strides = array<i32>} : memref<3x32x768xf32, #tpu.memory_space<vmem>>, vector<1x1x16xf32>,
        %parallel_loop3A_181 = vector.shape_cast %parallel_loop3A_180 : vector<1x1x16xf32> to vector<16xf32>
        %parallel_loop3A_182 = arith.index_cast %rem3A_108 : i32 to index
        %parallel_loop3A_183 = arith.index_cast %parallel_loop3A_176 : i32 to index
        %parallel_loop3A_184 = arith.constant 16 : index
        %parallel_loop3A_185 = tpu.vector_load %arg7[%parallel_loop3A_182, %parallel_loop3A_183, %parallel_loop3A_184] {strides = array<i32>} : memref<3x32x768xf32, #tpu.memory_space<vmem>>, vector<1x1x16xf32>,
        %parallel_loop3A_186 = vector.shape_cast %parallel_loop3A_185 : vector<1x1x16xf32> to vector<16xf32>
        %parallel_loop3A_187 = arith.index_cast %rem3A_108 : i32 to index
        %parallel_loop3A_188 = arith.index_cast %parallel_loop3A_176 : i32 to index
        %parallel_loop3A_189 = arith.constant 32 : index
        %parallel_loop3A_190 = tpu.vector_load %arg7[%parallel_loop3A_187, %parallel_loop3A_188, %parallel_loop3A_189] {strides = array<i32>} : memref<3x32x768xf32, #tpu.memory_space<vmem>>, vector<1x1x16xf32>,
        %parallel_loop3A_191 = vector.shape_cast %parallel_loop3A_190 : vector<1x1x16xf32> to vector<16xf32>
        %parallel_loop3A_192 = arith.index_cast %rem3A_108 : i32 to index
        %parallel_loop3A_193 = arith.index_cast %parallel_loop3A_176 : i32 to index
        %parallel_loop3A_194 = arith.constant 48 : index
        %parallel_loop3A_195 = tpu.vector_load %arg7[%parallel_loop3A_192, %parallel_loop3A_193, %parallel_loop3A_194] {strides = array<i32>} : memref<3x32x768xf32, #tpu.memory_space<vmem>>, vector<1x1x16xf32>,
        %parallel_loop3A_196 = vector.shape_cast %parallel_loop3A_195 : vector<1x1x16xf32> to vector<16xf32>
        %parallel_loop3A_197 = arith.index_cast %rem3A_108 : i32 to index
        %parallel_loop3A_198 = arith.index_cast %parallel_loop3A_176 : i32 to index
        %parallel_loop3A_199 = arith.constant 64 : index
        %parallel_loop3A_200 = tpu.vector_load %arg7[%parallel_loop3A_197, %parallel_loop3A_198, %parallel_loop3A_199] {strides = array<i32>} : memref<3x32x768xf32, #tpu.memory_space<vmem>>, vector<1x1x16xf32>,
        %parallel_loop3A_201 = vector.shape_cast %parallel_loop3A_200 : vector<1x1x16xf32> to vector<16xf32>
        %parallel_loop3A_202 = arith.index_cast %rem3A_108 : i32 to index
        %parallel_loop3A_203 = arith.index_cast %parallel_loop3A_176 : i32 to index
        %parallel_loop3A_204 = arith.constant 80 : index
        %parallel_loop3A_205 = tpu.vector_load %arg7[%parallel_loop3A_202, %parallel_loop3A_203, %parallel_loop3A_204] {strides = array<i32>} : memref<3x32x768xf32, #tpu.memory_space<vmem>>, vector<1x1x16xf32>,
        %parallel_loop3A_206 = vector.shape_cast %parallel_loop3A_205 : vector<1x1x16xf32> to vector<16xf32>
        %parallel_loop3A_207 = arith.index_cast %rem3A_108 : i32 to index
        %parallel_loop3A_208 = arith.index_cast %parallel_loop3A_176 : i32 to index
        %parallel_loop3A_209 = arith.constant 96 : index
        %parallel_loop3A_210 = tpu.vector_load %arg7[%parallel_loop3A_207, %parallel_loop3A_208, %parallel_loop3A_209] {strides = array<i32>} : memref<3x32x768xf32, #tpu.memory_space<vmem>>, vector<1x1x16xf32>,
        %parallel_loop3A_211 = vector.shape_cast %parallel_loop3A_210 : vector<1x1x16xf32> to vector<16xf32>
        %parallel_loop3A_212 = arith.index_cast %rem3A_108 : i32 to index
        %parallel_loop3A_213 = arith.index_cast %parallel_loop3A_176 : i32 to index
        %parallel_loop3A_214 = arith.constant 112 : index
        %parallel_loop3A_215 = tpu.vector_load %arg7[%parallel_loop3A_212, %parallel_loop3A_213, %parallel_loop3A_214] {strides = array<i32>} : memref<3x32x768xf32, #tpu.memory_space<vmem>>, vector<1x1x16xf32>,
        %parallel_loop3A_216 = vector.shape_cast %parallel_loop3A_215 : vector<1x1x16xf32> to vector<16xf32>
        %parallel_loop3A_217 = arith.index_cast %rem3A_110 : i32 to index
        %parallel_loop3A_218 = arith.index_cast %parallel_loop3A_176 : i32 to index
        %parallel_loop3A_219 = arith.constant 0 : index
        %parallel_loop3A_220 = tpu.vector_load %arg8[%parallel_loop3A_217, %parallel_loop3A_218, %parallel_loop3A_219] {strides = array<i32>} : memref<2x32x768xf32, #tpu.memory_space<vmem>>, vector<1x1x16xf32>,
        %parallel_loop3A_221 = vector.shape_cast %parallel_loop3A_220 : vector<1x1x16xf32> to vector<16xf32>
        %parallel_loop3A_222 = arith.index_cast %rem3A_110 : i32 to index
        %parallel_loop3A_223 = arith.index_cast %parallel_loop3A_176 : i32 to index
        %parallel_loop3A_224 = arith.constant 16 : index
        %parallel_loop3A_225 = tpu.vector_load %arg8[%parallel_loop3A_222, %parallel_loop3A_223, %parallel_loop3A_224] {strides = array<i32>} : memref<2x32x768xf32, #tpu.memory_space<vmem>>, vector<1x1x16xf32>,
        %parallel_loop3A_226 = vector.shape_cast %parallel_loop3A_225 : vector<1x1x16xf32> to vector<16xf32>
        %parallel_loop3A_227 = arith.index_cast %rem3A_110 : i32 to index
        %parallel_loop3A_228 = arith.index_cast %parallel_loop3A_176 : i32 to index
        %parallel_loop3A_229 = arith.constant 32 : index
        %parallel_loop3A_230 = tpu.vector_load %arg8[%parallel_loop3A_227, %parallel_loop3A_228, %parallel_loop3A_229] {strides = array<i32>} : memref<2x32x768xf32, #tpu.memory_space<vmem>>, vector<1x1x16xf32>,
        %parallel_loop3A_231 = vector.shape_cast %parallel_loop3A_230 : vector<1x1x16xf32> to vector<16xf32>
        %parallel_loop3A_232 = arith.index_cast %rem3A_110 : i32 to index
        %parallel_loop3A_233 = arith.index_cast %parallel_loop3A_176 : i32 to index
        %parallel_loop3A_234 = arith.constant 48 : index
        %parallel_loop3A_235 = tpu.vector_load %arg8[%parallel_loop3A_232, %parallel_loop3A_233, %parallel_loop3A_234] {strides = array<i32>} : memref<2x32x768xf32, #tpu.memory_space<vmem>>, vector<1x1x16xf32>,
        %parallel_loop3A_236 = vector.shape_cast %parallel_loop3A_235 : vector<1x1x16xf32> to vector<16xf32>
        %parallel_loop3A_237 = arith.index_cast %rem3A_110 : i32 to index
        %parallel_loop3A_238 = arith.index_cast %parallel_loop3A_176 : i32 to index
        %parallel_loop3A_239 = arith.constant 64 : index
        %parallel_loop3A_240 = tpu.vector_load %arg8[%parallel_loop3A_237, %parallel_loop3A_238, %parallel_loop3A_239] {strides = array<i32>} : memref<2x32x768xf32, #tpu.memory_space<vmem>>, vector<1x1x16xf32>,
        %parallel_loop3A_241 = vector.shape_cast %parallel_loop3A_240 : vector<1x1x16xf32> to vector<16xf32>
        %parallel_loop3A_242 = arith.index_cast %rem3A_110 : i32 to index
        %parallel_loop3A_243 = arith.index_cast %parallel_loop3A_176 : i32 to index
        %parallel_loop3A_244 = arith.constant 80 : index
        %parallel_loop3A_245 = tpu.vector_load %arg8[%parallel_loop3A_242, %parallel_loop3A_243, %parallel_loop3A_244] {strides = array<i32>} : memref<2x32x768xf32, #tpu.memory_space<vmem>>, vector<1x1x16xf32>,
        %parallel_loop3A_246 = vector.shape_cast %parallel_loop3A_245 : vector<1x1x16xf32> to vector<16xf32>
        %parallel_loop3A_247 = arith.index_cast %rem3A_110 : i32 to index
        %parallel_loop3A_248 = arith.index_cast %parallel_loop3A_176 : i32 to index
        %parallel_loop3A_249 = arith.constant 96 : index
        %parallel_loop3A_250 = tpu.vector_load %arg8[%parallel_loop3A_247, %parallel_loop3A_248, %parallel_loop3A_249] {strides = array<i32>} : memref<2x32x768xf32, #tpu.memory_space<vmem>>, vector<1x1x16xf32>,
        %parallel_loop3A_251 = vector.shape_cast %parallel_loop3A_250 : vector<1x1x16xf32> to vector<16xf32>
        %parallel_loop3A_252 = arith.index_cast %rem3A_110 : i32 to index
        %parallel_loop3A_253 = arith.index_cast %parallel_loop3A_176 : i32 to index
        %parallel_loop3A_254 = arith.constant 112 : index
        %parallel_loop3A_255 = tpu.vector_load %arg8[%parallel_loop3A_252, %parallel_loop3A_253, %parallel_loop3A_254] {strides = array<i32>} : memref<2x32x768xf32, #tpu.memory_space<vmem>>, vector<1x1x16xf32>,
        %parallel_loop3A_256 = vector.shape_cast %parallel_loop3A_255 : vector<1x1x16xf32> to vector<16xf32>
        %parallel_loop3A_257 = arith.addf %parallel_loop3A_181, %parallel_loop3A_221 : vector<16xf32>
        %parallel_loop3A_258 = arith.index_cast %rem3A_108 : i32 to index
        %parallel_loop3A_259 = arith.index_cast %parallel_loop3A_176 : i32 to index
        %parallel_loop3A_260 = arith.constant 0 : index
        %parallel_loop3A_261 = tpu.vector_load %arg7[%parallel_loop3A_258, %parallel_loop3A_259, %parallel_loop3A_260] {strides = array<i32>} : memref<3x32x768xf32, #tpu.memory_space<vmem>>, vector<1x1x16xf32>,
        %parallel_loop3A_262 = vector.shape_cast %parallel_loop3A_261 : vector<1x1x16xf32> to vector<16xf32>
        %parallel_loop3A_263 = vector.shape_cast %parallel_loop3A_257 : vector<16xf32> to vector<1x1x16xf32>
        tpu.vector_store %arg7[%parallel_loop3A_258, %parallel_loop3A_259, %parallel_loop3A_260], %parallel_loop3A_263 {strides = array<i32>} : memref<3x32x768xf32, #tpu.memory_space<vmem>>, vector<1x1x16xf32>,
        %parallel_loop3A_264 = arith.addf %parallel_loop3A_186, %parallel_loop3A_226 : vector<16xf32>
        %parallel_loop3A_265 = arith.index_cast %rem3A_108 : i32 to index
        %parallel_loop3A_266 = arith.index_cast %parallel_loop3A_176 : i32 to index
        %parallel_loop3A_267 = arith.constant 16 : index
        %parallel_loop3A_268 = tpu.vector_load %arg7[%parallel_loop3A_265, %parallel_loop3A_266, %parallel_loop3A_267] {strides = array<i32>} : memref<3x32x768xf32, #tpu.memory_space<vmem>>, vector<1x1x16xf32>,
        %parallel_loop3A_269 = vector.shape_cast %parallel_loop3A_268 : vector<1x1x16xf32> to vector<16xf32>
        %parallel_loop3A_270 = vector.shape_cast %parallel_loop3A_264 : vector<16xf32> to vector<1x1x16xf32>
        tpu.vector_store %arg7[%parallel_loop3A_265, %parallel_loop3A_266, %parallel_loop3A_267], %parallel_loop3A_270 {strides = array<i32>} : memref<3x32x768xf32, #tpu.memory_space<vmem>>, vector<1x1x16xf32>,
        %parallel_loop3A_271 = arith.addf %parallel_loop3A_191, %parallel_loop3A_231 : vector<16xf32>
        %parallel_loop3A_272 = arith.index_cast %rem3A_108 : i32 to index
        %parallel_loop3A_273 = arith.index_cast %parallel_loop3A_176 : i32 to index
        %parallel_loop3A_274 = arith.constant 32 : index
        %parallel_loop3A_275 = tpu.vector_load %arg7[%parallel_loop3A_272, %parallel_loop3A_273, %parallel_loop3A_274] {strides = array<i32>} : memref<3x32x768xf32, #tpu.memory_space<vmem>>, vector<1x1x16xf32>,
        %parallel_loop3A_276 = vector.shape_cast %parallel_loop3A_275 : vector<1x1x16xf32> to vector<16xf32>
        %parallel_loop3A_277 = vector.shape_cast %parallel_loop3A_271 : vector<16xf32> to vector<1x1x16xf32>
        tpu.vector_store %arg7[%parallel_loop3A_272, %parallel_loop3A_273, %parallel_loop3A_274], %parallel_loop3A_277 {strides = array<i32>} : memref<3x32x768xf32, #tpu.memory_space<vmem>>, vector<1x1x16xf32>,
        %parallel_loop3A_278 = arith.addf %parallel_loop3A_196, %parallel_loop3A_236 : vector<16xf32>
        %parallel_loop3A_279 = arith.index_cast %rem3A_108 : i32 to index
        %parallel_loop3A_280 = arith.index_cast %parallel_loop3A_176 : i32 to index
        %parallel_loop3A_281 = arith.constant 48 : index
        %parallel_loop3A_282 = tpu.vector_load %arg7[%parallel_loop3A_279, %parallel_loop3A_280, %parallel_loop3A_281] {strides = array<i32>} : memref<3x32x768xf32, #tpu.memory_space<vmem>>, vector<1x1x16xf32>,
        %parallel_loop3A_283 = vector.shape_cast %parallel_loop3A_282 : vector<1x1x16xf32> to vector<16xf32>
        %parallel_loop3A_284 = vector.shape_cast %parallel_loop3A_278 : vector<16xf32> to vector<1x1x16xf32>
        tpu.vector_store %arg7[%parallel_loop3A_279, %parallel_loop3A_280, %parallel_loop3A_281], %parallel_loop3A_284 {strides = array<i32>} : memref<3x32x768xf32, #tpu.memory_space<vmem>>, vector<1x1x16xf32>,
        %parallel_loop3A_285 = arith.addf %parallel_loop3A_201, %parallel_loop3A_241 : vector<16xf32>
        %parallel_loop3A_286 = arith.index_cast %rem3A_108 : i32 to index
        %parallel_loop3A_287 = arith.index_cast %parallel_loop3A_176 : i32 to index
        %parallel_loop3A_288 = arith.constant 64 : index
        %parallel_loop3A_289 = tpu.vector_load %arg7[%parallel_loop3A_286, %parallel_loop3A_287, %parallel_loop3A_288] {strides = array<i32>} : memref<3x32x768xf32, #tpu.memory_space<vmem>>, vector<1x1x16xf32>,
        %parallel_loop3A_290 = vector.shape_cast %parallel_loop3A_289 : vector<1x1x16xf32> to vector<16xf32>
        %parallel_loop3A_291 = vector.shape_cast %parallel_loop3A_285 : vector<16xf32> to vector<1x1x16xf32>
        tpu.vector_store %arg7[%parallel_loop3A_286, %parallel_loop3A_287, %parallel_loop3A_288], %parallel_loop3A_291 {strides = array<i32>} : memref<3x32x768xf32, #tpu.memory_space<vmem>>, vector<1x1x16xf32>,
        %parallel_loop3A_292 = arith.addf %parallel_loop3A_206, %parallel_loop3A_246 : vector<16xf32>
        %parallel_loop3A_293 = arith.index_cast %rem3A_108 : i32 to index
        %parallel_loop3A_294 = arith.index_cast %parallel_loop3A_176 : i32 to index
        %parallel_loop3A_295 = arith.constant 80 : index
        %parallel_loop3A_296 = tpu.vector_load %arg7[%parallel_loop3A_293, %parallel_loop3A_294, %parallel_loop3A_295] {strides = array<i32>} : memref<3x32x768xf32, #tpu.memory_space<vmem>>, vector<1x1x16xf32>,
        %parallel_loop3A_297 = vector.shape_cast %parallel_loop3A_296 : vector<1x1x16xf32> to vector<16xf32>
        %parallel_loop3A_298 = vector.shape_cast %parallel_loop3A_292 : vector<16xf32> to vector<1x1x16xf32>
        tpu.vector_store %arg7[%parallel_loop3A_293, %parallel_loop3A_294, %parallel_loop3A_295], %parallel_loop3A_298 {strides = array<i32>} : memref<3x32x768xf32, #tpu.memory_space<vmem>>, vector<1x1x16xf32>,
        %parallel_loop3A_299 = arith.addf %parallel_loop3A_211, %parallel_loop3A_251 : vector<16xf32>
        %parallel_loop3A_300 = arith.index_cast %rem3A_108 : i32 to index
        %parallel_loop3A_301 = arith.index_cast %parallel_loop3A_176 : i32 to index
        %parallel_loop3A_302 = arith.constant 96 : index
        %parallel_loop3A_303 = tpu.vector_load %arg7[%parallel_loop3A_300, %parallel_loop3A_301, %parallel_loop3A_302] {strides = array<i32>} : memref<3x32x768xf32, #tpu.memory_space<vmem>>, vector<1x1x16xf32>,
        %parallel_loop3A_304 = vector.shape_cast %parallel_loop3A_303 : vector<1x1x16xf32> to vector<16xf32>
        %parallel_loop3A_305 = vector.shape_cast %parallel_loop3A_299 : vector<16xf32> to vector<1x1x16xf32>
        tpu.vector_store %arg7[%parallel_loop3A_300, %parallel_loop3A_301, %parallel_loop3A_302], %parallel_loop3A_305 {strides = array<i32>} : memref<3x32x768xf32, #tpu.memory_space<vmem>>, vector<1x1x16xf32>,
        %parallel_loop3A_306 = arith.addf %parallel_loop3A_216, %parallel_loop3A_256 : vector<16xf32>
        %parallel_loop3A_307 = arith.index_cast %rem3A_108 : i32 to index
        %parallel_loop3A_308 = arith.index_cast %parallel_loop3A_176 : i32 to index
        %parallel_loop3A_309 = arith.constant 112 : index
        %parallel_loop3A_310 = tpu.vector_load %arg7[%parallel_loop3A_307, %parallel_loop3A_308, %parallel_loop3A_309] {strides = array<i32>} : memref<3x32x768xf32, #tpu.memory_space<vmem>>, vector<1x1x16xf32>,
        %parallel_loop3A_311 = vector.shape_cast %parallel_loop3A_310 : vector<1x1x16xf32> to vector<16xf32>
        %parallel_loop3A_312 = vector.shape_cast %parallel_loop3A_306 : vector<16xf32> to vector<1x1x16xf32>
        tpu.vector_store %arg7[%parallel_loop3A_307, %parallel_loop3A_308, %parallel_loop3A_309], %parallel_loop3A_312 {strides = array<i32>} : memref<3x32x768xf32, #tpu.memory_space<vmem>>, vector<1x1x16xf32>,
        %parallel_loop3A_313 = arith.index_cast %rem3A_108 : i32 to index
        %parallel_loop3A_314 = arith.index_cast %parallel_loop3A_176 : i32 to index
        %parallel_loop3A_315 = arith.constant 128 : index
        %parallel_loop3A_316 = tpu.vector_load %arg7[%parallel_loop3A_313, %parallel_loop3A_314, %parallel_loop3A_315] {strides = array<i32>} : memref<3x32x768xf32, #tpu.memory_space<vmem>>, vector<1x1x16xf32>,
        %parallel_loop3A_317 = vector.shape_cast %parallel_loop3A_316 : vector<1x1x16xf32> to vector<16xf32>
        %parallel_loop3A_318 = arith.index_cast %rem3A_108 : i32 to index
        %parallel_loop3A_319 = arith.index_cast %parallel_loop3A_176 : i32 to index
        %parallel_loop3A_320 = arith.constant 144 : index
        %parallel_loop3A_321 = tpu.vector_load %arg7[%parallel_loop3A_318, %parallel_loop3A_319, %parallel_loop3A_320] {strides = array<i32>} : memref<3x32x768xf32, #tpu.memory_space<vmem>>, vector<1x1x16xf32>,
        %parallel_loop3A_322 = vector.shape_cast %parallel_loop3A_321 : vector<1x1x16xf32> to vector<16xf32>
        %parallel_loop3A_323 = arith.index_cast %rem3A_108 : i32 to index
        %parallel_loop3A_324 = arith.index_cast %parallel_loop3A_176 : i32 to index
        %parallel_loop3A_325 = arith.constant 160 : index
        %parallel_loop3A_326 = tpu.vector_load %arg7[%parallel_loop3A_323, %parallel_loop3A_324, %parallel_loop3A_325] {strides = array<i32>} : memref<3x32x768xf32, #tpu.memory_space<vmem>>, vector<1x1x16xf32>,
        %parallel_loop3A_327 = vector.shape_cast %parallel_loop3A_326 : vector<1x1x16xf32> to vector<16xf32>
        %parallel_loop3A_328 = arith.index_cast %rem3A_108 : i32 to index
        %parallel_loop3A_329 = arith.index_cast %parallel_loop3A_176 : i32 to index
        %parallel_loop3A_330 = arith.constant 176 : index
        %parallel_loop3A_331 = tpu.vector_load %arg7[%parallel_loop3A_328, %parallel_loop3A_329, %parallel_loop3A_330] {strides = array<i32>} : memref<3x32x768xf32, #tpu.memory_space<vmem>>, vector<1x1x16xf32>,
        %parallel_loop3A_332 = vector.shape_cast %parallel_loop3A_331 : vector<1x1x16xf32> to vector<16xf32>
        %parallel_loop3A_333 = arith.index_cast %rem3A_108 : i32 to index
        %parallel_loop3A_334 = arith.index_cast %parallel_loop3A_176 : i32 to index
        %parallel_loop3A_335 = arith.constant 192 : index
        %parallel_loop3A_336 = tpu.vector_load %arg7[%parallel_loop3A_333, %parallel_loop3A_334, %parallel_loop3A_335] {strides = array<i32>} : memref<3x32x768xf32, #tpu.memory_space<vmem>>, vector<1x1x16xf32>,
        %parallel_loop3A_337 = vector.shape_cast %parallel_loop3A_336 : vector<1x1x16xf32> to vector<16xf32>
        %parallel_loop3A_338 = arith.index_cast %rem3A_108 : i32 to index
        %parallel_loop3A_339 = arith.index_cast %parallel_loop3A_176 : i32 to index
        %parallel_loop3A_340 = arith.constant 208 : index
        %parallel_loop3A_341 = tpu.vector_load %arg7[%parallel_loop3A_338, %parallel_loop3A_339, %parallel_loop3A_340] {strides = array<i32>} : memref<3x32x768xf32, #tpu.memory_space<vmem>>, vector<1x1x16xf32>,
        %parallel_loop3A_342 = vector.shape_cast %parallel_loop3A_341 : vector<1x1x16xf32> to vector<16xf32>
        %parallel_loop3A_343 = arith.index_cast %rem3A_108 : i32 to index
        %parallel_loop3A_344 = arith.index_cast %parallel_loop3A_176 : i32 to index
        %parallel_loop3A_345 = arith.constant 224 : index
        %parallel_loop3A_346 = tpu.vector_load %arg7[%parallel_loop3A_343, %parallel_loop3A_344, %parallel_loop3A_345] {strides = array<i32>} : memref<3x32x768xf32, #tpu.memory_space<vmem>>, vector<1x1x16xf32>,
        %parallel_loop3A_347 = vector.shape_cast %parallel_loop3A_346 : vector<1x1x16xf32> to vector<16xf32>
        %parallel_loop3A_348 = arith.index_cast %rem3A_108 : i32 to index
        %parallel_loop3A_349 = arith.index_cast %parallel_loop3A_176 : i32 to index
        %parallel_loop3A_350 = arith.constant 240 : index
        %parallel_loop3A_351 = tpu.vector_load %arg7[%parallel_loop3A_348, %parallel_loop3A_349, %parallel_loop3A_350] {strides = array<i32>} : memref<3x32x768xf32, #tpu.memory_space<vmem>>, vector<1x1x16xf32>,
        %parallel_loop3A_352 = vector.shape_cast %parallel_loop3A_351 : vector<1x1x16xf32> to vector<16xf32>
        %parallel_loop3A_353 = arith.index_cast %rem3A_110 : i32 to index
        %parallel_loop3A_354 = arith.index_cast %parallel_loop3A_176 : i32 to index
        %parallel_loop3A_355 = arith.constant 128 : index
        %parallel_loop3A_356 = tpu.vector_load %arg8[%parallel_loop3A_353, %parallel_loop3A_354, %parallel_loop3A_355] {strides = array<i32>} : memref<2x32x768xf32, #tpu.memory_space<vmem>>, vector<1x1x16xf32>,
        %parallel_loop3A_357 = vector.shape_cast %parallel_loop3A_356 : vector<1x1x16xf32> to vector<16xf32>
        %parallel_loop3A_358 = arith.index_cast %rem3A_110 : i32 to index
        %parallel_loop3A_359 = arith.index_cast %parallel_loop3A_176 : i32 to index
        %parallel_loop3A_360 = arith.constant 144 : index
        %parallel_loop3A_361 = tpu.vector_load %arg8[%parallel_loop3A_358, %parallel_loop3A_359, %parallel_loop3A_360] {strides = array<i32>} : memref<2x32x768xf32, #tpu.memory_space<vmem>>, vector<1x1x16xf32>,
        %parallel_loop3A_362 = vector.shape_cast %parallel_loop3A_361 : vector<1x1x16xf32> to vector<16xf32>
        %parallel_loop3A_363 = arith.index_cast %rem3A_110 : i32 to index
        %parallel_loop3A_364 = arith.index_cast %parallel_loop3A_176 : i32 to index
        %parallel_loop3A_365 = arith.constant 160 : index
        %parallel_loop3A_366 = tpu.vector_load %arg8[%parallel_loop3A_363, %parallel_loop3A_364, %parallel_loop3A_365] {strides = array<i32>} : memref<2x32x768xf32, #tpu.memory_space<vmem>>, vector<1x1x16xf32>,
        %parallel_loop3A_367 = vector.shape_cast %parallel_loop3A_366 : vector<1x1x16xf32> to vector<16xf32>
        %parallel_loop3A_368 = arith.index_cast %rem3A_110 : i32 to index
        %parallel_loop3A_369 = arith.index_cast %parallel_loop3A_176 : i32 to index
        %parallel_loop3A_370 = arith.constant 176 : index
        %parallel_loop3A_371 = tpu.vector_load %arg8[%parallel_loop3A_368, %parallel_loop3A_369, %parallel_loop3A_370] {strides = array<i32>} : memref<2x32x768xf32, #tpu.memory_space<vmem>>, vector<1x1x16xf32>,
        %parallel_loop3A_372 = vector.shape_cast %parallel_loop3A_371 : vector<1x1x16xf32> to vector<16xf32>
        %parallel_loop3A_373 = arith.index_cast %rem3A_110 : i32 to index
        %parallel_loop3A_374 = arith.index_cast %parallel_loop3A_176 : i32 to index
        %parallel_loop3A_375 = arith.constant 192 : index
        %parallel_loop3A_376 = tpu.vector_load %arg8[%parallel_loop3A_373, %parallel_loop3A_374, %parallel_loop3A_375] {strides = array<i32>} : memref<2x32x768xf32, #tpu.memory_space<vmem>>, vector<1x1x16xf32>,
        %parallel_loop3A_377 = vector.shape_cast %parallel_loop3A_376 : vector<1x1x16xf32> to vector<16xf32>
        %parallel_loop3A_378 = arith.index_cast %rem3A_110 : i32 to index
        %parallel_loop3A_379 = arith.index_cast %parallel_loop3A_176 : i32 to index
        %parallel_loop3A_380 = arith.constant 208 : index
        %parallel_loop3A_381 = tpu.vector_load %arg8[%parallel_loop3A_378, %parallel_loop3A_379, %parallel_loop3A_380] {strides = array<i32>} : memref<2x32x768xf32, #tpu.memory_space<vmem>>, vector<1x1x16xf32>,
        %parallel_loop3A_382 = vector.shape_cast %parallel_loop3A_381 : vector<1x1x16xf32> to vector<16xf32>
        %parallel_loop3A_383 = arith.index_cast %rem3A_110 : i32 to index
        %parallel_loop3A_384 = arith.index_cast %parallel_loop3A_176 : i32 to index
        %parallel_loop3A_385 = arith.constant 224 : index
        %parallel_loop3A_386 = tpu.vector_load %arg8[%parallel_loop3A_383, %parallel_loop3A_384, %parallel_loop3A_385] {strides = array<i32>} : memref<2x32x768xf32, #tpu.memory_space<vmem>>, vector<1x1x16xf32>,
        %parallel_loop3A_387 = vector.shape_cast %parallel_loop3A_386 : vector<1x1x16xf32> to vector<16xf32>
        %parallel_loop3A_388 = arith.index_cast %rem3A_110 : i32 to index
        %parallel_loop3A_389 = arith.index_cast %parallel_loop3A_176 : i32 to index
        %parallel_loop3A_390 = arith.constant 240 : index
        %parallel_loop3A_391 = tpu.vector_load %arg8[%parallel_loop3A_388, %parallel_loop3A_389, %parallel_loop3A_390] {strides = array<i32>} : memref<2x32x768xf32, #tpu.memory_space<vmem>>, vector<1x1x16xf32>,
        %parallel_loop3A_392 = vector.shape_cast %parallel_loop3A_391 : vector<1x1x16xf32> to vector<16xf32>
        %parallel_loop3A_393 = arith.addf %parallel_loop3A_317, %parallel_loop3A_357 : vector<16xf32>
        %parallel_loop3A_394 = arith.index_cast %rem3A_108 : i32 to index
        %parallel_loop3A_395 = arith.index_cast %parallel_loop3A_176 : i32 to index
        %parallel_loop3A_396 = arith.constant 128 : index
        %parallel_loop3A_397 = tpu.vector_load %arg7[%parallel_loop3A_394, %parallel_loop3A_395, %parallel_loop3A_396] {strides = array<i32>} : memref<3x32x768xf32, #tpu.memory_space<vmem>>, vector<1x1x16xf32>,
        %parallel_loop3A_398 = vector.shape_cast %parallel_loop3A_397 : vector<1x1x16xf32> to vector<16xf32>
        %parallel_loop3A_399 = vector.shape_cast %parallel_loop3A_393 : vector<16xf32> to vector<1x1x16xf32>
        tpu.vector_store %arg7[%parallel_loop3A_394, %parallel_loop3A_395, %parallel_loop3A_396], %parallel_loop3A_399 {strides = array<i32>} : memref<3x32x768xf32, #tpu.memory_space<vmem>>, vector<1x1x16xf32>,
        %parallel_loop3A_400 = arith.addf %parallel_loop3A_322, %parallel_loop3A_362 : vector<16xf32>
        %parallel_loop3A_401 = arith.index_cast %rem3A_108 : i32 to index
        %parallel_loop3A_402 = arith.index_cast %parallel_loop3A_176 : i32 to index
        %parallel_loop3A_403 = arith.constant 144 : index
        %parallel_loop3A_404 = tpu.vector_load %arg7[%parallel_loop3A_401, %parallel_loop3A_402, %parallel_loop3A_403] {strides = array<i32>} : memref<3x32x768xf32, #tpu.memory_space<vmem>>, vector<1x1x16xf32>,
        %parallel_loop3A_405 = vector.shape_cast %parallel_loop3A_404 : vector<1x1x16xf32> to vector<16xf32>
        %parallel_loop3A_406 = vector.shape_cast %parallel_loop3A_400 : vector<16xf32> to vector<1x1x16xf32>
        tpu.vector_store %arg7[%parallel_loop3A_401, %parallel_loop3A_402, %parallel_loop3A_403], %parallel_loop3A_406 {strides = array<i32>} : memref<3x32x768xf32, #tpu.memory_space<vmem>>, vector<1x1x16xf32>,
        %parallel_loop3A_407 = arith.addf %parallel_loop3A_327, %parallel_loop3A_367 : vector<16xf32>
        %parallel_loop3A_408 = arith.index_cast %rem3A_108 : i32 to index
        %parallel_loop3A_409 = arith.index_cast %parallel_loop3A_176 : i32 to index
        %parallel_loop3A_410 = arith.constant 160 : index
        %parallel_loop3A_411 = tpu.vector_load %arg7[%parallel_loop3A_408, %parallel_loop3A_409, %parallel_loop3A_410] {strides = array<i32>} : memref<3x32x768xf32, #tpu.memory_space<vmem>>, vector<1x1x16xf32>,
        %parallel_loop3A_412 = vector.shape_cast %parallel_loop3A_411 : vector<1x1x16xf32> to vector<16xf32>
        %parallel_loop3A_413 = vector.shape_cast %parallel_loop3A_407 : vector<16xf32> to vector<1x1x16xf32>
        tpu.vector_store %arg7[%parallel_loop3A_408, %parallel_loop3A_409, %parallel_loop3A_410], %parallel_loop3A_413 {strides = array<i32>} : memref<3x32x768xf32, #tpu.memory_space<vmem>>, vector<1x1x16xf32>,
        %parallel_loop3A_414 = arith.addf %parallel_loop3A_332, %parallel_loop3A_372 : vector<16xf32>
        %parallel_loop3A_415 = arith.index_cast %rem3A_108 : i32 to index
        %parallel_loop3A_416 = arith.index_cast %parallel_loop3A_176 : i32 to index
        %parallel_loop3A_417 = arith.constant 176 : index
        %parallel_loop3A_418 = tpu.vector_load %arg7[%parallel_loop3A_415, %parallel_loop3A_416, %parallel_loop3A_417] {strides = array<i32>} : memref<3x32x768xf32, #tpu.memory_space<vmem>>, vector<1x1x16xf32>,
        %parallel_loop3A_419 = vector.shape_cast %parallel_loop3A_418 : vector<1x1x16xf32> to vector<16xf32>
        %parallel_loop3A_420 = vector.shape_cast %parallel_loop3A_414 : vector<16xf32> to vector<1x1x16xf32>
        tpu.vector_store %arg7[%parallel_loop3A_415, %parallel_loop3A_416, %parallel_loop3A_417], %parallel_loop3A_420 {strides = array<i32>} : memref<3x32x768xf32, #tpu.memory_space<vmem>>, vector<1x1x16xf32>,
        %parallel_loop3A_421 = arith.addf %parallel_loop3A_337, %parallel_loop3A_377 : vector<16xf32>
        %parallel_loop3A_422 = arith.index_cast %rem3A_108 : i32 to index
        %parallel_loop3A_423 = arith.index_cast %parallel_loop3A_176 : i32 to index
        %parallel_loop3A_424 = arith.constant 192 : index
        %parallel_loop3A_425 = tpu.vector_load %arg7[%parallel_loop3A_422, %parallel_loop3A_423, %parallel_loop3A_424] {strides = array<i32>} : memref<3x32x768xf32, #tpu.memory_space<vmem>>, vector<1x1x16xf32>,
        %parallel_loop3A_426 = vector.shape_cast %parallel_loop3A_425 : vector<1x1x16xf32> to vector<16xf32>
        %parallel_loop3A_427 = vector.shape_cast %parallel_loop3A_421 : vector<16xf32> to vector<1x1x16xf32>
        tpu.vector_store %arg7[%parallel_loop3A_422, %parallel_loop3A_423, %parallel_loop3A_424], %parallel_loop3A_427 {strides = array<i32>} : memref<3x32x768xf32, #tpu.memory_space<vmem>>, vector<1x1x16xf32>,
        %parallel_loop3A_428 = arith.addf %parallel_loop3A_342, %parallel_loop3A_382 : vector<16xf32>
        %parallel_loop3A_429 = arith.index_cast %rem3A_108 : i32 to index
        %parallel_loop3A_430 = arith.index_cast %parallel_loop3A_176 : i32 to index
        %parallel_loop3A_431 = arith.constant 208 : index
        %parallel_loop3A_432 = tpu.vector_load %arg7[%parallel_loop3A_429, %parallel_loop3A_430, %parallel_loop3A_431] {strides = array<i32>} : memref<3x32x768xf32, #tpu.memory_space<vmem>>, vector<1x1x16xf32>,
        %parallel_loop3A_433 = vector.shape_cast %parallel_loop3A_432 : vector<1x1x16xf32> to vector<16xf32>
        %parallel_loop3A_434 = vector.shape_cast %parallel_loop3A_428 : vector<16xf32> to vector<1x1x16xf32>
        tpu.vector_store %arg7[%parallel_loop3A_429, %parallel_loop3A_430, %parallel_loop3A_431], %parallel_loop3A_434 {strides = array<i32>} : memref<3x32x768xf32, #tpu.memory_space<vmem>>, vector<1x1x16xf32>,
        %parallel_loop3A_435 = arith.addf %parallel_loop3A_347, %parallel_loop3A_387 : vector<16xf32>
        %parallel_loop3A_436 = arith.index_cast %rem3A_108 : i32 to index
        %parallel_loop3A_437 = arith.index_cast %parallel_loop3A_176 : i32 to index
        %parallel_loop3A_438 = arith.constant 224 : index
        %parallel_loop3A_439 = tpu.vector_load %arg7[%parallel_loop3A_436, %parallel_loop3A_437, %parallel_loop3A_438] {strides = array<i32>} : memref<3x32x768xf32, #tpu.memory_space<vmem>>, vector<1x1x16xf32>,
        %parallel_loop3A_440 = vector.shape_cast %parallel_loop3A_439 : vector<1x1x16xf32> to vector<16xf32>
        %parallel_loop3A_441 = vector.shape_cast %parallel_loop3A_435 : vector<16xf32> to vector<1x1x16xf32>
        tpu.vector_store %arg7[%parallel_loop3A_436, %parallel_loop3A_437, %parallel_loop3A_438], %parallel_loop3A_441 {strides = array<i32>} : memref<3x32x768xf32, #tpu.memory_space<vmem>>, vector<1x1x16xf32>,
        %parallel_loop3A_442 = arith.addf %parallel_loop3A_352, %parallel_loop3A_392 : vector<16xf32>
        %parallel_loop3A_443 = arith.index_cast %rem3A_108 : i32 to index
        %parallel_loop3A_444 = arith.index_cast %parallel_loop3A_176 : i32 to index
        %parallel_loop3A_445 = arith.constant 240 : index
        %parallel_loop3A_446 = tpu.vector_load %arg7[%parallel_loop3A_443, %parallel_loop3A_444, %parallel_loop3A_445] {strides = array<i32>} : memref<3x32x768xf32, #tpu.memory_space<vmem>>, vector<1x1x16xf32>,
        %parallel_loop3A_447 = vector.shape_cast %parallel_loop3A_446 : vector<1x1x16xf32> to vector<16xf32>
        %parallel_loop3A_448 = vector.shape_cast %parallel_loop3A_442 : vector<16xf32> to vector<1x1x16xf32>
        tpu.vector_store %arg7[%parallel_loop3A_443, %parallel_loop3A_444, %parallel_loop3A_445], %parallel_loop3A_448 {strides = array<i32>} : memref<3x32x768xf32, #tpu.memory_space<vmem>>, vector<1x1x16xf32>,
        %parallel_loop3A_449 = arith.index_cast %rem3A_108 : i32 to index
        %parallel_loop3A_450 = arith.index_cast %parallel_loop3A_176 : i32 to index
        %parallel_loop3A_451 = arith.constant 256 : index
        %parallel_loop3A_452 = tpu.vector_load %arg7[%parallel_loop3A_449, %parallel_loop3A_450, %parallel_loop3A_451] {strides = array<i32>} : memref<3x32x768xf32, #tpu.memory_space<vmem>>, vector<1x1x16xf32>,
        %parallel_loop3A_453 = vector.shape_cast %parallel_loop3A_452 : vector<1x1x16xf32> to vector<16xf32>
        %parallel_loop3A_454 = arith.index_cast %rem3A_108 : i32 to index
        %parallel_loop3A_455 = arith.index_cast %parallel_loop3A_176 : i32 to index
        %parallel_loop3A_456 = arith.constant 272 : index
        %parallel_loop3A_457 = tpu.vector_load %arg7[%parallel_loop3A_454, %parallel_loop3A_455, %parallel_loop3A_456] {strides = array<i32>} : memref<3x32x768xf32, #tpu.memory_space<vmem>>, vector<1x1x16xf32>,
        %parallel_loop3A_458 = vector.shape_cast %parallel_loop3A_457 : vector<1x1x16xf32> to vector<16xf32>
        %parallel_loop3A_459 = arith.index_cast %rem3A_108 : i32 to index
        %parallel_loop3A_460 = arith.index_cast %parallel_loop3A_176 : i32 to index
        %parallel_loop3A_461 = arith.constant 288 : index
        %parallel_loop3A_462 = tpu.vector_load %arg7[%parallel_loop3A_459, %parallel_loop3A_460, %parallel_loop3A_461] {strides = array<i32>} : memref<3x32x768xf32, #tpu.memory_space<vmem>>, vector<1x1x16xf32>,
        %parallel_loop3A_463 = vector.shape_cast %parallel_loop3A_462 : vector<1x1x16xf32> to vector<16xf32>
        %parallel_loop3A_464 = arith.index_cast %rem3A_108 : i32 to index
        %parallel_loop3A_465 = arith.index_cast %parallel_loop3A_176 : i32 to index
        %parallel_loop3A_466 = arith.constant 304 : index
        %parallel_loop3A_467 = tpu.vector_load %arg7[%parallel_loop3A_464, %parallel_loop3A_465, %parallel_loop3A_466] {strides = array<i32>} : memref<3x32x768xf32, #tpu.memory_space<vmem>>, vector<1x1x16xf32>,
        %parallel_loop3A_468 = vector.shape_cast %parallel_loop3A_467 : vector<1x1x16xf32> to vector<16xf32>
        %parallel_loop3A_469 = arith.index_cast %rem3A_108 : i32 to index
        %parallel_loop3A_470 = arith.index_cast %parallel_loop3A_176 : i32 to index
        %parallel_loop3A_471 = arith.constant 320 : index
        %parallel_loop3A_472 = tpu.vector_load %arg7[%parallel_loop3A_469, %parallel_loop3A_470, %parallel_loop3A_471] {strides = array<i32>} : memref<3x32x768xf32, #tpu.memory_space<vmem>>, vector<1x1x16xf32>,
        %parallel_loop3A_473 = vector.shape_cast %parallel_loop3A_472 : vector<1x1x16xf32> to vector<16xf32>
        %parallel_loop3A_474 = arith.index_cast %rem3A_108 : i32 to index
        %parallel_loop3A_475 = arith.index_cast %parallel_loop3A_176 : i32 to index
        %parallel_loop3A_476 = arith.constant 336 : index
        %parallel_loop3A_477 = tpu.vector_load %arg7[%parallel_loop3A_474, %parallel_loop3A_475, %parallel_loop3A_476] {strides = array<i32>} : memref<3x32x768xf32, #tpu.memory_space<vmem>>, vector<1x1x16xf32>,
        %parallel_loop3A_478 = vector.shape_cast %parallel_loop3A_477 : vector<1x1x16xf32> to vector<16xf32>
        %parallel_loop3A_479 = arith.index_cast %rem3A_108 : i32 to index
        %parallel_loop3A_480 = arith.index_cast %parallel_loop3A_176 : i32 to index
        %parallel_loop3A_481 = arith.constant 352 : index
        %parallel_loop3A_482 = tpu.vector_load %arg7[%parallel_loop3A_479, %parallel_loop3A_480, %parallel_loop3A_481] {strides = array<i32>} : memref<3x32x768xf32, #tpu.memory_space<vmem>>, vector<1x1x16xf32>,
        %parallel_loop3A_483 = vector.shape_cast %parallel_loop3A_482 : vector<1x1x16xf32> to vector<16xf32>
        %parallel_loop3A_484 = arith.index_cast %rem3A_108 : i32 to index
        %parallel_loop3A_485 = arith.index_cast %parallel_loop3A_176 : i32 to index
        %parallel_loop3A_486 = arith.constant 368 : index
        %parallel_loop3A_487 = tpu.vector_load %arg7[%parallel_loop3A_484, %parallel_loop3A_485, %parallel_loop3A_486] {strides = array<i32>} : memref<3x32x768xf32, #tpu.memory_space<vmem>>, vector<1x1x16xf32>,
        %parallel_loop3A_488 = vector.shape_cast %parallel_loop3A_487 : vector<1x1x16xf32> to vector<16xf32>
        %parallel_loop3A_489 = arith.index_cast %rem3A_110 : i32 to index
        %parallel_loop3A_490 = arith.index_cast %parallel_loop3A_176 : i32 to index
        %parallel_loop3A_491 = arith.constant 256 : index
        %parallel_loop3A_492 = tpu.vector_load %arg8[%parallel_loop3A_489, %parallel_loop3A_490, %parallel_loop3A_491] {strides = array<i32>} : memref<2x32x768xf32, #tpu.memory_space<vmem>>, vector<1x1x16xf32>,
        %parallel_loop3A_493 = vector.shape_cast %parallel_loop3A_492 : vector<1x1x16xf32> to vector<16xf32>
        %parallel_loop3A_494 = arith.index_cast %rem3A_110 : i32 to index
        %parallel_loop3A_495 = arith.index_cast %parallel_loop3A_176 : i32 to index
        %parallel_loop3A_496 = arith.constant 272 : index
        %parallel_loop3A_497 = tpu.vector_load %arg8[%parallel_loop3A_494, %parallel_loop3A_495, %parallel_loop3A_496] {strides = array<i32>} : memref<2x32x768xf32, #tpu.memory_space<vmem>>, vector<1x1x16xf32>,
        %parallel_loop3A_498 = vector.shape_cast %parallel_loop3A_497 : vector<1x1x16xf32> to vector<16xf32>
        %parallel_loop3A_499 = arith.index_cast %rem3A_110 : i32 to index
        %parallel_loop3A_500 = arith.index_cast %parallel_loop3A_176 : i32 to index
        %parallel_loop3A_501 = arith.constant 288 : index
        %parallel_loop3A_502 = tpu.vector_load %arg8[%parallel_loop3A_499, %parallel_loop3A_500, %parallel_loop3A_501] {strides = array<i32>} : memref<2x32x768xf32, #tpu.memory_space<vmem>>, vector<1x1x16xf32>,
        %parallel_loop3A_503 = vector.shape_cast %parallel_loop3A_502 : vector<1x1x16xf32> to vector<16xf32>
        %parallel_loop3A_504 = arith.index_cast %rem3A_110 : i32 to index
        %parallel_loop3A_505 = arith.index_cast %parallel_loop3A_176 : i32 to index
        %parallel_loop3A_506 = arith.constant 304 : index
        %parallel_loop3A_507 = tpu.vector_load %arg8[%parallel_loop3A_504, %parallel_loop3A_505, %parallel_loop3A_506] {strides = array<i32>} : memref<2x32x768xf32, #tpu.memory_space<vmem>>, vector<1x1x16xf32>,
        %parallel_loop3A_508 = vector.shape_cast %parallel_loop3A_507 : vector<1x1x16xf32> to vector<16xf32>
        %parallel_loop3A_509 = arith.index_cast %rem3A_110 : i32 to index
        %parallel_loop3A_510 = arith.index_cast %parallel_loop3A_176 : i32 to index
        %parallel_loop3A_511 = arith.constant 320 : index
        %parallel_loop3A_512 = tpu.vector_load %arg8[%parallel_loop3A_509, %parallel_loop3A_510, %parallel_loop3A_511] {strides = array<i32>} : memref<2x32x768xf32, #tpu.memory_space<vmem>>, vector<1x1x16xf32>,
        %parallel_loop3A_513 = vector.shape_cast %parallel_loop3A_512 : vector<1x1x16xf32> to vector<16xf32>
        %parallel_loop3A_514 = arith.index_cast %rem3A_110 : i32 to index
        %parallel_loop3A_515 = arith.index_cast %parallel_loop3A_176 : i32 to index
        %parallel_loop3A_516 = arith.constant 336 : index
        %parallel_loop3A_517 = tpu.vector_load %arg8[%parallel_loop3A_514, %parallel_loop3A_515, %parallel_loop3A_516] {strides = array<i32>} : memref<2x32x768xf32, #tpu.memory_space<vmem>>, vector<1x1x16xf32>,
        %parallel_loop3A_518 = vector.shape_cast %parallel_loop3A_517 : vector<1x1x16xf32> to vector<16xf32>
        %parallel_loop3A_519 = arith.index_cast %rem3A_110 : i32 to index
        %parallel_loop3A_520 = arith.index_cast %parallel_loop3A_176 : i32 to index
        %parallel_loop3A_521 = arith.constant 352 : index
        %parallel_loop3A_522 = tpu.vector_load %arg8[%parallel_loop3A_519, %parallel_loop3A_520, %parallel_loop3A_521] {strides = array<i32>} : memref<2x32x768xf32, #tpu.memory_space<vmem>>, vector<1x1x16xf32>,
        %parallel_loop3A_523 = vector.shape_cast %parallel_loop3A_522 : vector<1x1x16xf32> to vector<16xf32>
        %parallel_loop3A_524 = arith.index_cast %rem3A_110 : i32 to index
        %parallel_loop3A_525 = arith.index_cast %parallel_loop3A_176 : i32 to index
        %parallel_loop3A_526 = arith.constant 368 : index
        %parallel_loop3A_527 = tpu.vector_load %arg8[%parallel_loop3A_524, %parallel_loop3A_525, %parallel_loop3A_526] {strides = array<i32>} : memref<2x32x768xf32, #tpu.memory_space<vmem>>, vector<1x1x16xf32>,
        %parallel_loop3A_528 = vector.shape_cast %parallel_loop3A_527 : vector<1x1x16xf32> to vector<16xf32>
        %parallel_loop3A_529 = arith.addf %parallel_loop3A_453, %parallel_loop3A_493 : vector<16xf32>
        %parallel_loop3A_530 = arith.index_cast %rem3A_108 : i32 to index
        %parallel_loop3A_531 = arith.index_cast %parallel_loop3A_176 : i32 to index
        %parallel_loop3A_532 = arith.constant 256 : index
        %parallel_loop3A_533 = tpu.vector_load %arg7[%parallel_loop3A_530, %parallel_loop3A_531, %parallel_loop3A_532] {strides = array<i32>} : memref<3x32x768xf32, #tpu.memory_space<vmem>>, vector<1x1x16xf32>,
        %parallel_loop3A_534 = vector.shape_cast %parallel_loop3A_533 : vector<1x1x16xf32> to vector<16xf32>
        %parallel_loop3A_535 = vector.shape_cast %parallel_loop3A_529 : vector<16xf32> to vector<1x1x16xf32>
        tpu.vector_store %arg7[%parallel_loop3A_530, %parallel_loop3A_531, %parallel_loop3A_532], %parallel_loop3A_535 {strides = array<i32>} : memref<3x32x768xf32, #tpu.memory_space<vmem>>, vector<1x1x16xf32>,
        %parallel_loop3A_536 = arith.addf %parallel_loop3A_458, %parallel_loop3A_498 : vector<16xf32>
        %parallel_loop3A_537 = arith.index_cast %rem3A_108 : i32 to index
        %parallel_loop3A_538 = arith.index_cast %parallel_loop3A_176 : i32 to index
        %parallel_loop3A_539 = arith.constant 272 : index
        %parallel_loop3A_540 = tpu.vector_load %arg7[%parallel_loop3A_537, %parallel_loop3A_538, %parallel_loop3A_539] {strides = array<i32>} : memref<3x32x768xf32, #tpu.memory_space<vmem>>, vector<1x1x16xf32>,
        %parallel_loop3A_541 = vector.shape_cast %parallel_loop3A_540 : vector<1x1x16xf32> to vector<16xf32>
        %parallel_loop3A_542 = vector.shape_cast %parallel_loop3A_536 : vector<16xf32> to vector<1x1x16xf32>
        tpu.vector_store %arg7[%parallel_loop3A_537, %parallel_loop3A_538, %parallel_loop3A_539], %parallel_loop3A_542 {strides = array<i32>} : memref<3x32x768xf32, #tpu.memory_space<vmem>>, vector<1x1x16xf32>,
        %parallel_loop3A_543 = arith.addf %parallel_loop3A_463, %parallel_loop3A_503 : vector<16xf32>
        %parallel_loop3A_544 = arith.index_cast %rem3A_108 : i32 to index
        %parallel_loop3A_545 = arith.index_cast %parallel_loop3A_176 : i32 to index
        %parallel_loop3A_546 = arith.constant 288 : index
        %parallel_loop3A_547 = tpu.vector_load %arg7[%parallel_loop3A_544, %parallel_loop3A_545, %parallel_loop3A_546] {strides = array<i32>} : memref<3x32x768xf32, #tpu.memory_space<vmem>>, vector<1x1x16xf32>,
        %parallel_loop3A_548 = vector.shape_cast %parallel_loop3A_547 : vector<1x1x16xf32> to vector<16xf32>
        %parallel_loop3A_549 = vector.shape_cast %parallel_loop3A_543 : vector<16xf32> to vector<1x1x16xf32>
        tpu.vector_store %arg7[%parallel_loop3A_544, %parallel_loop3A_545, %parallel_loop3A_546], %parallel_loop3A_549 {strides = array<i32>} : memref<3x32x768xf32, #tpu.memory_space<vmem>>, vector<1x1x16xf32>,
        %parallel_loop3A_550 = arith.addf %parallel_loop3A_468, %parallel_loop3A_508 : vector<16xf32>
        %parallel_loop3A_551 = arith.index_cast %rem3A_108 : i32 to index
        %parallel_loop3A_552 = arith.index_cast %parallel_loop3A_176 : i32 to index
        %parallel_loop3A_553 = arith.constant 304 : index
        %parallel_loop3A_554 = tpu.vector_load %arg7[%parallel_loop3A_551, %parallel_loop3A_552, %parallel_loop3A_553] {strides = array<i32>} : memref<3x32x768xf32, #tpu.memory_space<vmem>>, vector<1x1x16xf32>,
        %parallel_loop3A_555 = vector.shape_cast %parallel_loop3A_554 : vector<1x1x16xf32> to vector<16xf32>
        %parallel_loop3A_556 = vector.shape_cast %parallel_loop3A_550 : vector<16xf32> to vector<1x1x16xf32>
        tpu.vector_store %arg7[%parallel_loop3A_551, %parallel_loop3A_552, %parallel_loop3A_553], %parallel_loop3A_556 {strides = array<i32>} : memref<3x32x768xf32, #tpu.memory_space<vmem>>, vector<1x1x16xf32>,
        %parallel_loop3A_557 = arith.addf %parallel_loop3A_473, %parallel_loop3A_513 : vector<16xf32>
        %parallel_loop3A_558 = arith.index_cast %rem3A_108 : i32 to index
        %parallel_loop3A_559 = arith.index_cast %parallel_loop3A_176 : i32 to index
        %parallel_loop3A_560 = arith.constant 320 : index
        %parallel_loop3A_561 = tpu.vector_load %arg7[%parallel_loop3A_558, %parallel_loop3A_559, %parallel_loop3A_560] {strides = array<i32>} : memref<3x32x768xf32, #tpu.memory_space<vmem>>, vector<1x1x16xf32>,
        %parallel_loop3A_562 = vector.shape_cast %parallel_loop3A_561 : vector<1x1x16xf32> to vector<16xf32>
        %parallel_loop3A_563 = vector.shape_cast %parallel_loop3A_557 : vector<16xf32> to vector<1x1x16xf32>
        tpu.vector_store %arg7[%parallel_loop3A_558, %parallel_loop3A_559, %parallel_loop3A_560], %parallel_loop3A_563 {strides = array<i32>} : memref<3x32x768xf32, #tpu.memory_space<vmem>>, vector<1x1x16xf32>,
        %parallel_loop3A_564 = arith.addf %parallel_loop3A_478, %parallel_loop3A_518 : vector<16xf32>
        %parallel_loop3A_565 = arith.index_cast %rem3A_108 : i32 to index
        %parallel_loop3A_566 = arith.index_cast %parallel_loop3A_176 : i32 to index
        %parallel_loop3A_567 = arith.constant 336 : index
        %parallel_loop3A_568 = tpu.vector_load %arg7[%parallel_loop3A_565, %parallel_loop3A_566, %parallel_loop3A_567] {strides = array<i32>} : memref<3x32x768xf32, #tpu.memory_space<vmem>>, vector<1x1x16xf32>,
        %parallel_loop3A_569 = vector.shape_cast %parallel_loop3A_568 : vector<1x1x16xf32> to vector<16xf32>
        %parallel_loop3A_570 = vector.shape_cast %parallel_loop3A_564 : vector<16xf32> to vector<1x1x16xf32>
        tpu.vector_store %arg7[%parallel_loop3A_565, %parallel_loop3A_566, %parallel_loop3A_567], %parallel_loop3A_570 {strides = array<i32>} : memref<3x32x768xf32, #tpu.memory_space<vmem>>, vector<1x1x16xf32>,
        %parallel_loop3A_571 = arith.addf %parallel_loop3A_483, %parallel_loop3A_523 : vector<16xf32>
        %parallel_loop3A_572 = arith.index_cast %rem3A_108 : i32 to index
        %parallel_loop3A_573 = arith.index_cast %parallel_loop3A_176 : i32 to index
        %parallel_loop3A_574 = arith.constant 352 : index
        %parallel_loop3A_575 = tpu.vector_load %arg7[%parallel_loop3A_572, %parallel_loop3A_573, %parallel_loop3A_574] {strides = array<i32>} : memref<3x32x768xf32, #tpu.memory_space<vmem>>, vector<1x1x16xf32>,
        %parallel_loop3A_576 = vector.shape_cast %parallel_loop3A_575 : vector<1x1x16xf32> to vector<16xf32>
        %parallel_loop3A_577 = vector.shape_cast %parallel_loop3A_571 : vector<16xf32> to vector<1x1x16xf32>
        tpu.vector_store %arg7[%parallel_loop3A_572, %parallel_loop3A_573, %parallel_loop3A_574], %parallel_loop3A_577 {strides = array<i32>} : memref<3x32x768xf32, #tpu.memory_space<vmem>>, vector<1x1x16xf32>,
        %parallel_loop3A_578 = arith.addf %parallel_loop3A_488, %parallel_loop3A_528 : vector<16xf32>
        %parallel_loop3A_579 = arith.index_cast %rem3A_108 : i32 to index
        %parallel_loop3A_580 = arith.index_cast %parallel_loop3A_176 : i32 to index
        %parallel_loop3A_581 = arith.constant 368 : index
        %parallel_loop3A_582 = tpu.vector_load %arg7[%parallel_loop3A_579, %parallel_loop3A_580, %parallel_loop3A_581] {strides = array<i32>} : memref<3x32x768xf32, #tpu.memory_space<vmem>>, vector<1x1x16xf32>,
        %parallel_loop3A_583 = vector.shape_cast %parallel_loop3A_582 : vector<1x1x16xf32> to vector<16xf32>
        %parallel_loop3A_584 = vector.shape_cast %parallel_loop3A_578 : vector<16xf32> to vector<1x1x16xf32>
        tpu.vector_store %arg7[%parallel_loop3A_579, %parallel_loop3A_580, %parallel_loop3A_581], %parallel_loop3A_584 {strides = array<i32>} : memref<3x32x768xf32, #tpu.memory_space<vmem>>, vector<1x1x16xf32>,
        %parallel_loop3A_585 = arith.index_cast %rem3A_108 : i32 to index
        %parallel_loop3A_586 = arith.index_cast %parallel_loop3A_176 : i32 to index
        %parallel_loop3A_587 = arith.constant 384 : index
        %parallel_loop3A_588 = tpu.vector_load %arg7[%parallel_loop3A_585, %parallel_loop3A_586, %parallel_loop3A_587] {strides = array<i32>} : memref<3x32x768xf32, #tpu.memory_space<vmem>>, vector<1x1x16xf32>,
        %parallel_loop3A_589 = vector.shape_cast %parallel_loop3A_588 : vector<1x1x16xf32> to vector<16xf32>
        %parallel_loop3A_590 = arith.index_cast %rem3A_108 : i32 to index
        %parallel_loop3A_591 = arith.index_cast %parallel_loop3A_176 : i32 to index
        %parallel_loop3A_592 = arith.constant 400 : index
        %parallel_loop3A_593 = tpu.vector_load %arg7[%parallel_loop3A_590, %parallel_loop3A_591, %parallel_loop3A_592] {strides = array<i32>} : memref<3x32x768xf32, #tpu.memory_space<vmem>>, vector<1x1x16xf32>,
        %parallel_loop3A_594 = vector.shape_cast %parallel_loop3A_593 : vector<1x1x16xf32> to vector<16xf32>
        %parallel_loop3A_595 = arith.index_cast %rem3A_108 : i32 to index
        %parallel_loop3A_596 = arith.index_cast %parallel_loop3A_176 : i32 to index
        %parallel_loop3A_597 = arith.constant 416 : index
        %parallel_loop3A_598 = tpu.vector_load %arg7[%parallel_loop3A_595, %parallel_loop3A_596, %parallel_loop3A_597] {strides = array<i32>} : memref<3x32x768xf32, #tpu.memory_space<vmem>>, vector<1x1x16xf32>,
        %parallel_loop3A_599 = vector.shape_cast %parallel_loop3A_598 : vector<1x1x16xf32> to vector<16xf32>
        %parallel_loop3A_600 = arith.index_cast %rem3A_108 : i32 to index
        %parallel_loop3A_601 = arith.index_cast %parallel_loop3A_176 : i32 to index
        %parallel_loop3A_602 = arith.constant 432 : index
        %parallel_loop3A_603 = tpu.vector_load %arg7[%parallel_loop3A_600, %parallel_loop3A_601, %parallel_loop3A_602] {strides = array<i32>} : memref<3x32x768xf32, #tpu.memory_space<vmem>>, vector<1x1x16xf32>,
        %parallel_loop3A_604 = vector.shape_cast %parallel_loop3A_603 : vector<1x1x16xf32> to vector<16xf32>
        %parallel_loop3A_605 = arith.index_cast %rem3A_108 : i32 to index
        %parallel_loop3A_606 = arith.index_cast %parallel_loop3A_176 : i32 to index
        %parallel_loop3A_607 = arith.constant 448 : index
        %parallel_loop3A_608 = tpu.vector_load %arg7[%parallel_loop3A_605, %parallel_loop3A_606, %parallel_loop3A_607] {strides = array<i32>} : memref<3x32x768xf32, #tpu.memory_space<vmem>>, vector<1x1x16xf32>,
        %parallel_loop3A_609 = vector.shape_cast %parallel_loop3A_608 : vector<1x1x16xf32> to vector<16xf32>
        %parallel_loop3A_610 = arith.index_cast %rem3A_108 : i32 to index
        %parallel_loop3A_611 = arith.index_cast %parallel_loop3A_176 : i32 to index
        %parallel_loop3A_612 = arith.constant 464 : index
        %parallel_loop3A_613 = tpu.vector_load %arg7[%parallel_loop3A_610, %parallel_loop3A_611, %parallel_loop3A_612] {strides = array<i32>} : memref<3x32x768xf32, #tpu.memory_space<vmem>>, vector<1x1x16xf32>,
        %parallel_loop3A_614 = vector.shape_cast %parallel_loop3A_613 : vector<1x1x16xf32> to vector<16xf32>
        %parallel_loop3A_615 = arith.index_cast %rem3A_108 : i32 to index
        %parallel_loop3A_616 = arith.index_cast %parallel_loop3A_176 : i32 to index
        %parallel_loop3A_617 = arith.constant 480 : index
        %parallel_loop3A_618 = tpu.vector_load %arg7[%parallel_loop3A_615, %parallel_loop3A_616, %parallel_loop3A_617] {strides = array<i32>} : memref<3x32x768xf32, #tpu.memory_space<vmem>>, vector<1x1x16xf32>,
        %parallel_loop3A_619 = vector.shape_cast %parallel_loop3A_618 : vector<1x1x16xf32> to vector<16xf32>
        %parallel_loop3A_620 = arith.index_cast %rem3A_108 : i32 to index
        %parallel_loop3A_621 = arith.index_cast %parallel_loop3A_176 : i32 to index
        %parallel_loop3A_622 = arith.constant 496 : index
        %parallel_loop3A_623 = tpu.vector_load %arg7[%parallel_loop3A_620, %parallel_loop3A_621, %parallel_loop3A_622] {strides = array<i32>} : memref<3x32x768xf32, #tpu.memory_space<vmem>>, vector<1x1x16xf32>,
        %parallel_loop3A_624 = vector.shape_cast %parallel_loop3A_623 : vector<1x1x16xf32> to vector<16xf32>
        %parallel_loop3A_625 = arith.index_cast %rem3A_110 : i32 to index
        %parallel_loop3A_626 = arith.index_cast %parallel_loop3A_176 : i32 to index
        %parallel_loop3A_627 = arith.constant 384 : index
        %parallel_loop3A_628 = tpu.vector_load %arg8[%parallel_loop3A_625, %parallel_loop3A_626, %parallel_loop3A_627] {strides = array<i32>} : memref<2x32x768xf32, #tpu.memory_space<vmem>>, vector<1x1x16xf32>,
        %parallel_loop3A_629 = vector.shape_cast %parallel_loop3A_628 : vector<1x1x16xf32> to vector<16xf32>
        %parallel_loop3A_630 = arith.index_cast %rem3A_110 : i32 to index
        %parallel_loop3A_631 = arith.index_cast %parallel_loop3A_176 : i32 to index
        %parallel_loop3A_632 = arith.constant 400 : index
        %parallel_loop3A_633 = tpu.vector_load %arg8[%parallel_loop3A_630, %parallel_loop3A_631, %parallel_loop3A_632] {strides = array<i32>} : memref<2x32x768xf32, #tpu.memory_space<vmem>>, vector<1x1x16xf32>,
        %parallel_loop3A_634 = vector.shape_cast %parallel_loop3A_633 : vector<1x1x16xf32> to vector<16xf32>
        %parallel_loop3A_635 = arith.index_cast %rem3A_110 : i32 to index
        %parallel_loop3A_636 = arith.index_cast %parallel_loop3A_176 : i32 to index
        %parallel_loop3A_637 = arith.constant 416 : index
        %parallel_loop3A_638 = tpu.vector_load %arg8[%parallel_loop3A_635, %parallel_loop3A_636, %parallel_loop3A_637] {strides = array<i32>} : memref<2x32x768xf32, #tpu.memory_space<vmem>>, vector<1x1x16xf32>,
        %parallel_loop3A_639 = vector.shape_cast %parallel_loop3A_638 : vector<1x1x16xf32> to vector<16xf32>
        %parallel_loop3A_640 = arith.index_cast %rem3A_110 : i32 to index
        %parallel_loop3A_641 = arith.index_cast %parallel_loop3A_176 : i32 to index
        %parallel_loop3A_642 = arith.constant 432 : index
        %parallel_loop3A_643 = tpu.vector_load %arg8[%parallel_loop3A_640, %parallel_loop3A_641, %parallel_loop3A_642] {strides = array<i32>} : memref<2x32x768xf32, #tpu.memory_space<vmem>>, vector<1x1x16xf32>,
        %parallel_loop3A_644 = vector.shape_cast %parallel_loop3A_643 : vector<1x1x16xf32> to vector<16xf32>
        %parallel_loop3A_645 = arith.index_cast %rem3A_110 : i32 to index
        %parallel_loop3A_646 = arith.index_cast %parallel_loop3A_176 : i32 to index
        %parallel_loop3A_647 = arith.constant 448 : index
        %parallel_loop3A_648 = tpu.vector_load %arg8[%parallel_loop3A_645, %parallel_loop3A_646, %parallel_loop3A_647] {strides = array<i32>} : memref<2x32x768xf32, #tpu.memory_space<vmem>>, vector<1x1x16xf32>,
        %parallel_loop3A_649 = vector.shape_cast %parallel_loop3A_648 : vector<1x1x16xf32> to vector<16xf32>
        %parallel_loop3A_650 = arith.index_cast %rem3A_110 : i32 to index
        %parallel_loop3A_651 = arith.index_cast %parallel_loop3A_176 : i32 to index
        %parallel_loop3A_652 = arith.constant 464 : index
        %parallel_loop3A_653 = tpu.vector_load %arg8[%parallel_loop3A_650, %parallel_loop3A_651, %parallel_loop3A_652] {strides = array<i32>} : memref<2x32x768xf32, #tpu.memory_space<vmem>>, vector<1x1x16xf32>,
        %parallel_loop3A_654 = vector.shape_cast %parallel_loop3A_653 : vector<1x1x16xf32> to vector<16xf32>
        %parallel_loop3A_655 = arith.index_cast %rem3A_110 : i32 to index
        %parallel_loop3A_656 = arith.index_cast %parallel_loop3A_176 : i32 to index
        %parallel_loop3A_657 = arith.constant 480 : index
        %parallel_loop3A_658 = tpu.vector_load %arg8[%parallel_loop3A_655, %parallel_loop3A_656, %parallel_loop3A_657] {strides = array<i32>} : memref<2x32x768xf32, #tpu.memory_space<vmem>>, vector<1x1x16xf32>,
        %parallel_loop3A_659 = vector.shape_cast %parallel_loop3A_658 : vector<1x1x16xf32> to vector<16xf32>
        %parallel_loop3A_660 = arith.index_cast %rem3A_110 : i32 to index
        %parallel_loop3A_661 = arith.index_cast %parallel_loop3A_176 : i32 to index
        %parallel_loop3A_662 = arith.constant 496 : index
        %parallel_loop3A_663 = tpu.vector_load %arg8[%parallel_loop3A_660, %parallel_loop3A_661, %parallel_loop3A_662] {strides = array<i32>} : memref<2x32x768xf32, #tpu.memory_space<vmem>>, vector<1x1x16xf32>,
        %parallel_loop3A_664 = vector.shape_cast %parallel_loop3A_663 : vector<1x1x16xf32> to vector<16xf32>
        %parallel_loop3A_665 = arith.addf %parallel_loop3A_589, %parallel_loop3A_629 : vector<16xf32>
        %parallel_loop3A_666 = arith.index_cast %rem3A_108 : i32 to index
        %parallel_loop3A_667 = arith.index_cast %parallel_loop3A_176 : i32 to index
        %parallel_loop3A_668 = arith.constant 384 : index
        %parallel_loop3A_669 = tpu.vector_load %arg7[%parallel_loop3A_666, %parallel_loop3A_667, %parallel_loop3A_668] {strides = array<i32>} : memref<3x32x768xf32, #tpu.memory_space<vmem>>, vector<1x1x16xf32>,
        %parallel_loop3A_670 = vector.shape_cast %parallel_loop3A_669 : vector<1x1x16xf32> to vector<16xf32>
        %parallel_loop3A_671 = vector.shape_cast %parallel_loop3A_665 : vector<16xf32> to vector<1x1x16xf32>
        tpu.vector_store %arg7[%parallel_loop3A_666, %parallel_loop3A_667, %parallel_loop3A_668], %parallel_loop3A_671 {strides = array<i32>} : memref<3x32x768xf32, #tpu.memory_space<vmem>>, vector<1x1x16xf32>,
        %parallel_loop3A_672 = arith.addf %parallel_loop3A_594, %parallel_loop3A_634 : vector<16xf32>
        %parallel_loop3A_673 = arith.index_cast %rem3A_108 : i32 to index
        %parallel_loop3A_674 = arith.index_cast %parallel_loop3A_176 : i32 to index
        %parallel_loop3A_675 = arith.constant 400 : index
        %parallel_loop3A_676 = tpu.vector_load %arg7[%parallel_loop3A_673, %parallel_loop3A_674, %parallel_loop3A_675] {strides = array<i32>} : memref<3x32x768xf32, #tpu.memory_space<vmem>>, vector<1x1x16xf32>,
        %parallel_loop3A_677 = vector.shape_cast %parallel_loop3A_676 : vector<1x1x16xf32> to vector<16xf32>
        %parallel_loop3A_678 = vector.shape_cast %parallel_loop3A_672 : vector<16xf32> to vector<1x1x16xf32>
        tpu.vector_store %arg7[%parallel_loop3A_673, %parallel_loop3A_674, %parallel_loop3A_675], %parallel_loop3A_678 {strides = array<i32>} : memref<3x32x768xf32, #tpu.memory_space<vmem>>, vector<1x1x16xf32>,
        %parallel_loop3A_679 = arith.addf %parallel_loop3A_599, %parallel_loop3A_639 : vector<16xf32>
        %parallel_loop3A_680 = arith.index_cast %rem3A_108 : i32 to index
        %parallel_loop3A_681 = arith.index_cast %parallel_loop3A_176 : i32 to index
        %parallel_loop3A_682 = arith.constant 416 : index
        %parallel_loop3A_683 = tpu.vector_load %arg7[%parallel_loop3A_680, %parallel_loop3A_681, %parallel_loop3A_682] {strides = array<i32>} : memref<3x32x768xf32, #tpu.memory_space<vmem>>, vector<1x1x16xf32>,
        %parallel_loop3A_684 = vector.shape_cast %parallel_loop3A_683 : vector<1x1x16xf32> to vector<16xf32>
        %parallel_loop3A_685 = vector.shape_cast %parallel_loop3A_679 : vector<16xf32> to vector<1x1x16xf32>
        tpu.vector_store %arg7[%parallel_loop3A_680, %parallel_loop3A_681, %parallel_loop3A_682], %parallel_loop3A_685 {strides = array<i32>} : memref<3x32x768xf32, #tpu.memory_space<vmem>>, vector<1x1x16xf32>,
        %parallel_loop3A_686 = arith.addf %parallel_loop3A_604, %parallel_loop3A_644 : vector<16xf32>
        %parallel_loop3A_687 = arith.index_cast %rem3A_108 : i32 to index
        %parallel_loop3A_688 = arith.index_cast %parallel_loop3A_176 : i32 to index
        %parallel_loop3A_689 = arith.constant 432 : index
        %parallel_loop3A_690 = tpu.vector_load %arg7[%parallel_loop3A_687, %parallel_loop3A_688, %parallel_loop3A_689] {strides = array<i32>} : memref<3x32x768xf32, #tpu.memory_space<vmem>>, vector<1x1x16xf32>,
        %parallel_loop3A_691 = vector.shape_cast %parallel_loop3A_690 : vector<1x1x16xf32> to vector<16xf32>
        %parallel_loop3A_692 = vector.shape_cast %parallel_loop3A_686 : vector<16xf32> to vector<1x1x16xf32>
        tpu.vector_store %arg7[%parallel_loop3A_687, %parallel_loop3A_688, %parallel_loop3A_689], %parallel_loop3A_692 {strides = array<i32>} : memref<3x32x768xf32, #tpu.memory_space<vmem>>, vector<1x1x16xf32>,
        %parallel_loop3A_693 = arith.addf %parallel_loop3A_609, %parallel_loop3A_649 : vector<16xf32>
        %parallel_loop3A_694 = arith.index_cast %rem3A_108 : i32 to index
        %parallel_loop3A_695 = arith.index_cast %parallel_loop3A_176 : i32 to index
        %parallel_loop3A_696 = arith.constant 448 : index
        %parallel_loop3A_697 = tpu.vector_load %arg7[%parallel_loop3A_694, %parallel_loop3A_695, %parallel_loop3A_696] {strides = array<i32>} : memref<3x32x768xf32, #tpu.memory_space<vmem>>, vector<1x1x16xf32>,
        %parallel_loop3A_698 = vector.shape_cast %parallel_loop3A_697 : vector<1x1x16xf32> to vector<16xf32>
        %parallel_loop3A_699 = vector.shape_cast %parallel_loop3A_693 : vector<16xf32> to vector<1x1x16xf32>
        tpu.vector_store %arg7[%parallel_loop3A_694, %parallel_loop3A_695, %parallel_loop3A_696], %parallel_loop3A_699 {strides = array<i32>} : memref<3x32x768xf32, #tpu.memory_space<vmem>>, vector<1x1x16xf32>,
        %parallel_loop3A_700 = arith.addf %parallel_loop3A_614, %parallel_loop3A_654 : vector<16xf32>
        %parallel_loop3A_701 = arith.index_cast %rem3A_108 : i32 to index
        %parallel_loop3A_702 = arith.index_cast %parallel_loop3A_176 : i32 to index
        %parallel_loop3A_703 = arith.constant 464 : index
        %parallel_loop3A_704 = tpu.vector_load %arg7[%parallel_loop3A_701, %parallel_loop3A_702, %parallel_loop3A_703] {strides = array<i32>} : memref<3x32x768xf32, #tpu.memory_space<vmem>>, vector<1x1x16xf32>,
        %parallel_loop3A_705 = vector.shape_cast %parallel_loop3A_704 : vector<1x1x16xf32> to vector<16xf32>
        %parallel_loop3A_706 = vector.shape_cast %parallel_loop3A_700 : vector<16xf32> to vector<1x1x16xf32>
        tpu.vector_store %arg7[%parallel_loop3A_701, %parallel_loop3A_702, %parallel_loop3A_703], %parallel_loop3A_706 {strides = array<i32>} : memref<3x32x768xf32, #tpu.memory_space<vmem>>, vector<1x1x16xf32>,
        %parallel_loop3A_707 = arith.addf %parallel_loop3A_619, %parallel_loop3A_659 : vector<16xf32>
        %parallel_loop3A_708 = arith.index_cast %rem3A_108 : i32 to index
        %parallel_loop3A_709 = arith.index_cast %parallel_loop3A_176 : i32 to index
        %parallel_loop3A_710 = arith.constant 480 : index
        %parallel_loop3A_711 = tpu.vector_load %arg7[%parallel_loop3A_708, %parallel_loop3A_709, %parallel_loop3A_710] {strides = array<i32>} : memref<3x32x768xf32, #tpu.memory_space<vmem>>, vector<1x1x16xf32>,
        %parallel_loop3A_712 = vector.shape_cast %parallel_loop3A_711 : vector<1x1x16xf32> to vector<16xf32>
        %parallel_loop3A_713 = vector.shape_cast %parallel_loop3A_707 : vector<16xf32> to vector<1x1x16xf32>
        tpu.vector_store %arg7[%parallel_loop3A_708, %parallel_loop3A_709, %parallel_loop3A_710], %parallel_loop3A_713 {strides = array<i32>} : memref<3x32x768xf32, #tpu.memory_space<vmem>>, vector<1x1x16xf32>,
        %parallel_loop3A_714 = arith.addf %parallel_loop3A_624, %parallel_loop3A_664 : vector<16xf32>
        %parallel_loop3A_715 = arith.index_cast %rem3A_108 : i32 to index
        %parallel_loop3A_716 = arith.index_cast %parallel_loop3A_176 : i32 to index
        %parallel_loop3A_717 = arith.constant 496 : index
        %parallel_loop3A_718 = tpu.vector_load %arg7[%parallel_loop3A_715, %parallel_loop3A_716, %parallel_loop3A_717] {strides = array<i32>} : memref<3x32x768xf32, #tpu.memory_space<vmem>>, vector<1x1x16xf32>,
        %parallel_loop3A_719 = vector.shape_cast %parallel_loop3A_718 : vector<1x1x16xf32> to vector<16xf32>
        %parallel_loop3A_720 = vector.shape_cast %parallel_loop3A_714 : vector<16xf32> to vector<1x1x16xf32>
        tpu.vector_store %arg7[%parallel_loop3A_715, %parallel_loop3A_716, %parallel_loop3A_717], %parallel_loop3A_720 {strides = array<i32>} : memref<3x32x768xf32, #tpu.memory_space<vmem>>, vector<1x1x16xf32>,
        %parallel_loop3A_721 = arith.index_cast %rem3A_108 : i32 to index
        %parallel_loop3A_722 = arith.index_cast %parallel_loop3A_176 : i32 to index
        %parallel_loop3A_723 = arith.constant 512 : index
        %parallel_loop3A_724 = tpu.vector_load %arg7[%parallel_loop3A_721, %parallel_loop3A_722, %parallel_loop3A_723] {strides = array<i32>} : memref<3x32x768xf32, #tpu.memory_space<vmem>>, vector<1x1x16xf32>,
        %parallel_loop3A_725 = vector.shape_cast %parallel_loop3A_724 : vector<1x1x16xf32> to vector<16xf32>
        %parallel_loop3A_726 = arith.index_cast %rem3A_108 : i32 to index
        %parallel_loop3A_727 = arith.index_cast %parallel_loop3A_176 : i32 to index
        %parallel_loop3A_728 = arith.constant 528 : index
        %parallel_loop3A_729 = tpu.vector_load %arg7[%parallel_loop3A_726, %parallel_loop3A_727, %parallel_loop3A_728] {strides = array<i32>} : memref<3x32x768xf32, #tpu.memory_space<vmem>>, vector<1x1x16xf32>,
        %parallel_loop3A_730 = vector.shape_cast %parallel_loop3A_729 : vector<1x1x16xf32> to vector<16xf32>
        %parallel_loop3A_731 = arith.index_cast %rem3A_108 : i32 to index
        %parallel_loop3A_732 = arith.index_cast %parallel_loop3A_176 : i32 to index
        %parallel_loop3A_733 = arith.constant 544 : index
        %parallel_loop3A_734 = tpu.vector_load %arg7[%parallel_loop3A_731, %parallel_loop3A_732, %parallel_loop3A_733] {strides = array<i32>} : memref<3x32x768xf32, #tpu.memory_space<vmem>>, vector<1x1x16xf32>,
        %parallel_loop3A_735 = vector.shape_cast %parallel_loop3A_734 : vector<1x1x16xf32> to vector<16xf32>
        %parallel_loop3A_736 = arith.index_cast %rem3A_108 : i32 to index
        %parallel_loop3A_737 = arith.index_cast %parallel_loop3A_176 : i32 to index
        %parallel_loop3A_738 = arith.constant 560 : index
        %parallel_loop3A_739 = tpu.vector_load %arg7[%parallel_loop3A_736, %parallel_loop3A_737, %parallel_loop3A_738] {strides = array<i32>} : memref<3x32x768xf32, #tpu.memory_space<vmem>>, vector<1x1x16xf32>,
        %parallel_loop3A_740 = vector.shape_cast %parallel_loop3A_739 : vector<1x1x16xf32> to vector<16xf32>
        %parallel_loop3A_741 = arith.index_cast %rem3A_108 : i32 to index
        %parallel_loop3A_742 = arith.index_cast %parallel_loop3A_176 : i32 to index
        %parallel_loop3A_743 = arith.constant 576 : index
        %parallel_loop3A_744 = tpu.vector_load %arg7[%parallel_loop3A_741, %parallel_loop3A_742, %parallel_loop3A_743] {strides = array<i32>} : memref<3x32x768xf32, #tpu.memory_space<vmem>>, vector<1x1x16xf32>,
        %parallel_loop3A_745 = vector.shape_cast %parallel_loop3A_744 : vector<1x1x16xf32> to vector<16xf32>
        %parallel_loop3A_746 = arith.index_cast %rem3A_108 : i32 to index
        %parallel_loop3A_747 = arith.index_cast %parallel_loop3A_176 : i32 to index
        %parallel_loop3A_748 = arith.constant 592 : index
        %parallel_loop3A_749 = tpu.vector_load %arg7[%parallel_loop3A_746, %parallel_loop3A_747, %parallel_loop3A_748] {strides = array<i32>} : memref<3x32x768xf32, #tpu.memory_space<vmem>>, vector<1x1x16xf32>,
        %parallel_loop3A_750 = vector.shape_cast %parallel_loop3A_749 : vector<1x1x16xf32> to vector<16xf32>
        %parallel_loop3A_751 = arith.index_cast %rem3A_108 : i32 to index
        %parallel_loop3A_752 = arith.index_cast %parallel_loop3A_176 : i32 to index
        %parallel_loop3A_753 = arith.constant 608 : index
        %parallel_loop3A_754 = tpu.vector_load %arg7[%parallel_loop3A_751, %parallel_loop3A_752, %parallel_loop3A_753] {strides = array<i32>} : memref<3x32x768xf32, #tpu.memory_space<vmem>>, vector<1x1x16xf32>,
        %parallel_loop3A_755 = vector.shape_cast %parallel_loop3A_754 : vector<1x1x16xf32> to vector<16xf32>
        %parallel_loop3A_756 = arith.index_cast %rem3A_108 : i32 to index
        %parallel_loop3A_757 = arith.index_cast %parallel_loop3A_176 : i32 to index
        %parallel_loop3A_758 = arith.constant 624 : index
        %parallel_loop3A_759 = tpu.vector_load %arg7[%parallel_loop3A_756, %parallel_loop3A_757, %parallel_loop3A_758] {strides = array<i32>} : memref<3x32x768xf32, #tpu.memory_space<vmem>>, vector<1x1x16xf32>,
        %parallel_loop3A_760 = vector.shape_cast %parallel_loop3A_759 : vector<1x1x16xf32> to vector<16xf32>
        %parallel_loop3A_761 = arith.index_cast %rem3A_110 : i32 to index
        %parallel_loop3A_762 = arith.index_cast %parallel_loop3A_176 : i32 to index
        %parallel_loop3A_763 = arith.constant 512 : index
        %parallel_loop3A_764 = tpu.vector_load %arg8[%parallel_loop3A_761, %parallel_loop3A_762, %parallel_loop3A_763] {strides = array<i32>} : memref<2x32x768xf32, #tpu.memory_space<vmem>>, vector<1x1x16xf32>,
        %parallel_loop3A_765 = vector.shape_cast %parallel_loop3A_764 : vector<1x1x16xf32> to vector<16xf32>
        %parallel_loop3A_766 = arith.index_cast %rem3A_110 : i32 to index
        %parallel_loop3A_767 = arith.index_cast %parallel_loop3A_176 : i32 to index
        %parallel_loop3A_768 = arith.constant 528 : index
        %parallel_loop3A_769 = tpu.vector_load %arg8[%parallel_loop3A_766, %parallel_loop3A_767, %parallel_loop3A_768] {strides = array<i32>} : memref<2x32x768xf32, #tpu.memory_space<vmem>>, vector<1x1x16xf32>,
        %parallel_loop3A_770 = vector.shape_cast %parallel_loop3A_769 : vector<1x1x16xf32> to vector<16xf32>
        %parallel_loop3A_771 = arith.index_cast %rem3A_110 : i32 to index
        %parallel_loop3A_772 = arith.index_cast %parallel_loop3A_176 : i32 to index
        %parallel_loop3A_773 = arith.constant 544 : index
        %parallel_loop3A_774 = tpu.vector_load %arg8[%parallel_loop3A_771, %parallel_loop3A_772, %parallel_loop3A_773] {strides = array<i32>} : memref<2x32x768xf32, #tpu.memory_space<vmem>>, vector<1x1x16xf32>,
        %parallel_loop3A_775 = vector.shape_cast %parallel_loop3A_774 : vector<1x1x16xf32> to vector<16xf32>
        %parallel_loop3A_776 = arith.index_cast %rem3A_110 : i32 to index
        %parallel_loop3A_777 = arith.index_cast %parallel_loop3A_176 : i32 to index
        %parallel_loop3A_778 = arith.constant 560 : index
        %parallel_loop3A_779 = tpu.vector_load %arg8[%parallel_loop3A_776, %parallel_loop3A_777, %parallel_loop3A_778] {strides = array<i32>} : memref<2x32x768xf32, #tpu.memory_space<vmem>>, vector<1x1x16xf32>,
        %parallel_loop3A_780 = vector.shape_cast %parallel_loop3A_779 : vector<1x1x16xf32> to vector<16xf32>
        %parallel_loop3A_781 = arith.index_cast %rem3A_110 : i32 to index
        %parallel_loop3A_782 = arith.index_cast %parallel_loop3A_176 : i32 to index
        %parallel_loop3A_783 = arith.constant 576 : index
        %parallel_loop3A_784 = tpu.vector_load %arg8[%parallel_loop3A_781, %parallel_loop3A_782, %parallel_loop3A_783] {strides = array<i32>} : memref<2x32x768xf32, #tpu.memory_space<vmem>>, vector<1x1x16xf32>,
        %parallel_loop3A_785 = vector.shape_cast %parallel_loop3A_784 : vector<1x1x16xf32> to vector<16xf32>
        %parallel_loop3A_786 = arith.index_cast %rem3A_110 : i32 to index
        %parallel_loop3A_787 = arith.index_cast %parallel_loop3A_176 : i32 to index
        %parallel_loop3A_788 = arith.constant 592 : index
        %parallel_loop3A_789 = tpu.vector_load %arg8[%parallel_loop3A_786, %parallel_loop3A_787, %parallel_loop3A_788] {strides = array<i32>} : memref<2x32x768xf32, #tpu.memory_space<vmem>>, vector<1x1x16xf32>,
        %parallel_loop3A_790 = vector.shape_cast %parallel_loop3A_789 : vector<1x1x16xf32> to vector<16xf32>
        %parallel_loop3A_791 = arith.index_cast %rem3A_110 : i32 to index
        %parallel_loop3A_792 = arith.index_cast %parallel_loop3A_176 : i32 to index
        %parallel_loop3A_793 = arith.constant 608 : index
        %parallel_loop3A_794 = tpu.vector_load %arg8[%parallel_loop3A_791, %parallel_loop3A_792, %parallel_loop3A_793] {strides = array<i32>} : memref<2x32x768xf32, #tpu.memory_space<vmem>>, vector<1x1x16xf32>,
        %parallel_loop3A_795 = vector.shape_cast %parallel_loop3A_794 : vector<1x1x16xf32> to vector<16xf32>
        %parallel_loop3A_796 = arith.index_cast %rem3A_110 : i32 to index
        %parallel_loop3A_797 = arith.index_cast %parallel_loop3A_176 : i32 to index
        %parallel_loop3A_798 = arith.constant 624 : index
        %parallel_loop3A_799 = tpu.vector_load %arg8[%parallel_loop3A_796, %parallel_loop3A_797, %parallel_loop3A_798] {strides = array<i32>} : memref<2x32x768xf32, #tpu.memory_space<vmem>>, vector<1x1x16xf32>,
        %parallel_loop3A_800 = vector.shape_cast %parallel_loop3A_799 : vector<1x1x16xf32> to vector<16xf32>
        %parallel_loop3A_801 = arith.addf %parallel_loop3A_725, %parallel_loop3A_765 : vector<16xf32>
        %parallel_loop3A_802 = arith.index_cast %rem3A_108 : i32 to index
        %parallel_loop3A_803 = arith.index_cast %parallel_loop3A_176 : i32 to index
        %parallel_loop3A_804 = arith.constant 512 : index
        %parallel_loop3A_805 = tpu.vector_load %arg7[%parallel_loop3A_802, %parallel_loop3A_803, %parallel_loop3A_804] {strides = array<i32>} : memref<3x32x768xf32, #tpu.memory_space<vmem>>, vector<1x1x16xf32>,
        %parallel_loop3A_806 = vector.shape_cast %parallel_loop3A_805 : vector<1x1x16xf32> to vector<16xf32>
        %parallel_loop3A_807 = vector.shape_cast %parallel_loop3A_801 : vector<16xf32> to vector<1x1x16xf32>
        tpu.vector_store %arg7[%parallel_loop3A_802, %parallel_loop3A_803, %parallel_loop3A_804], %parallel_loop3A_807 {strides = array<i32>} : memref<3x32x768xf32, #tpu.memory_space<vmem>>, vector<1x1x16xf32>,
        %parallel_loop3A_808 = arith.addf %parallel_loop3A_730, %parallel_loop3A_770 : vector<16xf32>
        %parallel_loop3A_809 = arith.index_cast %rem3A_108 : i32 to index
        %parallel_loop3A_810 = arith.index_cast %parallel_loop3A_176 : i32 to index
        %parallel_loop3A_811 = arith.constant 528 : index
        %parallel_loop3A_812 = tpu.vector_load %arg7[%parallel_loop3A_809, %parallel_loop3A_810, %parallel_loop3A_811] {strides = array<i32>} : memref<3x32x768xf32, #tpu.memory_space<vmem>>, vector<1x1x16xf32>,
        %parallel_loop3A_813 = vector.shape_cast %parallel_loop3A_812 : vector<1x1x16xf32> to vector<16xf32>
        %parallel_loop3A_814 = vector.shape_cast %parallel_loop3A_808 : vector<16xf32> to vector<1x1x16xf32>
        tpu.vector_store %arg7[%parallel_loop3A_809, %parallel_loop3A_810, %parallel_loop3A_811], %parallel_loop3A_814 {strides = array<i32>} : memref<3x32x768xf32, #tpu.memory_space<vmem>>, vector<1x1x16xf32>,
        %parallel_loop3A_815 = arith.addf %parallel_loop3A_735, %parallel_loop3A_775 : vector<16xf32>
        %parallel_loop3A_816 = arith.index_cast %rem3A_108 : i32 to index
        %parallel_loop3A_817 = arith.index_cast %parallel_loop3A_176 : i32 to index
        %parallel_loop3A_818 = arith.constant 544 : index
        %parallel_loop3A_819 = tpu.vector_load %arg7[%parallel_loop3A_816, %parallel_loop3A_817, %parallel_loop3A_818] {strides = array<i32>} : memref<3x32x768xf32, #tpu.memory_space<vmem>>, vector<1x1x16xf32>,
        %parallel_loop3A_820 = vector.shape_cast %parallel_loop3A_819 : vector<1x1x16xf32> to vector<16xf32>
        %parallel_loop3A_821 = vector.shape_cast %parallel_loop3A_815 : vector<16xf32> to vector<1x1x16xf32>
        tpu.vector_store %arg7[%parallel_loop3A_816, %parallel_loop3A_817, %parallel_loop3A_818], %parallel_loop3A_821 {strides = array<i32>} : memref<3x32x768xf32, #tpu.memory_space<vmem>>, vector<1x1x16xf32>,
        %parallel_loop3A_822 = arith.addf %parallel_loop3A_740, %parallel_loop3A_780 : vector<16xf32>
        %parallel_loop3A_823 = arith.index_cast %rem3A_108 : i32 to index
        %parallel_loop3A_824 = arith.index_cast %parallel_loop3A_176 : i32 to index
        %parallel_loop3A_825 = arith.constant 560 : index
        %parallel_loop3A_826 = tpu.vector_load %arg7[%parallel_loop3A_823, %parallel_loop3A_824, %parallel_loop3A_825] {strides = array<i32>} : memref<3x32x768xf32, #tpu.memory_space<vmem>>, vector<1x1x16xf32>,
        %parallel_loop3A_827 = vector.shape_cast %parallel_loop3A_826 : vector<1x1x16xf32> to vector<16xf32>
        %parallel_loop3A_828 = vector.shape_cast %parallel_loop3A_822 : vector<16xf32> to vector<1x1x16xf32>
        tpu.vector_store %arg7[%parallel_loop3A_823, %parallel_loop3A_824, %parallel_loop3A_825], %parallel_loop3A_828 {strides = array<i32>} : memref<3x32x768xf32, #tpu.memory_space<vmem>>, vector<1x1x16xf32>,
        %parallel_loop3A_829 = arith.addf %parallel_loop3A_745, %parallel_loop3A_785 : vector<16xf32>
        %parallel_loop3A_830 = arith.index_cast %rem3A_108 : i32 to index
        %parallel_loop3A_831 = arith.index_cast %parallel_loop3A_176 : i32 to index
        %parallel_loop3A_832 = arith.constant 576 : index
        %parallel_loop3A_833 = tpu.vector_load %arg7[%parallel_loop3A_830, %parallel_loop3A_831, %parallel_loop3A_832] {strides = array<i32>} : memref<3x32x768xf32, #tpu.memory_space<vmem>>, vector<1x1x16xf32>,
        %parallel_loop3A_834 = vector.shape_cast %parallel_loop3A_833 : vector<1x1x16xf32> to vector<16xf32>
        %parallel_loop3A_835 = vector.shape_cast %parallel_loop3A_829 : vector<16xf32> to vector<1x1x16xf32>
        tpu.vector_store %arg7[%parallel_loop3A_830, %parallel_loop3A_831, %parallel_loop3A_832], %parallel_loop3A_835 {strides = array<i32>} : memref<3x32x768xf32, #tpu.memory_space<vmem>>, vector<1x1x16xf32>,
        %parallel_loop3A_836 = arith.addf %parallel_loop3A_750, %parallel_loop3A_790 : vector<16xf32>
        %parallel_loop3A_837 = arith.index_cast %rem3A_108 : i32 to index
        %parallel_loop3A_838 = arith.index_cast %parallel_loop3A_176 : i32 to index
        %parallel_loop3A_839 = arith.constant 592 : index
        %parallel_loop3A_840 = tpu.vector_load %arg7[%parallel_loop3A_837, %parallel_loop3A_838, %parallel_loop3A_839] {strides = array<i32>} : memref<3x32x768xf32, #tpu.memory_space<vmem>>, vector<1x1x16xf32>,
        %parallel_loop3A_841 = vector.shape_cast %parallel_loop3A_840 : vector<1x1x16xf32> to vector<16xf32>
        %parallel_loop3A_842 = vector.shape_cast %parallel_loop3A_836 : vector<16xf32> to vector<1x1x16xf32>
        tpu.vector_store %arg7[%parallel_loop3A_837, %parallel_loop3A_838, %parallel_loop3A_839], %parallel_loop3A_842 {strides = array<i32>} : memref<3x32x768xf32, #tpu.memory_space<vmem>>, vector<1x1x16xf32>,
        %parallel_loop3A_843 = arith.addf %parallel_loop3A_755, %parallel_loop3A_795 : vector<16xf32>
        %parallel_loop3A_844 = arith.index_cast %rem3A_108 : i32 to index
        %parallel_loop3A_845 = arith.index_cast %parallel_loop3A_176 : i32 to index
        %parallel_loop3A_846 = arith.constant 608 : index
        %parallel_loop3A_847 = tpu.vector_load %arg7[%parallel_loop3A_844, %parallel_loop3A_845, %parallel_loop3A_846] {strides = array<i32>} : memref<3x32x768xf32, #tpu.memory_space<vmem>>, vector<1x1x16xf32>,
        %parallel_loop3A_848 = vector.shape_cast %parallel_loop3A_847 : vector<1x1x16xf32> to vector<16xf32>
        %parallel_loop3A_849 = vector.shape_cast %parallel_loop3A_843 : vector<16xf32> to vector<1x1x16xf32>
        tpu.vector_store %arg7[%parallel_loop3A_844, %parallel_loop3A_845, %parallel_loop3A_846], %parallel_loop3A_849 {strides = array<i32>} : memref<3x32x768xf32, #tpu.memory_space<vmem>>, vector<1x1x16xf32>,
        %parallel_loop3A_850 = arith.addf %parallel_loop3A_760, %parallel_loop3A_800 : vector<16xf32>
        %parallel_loop3A_851 = arith.index_cast %rem3A_108 : i32 to index
        %parallel_loop3A_852 = arith.index_cast %parallel_loop3A_176 : i32 to index
        %parallel_loop3A_853 = arith.constant 624 : index
        %parallel_loop3A_854 = tpu.vector_load %arg7[%parallel_loop3A_851, %parallel_loop3A_852, %parallel_loop3A_853] {strides = array<i32>} : memref<3x32x768xf32, #tpu.memory_space<vmem>>, vector<1x1x16xf32>,
        %parallel_loop3A_855 = vector.shape_cast %parallel_loop3A_854 : vector<1x1x16xf32> to vector<16xf32>
        %parallel_loop3A_856 = vector.shape_cast %parallel_loop3A_850 : vector<16xf32> to vector<1x1x16xf32>
        tpu.vector_store %arg7[%parallel_loop3A_851, %parallel_loop3A_852, %parallel_loop3A_853], %parallel_loop3A_856 {strides = array<i32>} : memref<3x32x768xf32, #tpu.memory_space<vmem>>, vector<1x1x16xf32>,
        %parallel_loop3A_857 = arith.index_cast %rem3A_108 : i32 to index
        %parallel_loop3A_858 = arith.index_cast %parallel_loop3A_176 : i32 to index
        %parallel_loop3A_859 = arith.constant 640 : index
        %parallel_loop3A_860 = tpu.vector_load %arg7[%parallel_loop3A_857, %parallel_loop3A_858, %parallel_loop3A_859] {strides = array<i32>} : memref<3x32x768xf32, #tpu.memory_space<vmem>>, vector<1x1x16xf32>,
        %parallel_loop3A_861 = vector.shape_cast %parallel_loop3A_860 : vector<1x1x16xf32> to vector<16xf32>
        %parallel_loop3A_862 = arith.index_cast %rem3A_108 : i32 to index
        %parallel_loop3A_863 = arith.index_cast %parallel_loop3A_176 : i32 to index
        %parallel_loop3A_864 = arith.constant 656 : index
        %parallel_loop3A_865 = tpu.vector_load %arg7[%parallel_loop3A_862, %parallel_loop3A_863, %parallel_loop3A_864] {strides = array<i32>} : memref<3x32x768xf32, #tpu.memory_space<vmem>>, vector<1x1x16xf32>,
        %parallel_loop3A_866 = vector.shape_cast %parallel_loop3A_865 : vector<1x1x16xf32> to vector<16xf32>
        %parallel_loop3A_867 = arith.index_cast %rem3A_108 : i32 to index
        %parallel_loop3A_868 = arith.index_cast %parallel_loop3A_176 : i32 to index
        %parallel_loop3A_869 = arith.constant 672 : index
        %parallel_loop3A_870 = tpu.vector_load %arg7[%parallel_loop3A_867, %parallel_loop3A_868, %parallel_loop3A_869] {strides = array<i32>} : memref<3x32x768xf32, #tpu.memory_space<vmem>>, vector<1x1x16xf32>,
        %parallel_loop3A_871 = vector.shape_cast %parallel_loop3A_870 : vector<1x1x16xf32> to vector<16xf32>
        %parallel_loop3A_872 = arith.index_cast %rem3A_108 : i32 to index
        %parallel_loop3A_873 = arith.index_cast %parallel_loop3A_176 : i32 to index
        %parallel_loop3A_874 = arith.constant 688 : index
        %parallel_loop3A_875 = tpu.vector_load %arg7[%parallel_loop3A_872, %parallel_loop3A_873, %parallel_loop3A_874] {strides = array<i32>} : memref<3x32x768xf32, #tpu.memory_space<vmem>>, vector<1x1x16xf32>,
        %parallel_loop3A_876 = vector.shape_cast %parallel_loop3A_875 : vector<1x1x16xf32> to vector<16xf32>
        %parallel_loop3A_877 = arith.index_cast %rem3A_108 : i32 to index
        %parallel_loop3A_878 = arith.index_cast %parallel_loop3A_176 : i32 to index
        %parallel_loop3A_879 = arith.constant 704 : index
        %parallel_loop3A_880 = tpu.vector_load %arg7[%parallel_loop3A_877, %parallel_loop3A_878, %parallel_loop3A_879] {strides = array<i32>} : memref<3x32x768xf32, #tpu.memory_space<vmem>>, vector<1x1x16xf32>,
        %parallel_loop3A_881 = vector.shape_cast %parallel_loop3A_880 : vector<1x1x16xf32> to vector<16xf32>
        %parallel_loop3A_882 = arith.index_cast %rem3A_108 : i32 to index
        %parallel_loop3A_883 = arith.index_cast %parallel_loop3A_176 : i32 to index
        %parallel_loop3A_884 = arith.constant 720 : index
        %parallel_loop3A_885 = tpu.vector_load %arg7[%parallel_loop3A_882, %parallel_loop3A_883, %parallel_loop3A_884] {strides = array<i32>} : memref<3x32x768xf32, #tpu.memory_space<vmem>>, vector<1x1x16xf32>,
        %parallel_loop3A_886 = vector.shape_cast %parallel_loop3A_885 : vector<1x1x16xf32> to vector<16xf32>
        %parallel_loop3A_887 = arith.index_cast %rem3A_108 : i32 to index
        %parallel_loop3A_888 = arith.index_cast %parallel_loop3A_176 : i32 to index
        %parallel_loop3A_889 = arith.constant 736 : index
        %parallel_loop3A_890 = tpu.vector_load %arg7[%parallel_loop3A_887, %parallel_loop3A_888, %parallel_loop3A_889] {strides = array<i32>} : memref<3x32x768xf32, #tpu.memory_space<vmem>>, vector<1x1x16xf32>,
        %parallel_loop3A_891 = vector.shape_cast %parallel_loop3A_890 : vector<1x1x16xf32> to vector<16xf32>
        %parallel_loop3A_892 = arith.index_cast %rem3A_108 : i32 to index
        %parallel_loop3A_893 = arith.index_cast %parallel_loop3A_176 : i32 to index
        %parallel_loop3A_894 = arith.constant 752 : index
        %parallel_loop3A_895 = tpu.vector_load %arg7[%parallel_loop3A_892, %parallel_loop3A_893, %parallel_loop3A_894] {strides = array<i32>} : memref<3x32x768xf32, #tpu.memory_space<vmem>>, vector<1x1x16xf32>,
        %parallel_loop3A_896 = vector.shape_cast %parallel_loop3A_895 : vector<1x1x16xf32> to vector<16xf32>
        %parallel_loop3A_897 = arith.index_cast %rem3A_110 : i32 to index
        %parallel_loop3A_898 = arith.index_cast %parallel_loop3A_176 : i32 to index
        %parallel_loop3A_899 = arith.constant 640 : index
        %parallel_loop3A_900 = tpu.vector_load %arg8[%parallel_loop3A_897, %parallel_loop3A_898, %parallel_loop3A_899] {strides = array<i32>} : memref<2x32x768xf32, #tpu.memory_space<vmem>>, vector<1x1x16xf32>,
        %parallel_loop3A_901 = vector.shape_cast %parallel_loop3A_900 : vector<1x1x16xf32> to vector<16xf32>
        %parallel_loop3A_902 = arith.index_cast %rem3A_110 : i32 to index
        %parallel_loop3A_903 = arith.index_cast %parallel_loop3A_176 : i32 to index
        %parallel_loop3A_904 = arith.constant 656 : index
        %parallel_loop3A_905 = tpu.vector_load %arg8[%parallel_loop3A_902, %parallel_loop3A_903, %parallel_loop3A_904] {strides = array<i32>} : memref<2x32x768xf32, #tpu.memory_space<vmem>>, vector<1x1x16xf32>,
        %parallel_loop3A_906 = vector.shape_cast %parallel_loop3A_905 : vector<1x1x16xf32> to vector<16xf32>
        %parallel_loop3A_907 = arith.index_cast %rem3A_110 : i32 to index
        %parallel_loop3A_908 = arith.index_cast %parallel_loop3A_176 : i32 to index
        %parallel_loop3A_909 = arith.constant 672 : index
        %parallel_loop3A_910 = tpu.vector_load %arg8[%parallel_loop3A_907, %parallel_loop3A_908, %parallel_loop3A_909] {strides = array<i32>} : memref<2x32x768xf32, #tpu.memory_space<vmem>>, vector<1x1x16xf32>,
        %parallel_loop3A_911 = vector.shape_cast %parallel_loop3A_910 : vector<1x1x16xf32> to vector<16xf32>
        %parallel_loop3A_912 = arith.index_cast %rem3A_110 : i32 to index
        %parallel_loop3A_913 = arith.index_cast %parallel_loop3A_176 : i32 to index
        %parallel_loop3A_914 = arith.constant 688 : index
        %parallel_loop3A_915 = tpu.vector_load %arg8[%parallel_loop3A_912, %parallel_loop3A_913, %parallel_loop3A_914] {strides = array<i32>} : memref<2x32x768xf32, #tpu.memory_space<vmem>>, vector<1x1x16xf32>,
        %parallel_loop3A_916 = vector.shape_cast %parallel_loop3A_915 : vector<1x1x16xf32> to vector<16xf32>
        %parallel_loop3A_917 = arith.index_cast %rem3A_110 : i32 to index
        %parallel_loop3A_918 = arith.index_cast %parallel_loop3A_176 : i32 to index
        %parallel_loop3A_919 = arith.constant 704 : index
        %parallel_loop3A_920 = tpu.vector_load %arg8[%parallel_loop3A_917, %parallel_loop3A_918, %parallel_loop3A_919] {strides = array<i32>} : memref<2x32x768xf32, #tpu.memory_space<vmem>>, vector<1x1x16xf32>,
        %parallel_loop3A_921 = vector.shape_cast %parallel_loop3A_920 : vector<1x1x16xf32> to vector<16xf32>
        %parallel_loop3A_922 = arith.index_cast %rem3A_110 : i32 to index
        %parallel_loop3A_923 = arith.index_cast %parallel_loop3A_176 : i32 to index
        %parallel_loop3A_924 = arith.constant 720 : index
        %parallel_loop3A_925 = tpu.vector_load %arg8[%parallel_loop3A_922, %parallel_loop3A_923, %parallel_loop3A_924] {strides = array<i32>} : memref<2x32x768xf32, #tpu.memory_space<vmem>>, vector<1x1x16xf32>,
        %parallel_loop3A_926 = vector.shape_cast %parallel_loop3A_925 : vector<1x1x16xf32> to vector<16xf32>
        %parallel_loop3A_927 = arith.index_cast %rem3A_110 : i32 to index
        %parallel_loop3A_928 = arith.index_cast %parallel_loop3A_176 : i32 to index
        %parallel_loop3A_929 = arith.constant 736 : index
        %parallel_loop3A_930 = tpu.vector_load %arg8[%parallel_loop3A_927, %parallel_loop3A_928, %parallel_loop3A_929] {strides = array<i32>} : memref<2x32x768xf32, #tpu.memory_space<vmem>>, vector<1x1x16xf32>,
        %parallel_loop3A_931 = vector.shape_cast %parallel_loop3A_930 : vector<1x1x16xf32> to vector<16xf32>
        %parallel_loop3A_932 = arith.index_cast %rem3A_110 : i32 to index
        %parallel_loop3A_933 = arith.index_cast %parallel_loop3A_176 : i32 to index
        %parallel_loop3A_934 = arith.constant 752 : index
        %parallel_loop3A_935 = tpu.vector_load %arg8[%parallel_loop3A_932, %parallel_loop3A_933, %parallel_loop3A_934] {strides = array<i32>} : memref<2x32x768xf32, #tpu.memory_space<vmem>>, vector<1x1x16xf32>,
        %parallel_loop3A_936 = vector.shape_cast %parallel_loop3A_935 : vector<1x1x16xf32> to vector<16xf32>
        %parallel_loop3A_937 = arith.addf %parallel_loop3A_861, %parallel_loop3A_901 : vector<16xf32>
        %parallel_loop3A_938 = arith.index_cast %rem3A_108 : i32 to index
        %parallel_loop3A_939 = arith.index_cast %parallel_loop3A_176 : i32 to index
        %parallel_loop3A_940 = arith.constant 640 : index
        %parallel_loop3A_941 = tpu.vector_load %arg7[%parallel_loop3A_938, %parallel_loop3A_939, %parallel_loop3A_940] {strides = array<i32>} : memref<3x32x768xf32, #tpu.memory_space<vmem>>, vector<1x1x16xf32>,
        %parallel_loop3A_942 = vector.shape_cast %parallel_loop3A_941 : vector<1x1x16xf32> to vector<16xf32>
        %parallel_loop3A_943 = vector.shape_cast %parallel_loop3A_937 : vector<16xf32> to vector<1x1x16xf32>
        tpu.vector_store %arg7[%parallel_loop3A_938, %parallel_loop3A_939, %parallel_loop3A_940], %parallel_loop3A_943 {strides = array<i32>} : memref<3x32x768xf32, #tpu.memory_space<vmem>>, vector<1x1x16xf32>,
        %parallel_loop3A_944 = arith.addf %parallel_loop3A_866, %parallel_loop3A_906 : vector<16xf32>
        %parallel_loop3A_945 = arith.index_cast %rem3A_108 : i32 to index
        %parallel_loop3A_946 = arith.index_cast %parallel_loop3A_176 : i32 to index
        %parallel_loop3A_947 = arith.constant 656 : index
        %parallel_loop3A_948 = tpu.vector_load %arg7[%parallel_loop3A_945, %parallel_loop3A_946, %parallel_loop3A_947] {strides = array<i32>} : memref<3x32x768xf32, #tpu.memory_space<vmem>>, vector<1x1x16xf32>,
        %parallel_loop3A_949 = vector.shape_cast %parallel_loop3A_948 : vector<1x1x16xf32> to vector<16xf32>
        %parallel_loop3A_950 = vector.shape_cast %parallel_loop3A_944 : vector<16xf32> to vector<1x1x16xf32>
        tpu.vector_store %arg7[%parallel_loop3A_945, %parallel_loop3A_946, %parallel_loop3A_947], %parallel_loop3A_950 {strides = array<i32>} : memref<3x32x768xf32, #tpu.memory_space<vmem>>, vector<1x1x16xf32>,
        %parallel_loop3A_951 = arith.addf %parallel_loop3A_871, %parallel_loop3A_911 : vector<16xf32>
        %parallel_loop3A_952 = arith.index_cast %rem3A_108 : i32 to index
        %parallel_loop3A_953 = arith.index_cast %parallel_loop3A_176 : i32 to index
        %parallel_loop3A_954 = arith.constant 672 : index
        %parallel_loop3A_955 = tpu.vector_load %arg7[%parallel_loop3A_952, %parallel_loop3A_953, %parallel_loop3A_954] {strides = array<i32>} : memref<3x32x768xf32, #tpu.memory_space<vmem>>, vector<1x1x16xf32>,
        %parallel_loop3A_956 = vector.shape_cast %parallel_loop3A_955 : vector<1x1x16xf32> to vector<16xf32>
        %parallel_loop3A_957 = vector.shape_cast %parallel_loop3A_951 : vector<16xf32> to vector<1x1x16xf32>
        tpu.vector_store %arg7[%parallel_loop3A_952, %parallel_loop3A_953, %parallel_loop3A_954], %parallel_loop3A_957 {strides = array<i32>} : memref<3x32x768xf32, #tpu.memory_space<vmem>>, vector<1x1x16xf32>,
        %parallel_loop3A_958 = arith.addf %parallel_loop3A_876, %parallel_loop3A_916 : vector<16xf32>
        %parallel_loop3A_959 = arith.index_cast %rem3A_108 : i32 to index
        %parallel_loop3A_960 = arith.index_cast %parallel_loop3A_176 : i32 to index
        %parallel_loop3A_961 = arith.constant 688 : index
        %parallel_loop3A_962 = tpu.vector_load %arg7[%parallel_loop3A_959, %parallel_loop3A_960, %parallel_loop3A_961] {strides = array<i32>} : memref<3x32x768xf32, #tpu.memory_space<vmem>>, vector<1x1x16xf32>,
        %parallel_loop3A_963 = vector.shape_cast %parallel_loop3A_962 : vector<1x1x16xf32> to vector<16xf32>
        %parallel_loop3A_964 = vector.shape_cast %parallel_loop3A_958 : vector<16xf32> to vector<1x1x16xf32>
        tpu.vector_store %arg7[%parallel_loop3A_959, %parallel_loop3A_960, %parallel_loop3A_961], %parallel_loop3A_964 {strides = array<i32>} : memref<3x32x768xf32, #tpu.memory_space<vmem>>, vector<1x1x16xf32>,
        %parallel_loop3A_965 = arith.addf %parallel_loop3A_881, %parallel_loop3A_921 : vector<16xf32>
        %parallel_loop3A_966 = arith.index_cast %rem3A_108 : i32 to index
        %parallel_loop3A_967 = arith.index_cast %parallel_loop3A_176 : i32 to index
        %parallel_loop3A_968 = arith.constant 704 : index
        %parallel_loop3A_969 = tpu.vector_load %arg7[%parallel_loop3A_966, %parallel_loop3A_967, %parallel_loop3A_968] {strides = array<i32>} : memref<3x32x768xf32, #tpu.memory_space<vmem>>, vector<1x1x16xf32>,
        %parallel_loop3A_970 = vector.shape_cast %parallel_loop3A_969 : vector<1x1x16xf32> to vector<16xf32>
        %parallel_loop3A_971 = vector.shape_cast %parallel_loop3A_965 : vector<16xf32> to vector<1x1x16xf32>
        tpu.vector_store %arg7[%parallel_loop3A_966, %parallel_loop3A_967, %parallel_loop3A_968], %parallel_loop3A_971 {strides = array<i32>} : memref<3x32x768xf32, #tpu.memory_space<vmem>>, vector<1x1x16xf32>,
        %parallel_loop3A_972 = arith.addf %parallel_loop3A_886, %parallel_loop3A_926 : vector<16xf32>
        %parallel_loop3A_973 = arith.index_cast %rem3A_108 : i32 to index
        %parallel_loop3A_974 = arith.index_cast %parallel_loop3A_176 : i32 to index
        %parallel_loop3A_975 = arith.constant 720 : index
        %parallel_loop3A_976 = tpu.vector_load %arg7[%parallel_loop3A_973, %parallel_loop3A_974, %parallel_loop3A_975] {strides = array<i32>} : memref<3x32x768xf32, #tpu.memory_space<vmem>>, vector<1x1x16xf32>,
        %parallel_loop3A_977 = vector.shape_cast %parallel_loop3A_976 : vector<1x1x16xf32> to vector<16xf32>
        %parallel_loop3A_978 = vector.shape_cast %parallel_loop3A_972 : vector<16xf32> to vector<1x1x16xf32>
        tpu.vector_store %arg7[%parallel_loop3A_973, %parallel_loop3A_974, %parallel_loop3A_975], %parallel_loop3A_978 {strides = array<i32>} : memref<3x32x768xf32, #tpu.memory_space<vmem>>, vector<1x1x16xf32>,
        %parallel_loop3A_979 = arith.addf %parallel_loop3A_891, %parallel_loop3A_931 : vector<16xf32>
        %parallel_loop3A_980 = arith.index_cast %rem3A_108 : i32 to index
        %parallel_loop3A_981 = arith.index_cast %parallel_loop3A_176 : i32 to index
        %parallel_loop3A_982 = arith.constant 736 : index
        %parallel_loop3A_983 = tpu.vector_load %arg7[%parallel_loop3A_980, %parallel_loop3A_981, %parallel_loop3A_982] {strides = array<i32>} : memref<3x32x768xf32, #tpu.memory_space<vmem>>, vector<1x1x16xf32>,
        %parallel_loop3A_984 = vector.shape_cast %parallel_loop3A_983 : vector<1x1x16xf32> to vector<16xf32>
        %parallel_loop3A_985 = vector.shape_cast %parallel_loop3A_979 : vector<16xf32> to vector<1x1x16xf32>
        tpu.vector_store %arg7[%parallel_loop3A_980, %parallel_loop3A_981, %parallel_loop3A_982], %parallel_loop3A_985 {strides = array<i32>} : memref<3x32x768xf32, #tpu.memory_space<vmem>>, vector<1x1x16xf32>,
        %parallel_loop3A_986 = arith.addf %parallel_loop3A_896, %parallel_loop3A_936 : vector<16xf32>
        %parallel_loop3A_987 = arith.index_cast %rem3A_108 : i32 to index
        %parallel_loop3A_988 = arith.index_cast %parallel_loop3A_176 : i32 to index
        %parallel_loop3A_989 = arith.constant 752 : index
        %parallel_loop3A_990 = tpu.vector_load %arg7[%parallel_loop3A_987, %parallel_loop3A_988, %parallel_loop3A_989] {strides = array<i32>} : memref<3x32x768xf32, #tpu.memory_space<vmem>>, vector<1x1x16xf32>,
        %parallel_loop3A_991 = vector.shape_cast %parallel_loop3A_990 : vector<1x1x16xf32> to vector<16xf32>
        %parallel_loop3A_992 = vector.shape_cast %parallel_loop3A_986 : vector<16xf32> to vector<1x1x16xf32>
        tpu.vector_store %arg7[%parallel_loop3A_987, %parallel_loop3A_988, %parallel_loop3A_989], %parallel_loop3A_992 {strides = array<i32>} : memref<3x32x768xf32, #tpu.memory_space<vmem>>, vector<1x1x16xf32>,
      } {sc.loop_unroll_factor = 2 : i64, sc.parallel_access}
      %add3A_158 = arith.constant 16 : i32
      %add3A_159 = arith.addi %add3A_134, %add3A_158 : i32
      %dma_start3A_160 = arith.constant 16 : i32
      %dma_start3A_161 = arith.constant 0 : i32
      %dma_start3A_162 = tpu.memref_slice %arg7[%rem3A_108, %dma_start3A_160, %dma_start3A_161] : memref<3x32x768xf32, #tpu.memory_space<vmem>> -> memref<1x16x768xf32, #tpu.memory_space<vmem>>
      %dma_start3A_163 = tpu.memref_squeeze %dma_start3A_162 : memref<1x16x768xf32, #tpu.memory_space<vmem>> -> memref<16x768xf32, #tpu.memory_space<vmem>>
      %dma_start3A_164 = arith.constant 0 : i32
      %dma_start3A_165 = tpu.memref_slice %arg5[%rem3A_106, %add3A_159, %dma_start3A_164] : memref<4x8192x768xf32, #tpu.memory_space<hbm>> -> memref<1x16x768xf32, #tpu.memory_space<hbm>>
      %dma_start3A_166 = tpu.memref_squeeze %dma_start3A_165 : memref<1x16x768xf32, #tpu.memory_space<hbm>> -> memref<16x768xf32, #tpu.memory_space<hbm>>
      %dma_start3A_167 = tpu.memref_slice %arg11[%rem3A_108] : memref<3x!tpu.dma_semaphore, #tpu.memory_space<semaphore_mem>> -> memref<1x!tpu.dma_semaphore, #tpu.memory_space<semaphore_mem>>
      %dma_start3A_168 = tpu.memref_squeeze %dma_start3A_167 : memref<1x!tpu.dma_semaphore, #tpu.memory_space<semaphore_mem>> -> memref<!tpu.dma_semaphore, #tpu.memory_space<semaphore_mem>>
      %dma_start3A_169 = arith.constant 0 : i32
      %dma_start3A_170 = tpu.memref_slice %arg5[%rem3A_106, %add3A_159, %dma_start3A_169] : memref<4x8192x768xf32, #tpu.memory_space<hbm>> -> memref<1x16x768xf32, #tpu.memory_space<hbm>>
      %dma_start3A_171 = tpu.memref_squeeze %dma_start3A_170 : memref<1x16x768xf32, #tpu.memory_space<hbm>> -> memref<16x768xf32, #tpu.memory_space<hbm>>
      %dma_start3A_172 = arith.constant 16 : i32
      %dma_start3A_173 = arith.constant 0 : i32
      %dma_start3A_174 = tpu.memref_slice %arg7[%rem3A_108, %dma_start3A_172, %dma_start3A_173] : memref<3x32x768xf32, #tpu.memory_space<vmem>> -> memref<1x16x768xf32, #tpu.memory_space<vmem>>
      %dma_start3A_175 = tpu.memref_squeeze %dma_start3A_174 : memref<1x16x768xf32, #tpu.memory_space<vmem>> -> memref<16x768xf32, #tpu.memory_space<vmem>>
      tpu.enqueue_dma source(%dma_start3A_175 : memref<16x768xf32, #tpu.memory_space<vmem>>) target(%dma_start3A_171 : memref<16x768xf32, #tpu.memory_space<hbm>>) target_semaphore(%dma_start3A_168 : memref<!tpu.dma_semaphore, #tpu.memory_space<semaphore_mem>>)
    }
    %scan3A_45 = arith.constant 32 : i32
    %dma_wait3A = arith.constant 0 : i32
    %dma_wait3A_46 = arith.constant 0 : i32
    %dma_wait3A_47 = arith.constant 0 : i32
    %dma_wait3A_48 = arith.constant 0 : i32
    %dma_wait3A_49 = arith.constant 0 : i32
    %dma_wait3A_50 = tpu.memref_slice %arg7[%dma_wait3A, %dma_wait3A_48, %dma_wait3A_49] : memref<3x32x768xf32, #tpu.memory_space<vmem>> -> memref<1x32x768xf32, #tpu.memory_space<vmem>>
    %dma_wait3A_51 = tpu.memref_squeeze %dma_wait3A_50 : memref<1x32x768xf32, #tpu.memory_space<vmem>> -> memref<32x768xf32, #tpu.memory_space<vmem>>
    %dma_wait3A_52 = arith.constant 0 : i32
    %dma_wait3A_53 = arith.constant 0 : i32
    %dma_wait3A_54 = tpu.memref_slice %arg5[%dma_wait3A_46, %dma_wait3A_52, %dma_wait3A_53] : memref<4x8192x768xf32, #tpu.memory_space<hbm>> -> memref<1x32x768xf32, #tpu.memory_space<hbm>>
    %dma_wait3A_55 = tpu.memref_squeeze %dma_wait3A_54 : memref<1x32x768xf32, #tpu.memory_space<hbm>> -> memref<32x768xf32, #tpu.memory_space<hbm>>
    %dma_wait3A_56 = tpu.memref_slice %arg11[%dma_wait3A_47] : memref<3x!tpu.dma_semaphore, #tpu.memory_space<semaphore_mem>> -> memref<1x!tpu.dma_semaphore, #tpu.memory_space<semaphore_mem>>
    %dma_wait3A_57 = tpu.memref_squeeze %dma_wait3A_56 : memref<1x!tpu.dma_semaphore, #tpu.memory_space<semaphore_mem>> -> memref<!tpu.dma_semaphore, #tpu.memory_space<semaphore_mem>>
    %dma_wait3A_58 = arith.constant 0 : i32
    %dma_wait3A_59 = arith.constant 0 : i32
    %dma_wait3A_60 = tpu.memref_slice %arg5[%dma_wait3A_46, %dma_wait3A_58, %dma_wait3A_59] : memref<4x8192x768xf32, #tpu.memory_space<hbm>> -> memref<1x32x768xf32, #tpu.memory_space<hbm>>
    %dma_wait3A_61 = tpu.memref_squeeze %dma_wait3A_60 : memref<1x32x768xf32, #tpu.memory_space<hbm>> -> memref<32x768xf32, #tpu.memory_space<hbm>>
    %dma_wait3A_62 = arith.constant 0 : i32
    %dma_wait3A_63 = arith.constant 0 : i32
    %dma_wait3A_64 = tpu.memref_slice %arg7[%dma_wait3A, %dma_wait3A_62, %dma_wait3A_63] : memref<3x32x768xf32, #tpu.memory_space<vmem>> -> memref<1x32x768xf32, #tpu.memory_space<vmem>>
    %dma_wait3A_65 = tpu.memref_squeeze %dma_wait3A_64 : memref<1x32x768xf32, #tpu.memory_space<vmem>> -> memref<32x768xf32, #tpu.memory_space<vmem>>
    tpu.wait_dma2 semaphore(%dma_wait3A_57 : memref<!tpu.dma_semaphore, #tpu.memory_space<semaphore_mem>>) src(%dma_wait3A_65 : memref<32x768xf32, #tpu.memory_space<vmem>>) dst(%dma_wait3A_61 : memref<32x768xf32, #tpu.memory_space<hbm>>)
    %dma_wait3A_66 = arith.constant 1 : i32
    %dma_wait3A_67 = arith.constant 0 : i32
    %dma_wait3A_68 = arith.constant 1 : i32
    %dma_wait3A_69 = arith.constant 0 : i32
    %dma_wait3A_70 = arith.constant 0 : i32
    %dma_wait3A_71 = tpu.memref_slice %arg7[%dma_wait3A_66, %dma_wait3A_69, %dma_wait3A_70] : memref<3x32x768xf32, #tpu.memory_space<vmem>> -> memref<1x32x768xf32, #tpu.memory_space<vmem>>
    %dma_wait3A_72 = tpu.memref_squeeze %dma_wait3A_71 : memref<1x32x768xf32, #tpu.memory_space<vmem>> -> memref<32x768xf32, #tpu.memory_space<vmem>>
    %dma_wait3A_73 = arith.constant 0 : i32
    %dma_wait3A_74 = arith.constant 0 : i32
    %dma_wait3A_75 = tpu.memref_slice %arg5[%dma_wait3A_67, %dma_wait3A_73, %dma_wait3A_74] : memref<4x8192x768xf32, #tpu.memory_space<hbm>> -> memref<1x32x768xf32, #tpu.memory_space<hbm>>
    %dma_wait3A_76 = tpu.memref_squeeze %dma_wait3A_75 : memref<1x32x768xf32, #tpu.memory_space<hbm>> -> memref<32x768xf32, #tpu.memory_space<hbm>>
    %dma_wait3A_77 = tpu.memref_slice %arg11[%dma_wait3A_68] : memref<3x!tpu.dma_semaphore, #tpu.memory_space<semaphore_mem>> -> memref<1x!tpu.dma_semaphore, #tpu.memory_space<semaphore_mem>>
    %dma_wait3A_78 = tpu.memref_squeeze %dma_wait3A_77 : memref<1x!tpu.dma_semaphore, #tpu.memory_space<semaphore_mem>> -> memref<!tpu.dma_semaphore, #tpu.memory_space<semaphore_mem>>
    %dma_wait3A_79 = arith.constant 0 : i32
    %dma_wait3A_80 = arith.constant 0 : i32
    %dma_wait3A_81 = tpu.memref_slice %arg5[%dma_wait3A_67, %dma_wait3A_79, %dma_wait3A_80] : memref<4x8192x768xf32, #tpu.memory_space<hbm>> -> memref<1x32x768xf32, #tpu.memory_space<hbm>>
    %dma_wait3A_82 = tpu.memref_squeeze %dma_wait3A_81 : memref<1x32x768xf32, #tpu.memory_space<hbm>> -> memref<32x768xf32, #tpu.memory_space<hbm>>
    %dma_wait3A_83 = arith.constant 0 : i32
    %dma_wait3A_84 = arith.constant 0 : i32
    %dma_wait3A_85 = tpu.memref_slice %arg7[%dma_wait3A_66, %dma_wait3A_83, %dma_wait3A_84] : memref<3x32x768xf32, #tpu.memory_space<vmem>> -> memref<1x32x768xf32, #tpu.memory_space<vmem>>
    %dma_wait3A_86 = tpu.memref_squeeze %dma_wait3A_85 : memref<1x32x768xf32, #tpu.memory_space<vmem>> -> memref<32x768xf32, #tpu.memory_space<vmem>>
    tpu.wait_dma2 semaphore(%dma_wait3A_78 : memref<!tpu.dma_semaphore, #tpu.memory_space<semaphore_mem>>) src(%dma_wait3A_86 : memref<32x768xf32, #tpu.memory_space<vmem>>) dst(%dma_wait3A_82 : memref<32x768xf32, #tpu.memory_space<hbm>>)
    return
  }
}

</mosaic_0001>

<sc_bundles>
// kernel: kernel.3.cloned.1.call-start
scs
__scs_entry_jumppad:
0x0: {  	(pc) =	sbr.rel $0x88, $3  }
0x1: {  	(tag) =	ssettag $0x0;
	lr =	simm.s32 $0x1  }
0x2: {  	[smem:$0x3F9E] =	sst lr;
	_ =	strace $0xD0000000  }
0x3: {  	_ = 	snop  }
0x4: {  	_ = 	snop  }
0x5: {  	_ = 	snop  }
0x6: {  	_ = 	snop  }
0x7: {  	_ = 	snop  }
__scs_overlays_trampoline_lowered:
0x8: {  	[smem:$0x3FAD] =	sst s0  }
0x9: {  	[smem:$0x3FAE] =	sst s1  }
0xa: {  	[smem:$0x3FAF] =	sst s2  }
0xb: {  	[smem:$0x3FB0] =	sst s3  }
0xc: {  	[smem:$0x3FB1] =	sst s4  }
0xd: {  	[smem:$0x3FB2] =	sst s5  }
0xe: {  	[smem:$0x3FB3] =	sst s6  }
0xf: {  	[smem:$0x3FB4] =	sst s7  }
0x10: {  	[smem:$0x3FB5] =	sst s8  }
0x11: {  	[smem:$0x3FB6] =	sst s9;
	s0 =	simm.s32 @!p0 $0x0  }
0x12: {  	s1 =	sld [smem:$0x3F9C];
	s0 =	simm.s32 @p0 $0x1  }
0x13: {  	[smem:$0x3FB7] =	sst s0;
	s0 =	simm.s32 @!p1 $0x0  }
0x14: {  	s2 =	sld [smem:$0x3F9B];
	s0 =	simm.s32 @p1 $0x1  }
0x15: {  	[smem:$0x3FB8] =	sst s0;
	s0 =	simm.s32 @!p2 $0x0  }
0x16: {  	s3 =	sld [smem:$0x3FDB];
	s0 =	simm.s32 @p2 $0x1  }
0x17: {  	s4 =	simm.s32 $0x1BF5;
	[smem:$0x3FBA] =	sst s0  }
0x18: {  	s0 =	sld [smem:$0x3F9D];
	_ =	swait.ge [sflag:s4], $0x0  }
0x19: {  	s7 =	sld [smem:$0x3F9E]  }
0x1a: {  	s8 =	sadd.s32 $0xFFFFE003, lr  }
0x1b: {  	s9 =	sadd.s32 $0xFFFFFEF7, lr;
	s5 =	simm.s32 $0xFFFFFFFF;
	p2 =	slt.u32 s8, $0xFFFFF086  }
0x1c: {  	p1 =	slt.u32 s9, $0xF7A;
	s5 =	simm.s32 @!p2 $0x0  }
0x1d: {  	s5 =	simm.s32 @p1 $0x1;
	p0 =	seq.s32 s7, s2  }
0x1e: {  	s7 =	smul.u32 @!p0 $0xF7A, s2;
	p2 =	seq.s32 @!p0 s5, $0x0  }
0x1f: {  	s9 =	smul.u32 $0xF7A, s1;
	s8 =	simm.s32 @!p0 $0x1BF5;
	p2 =	por !p2, p0  }
0x20: {  	[sflag:s8] =	ssyncset.s32 @!p0 $0xFFFFF086;
	s6 =	sadd.s32 @!p0 s3, s7;
	s7 =	simm.s32 @!p0 $0x108  }
0x21: {  	s3 =	sadd.s32 s3, s9;
	s6 =	sadd.s32 @!p0 $0x88, s6;
	s7 =	simm.s32 @p2 $0x1082  }
0x22: {  	[simem:s7], [sflag:s8] =	dma.local @!p0 [hbm:s6], $0xF7A  }
0x23: {  	s9 =	sor.u32 $0xD0000000, s2;
	s6 =	simm.s32 $0x108;
	_ =	swait.ge @!p0 [sflag:s8], $0x0  }
0x24: {  	s3 =	sadd.s32 $0x88, s3;
	s6 =	simm.s32 @!p1 $0x1082;
	[sflag:s4] =	ssyncset.s32 $0xFFFFF086  }
0x25: {  	[simem:s6], [sflag:s4] =	dma.local [hbm:s3], $0xF7A  }
0x26: {  	[smem:$0x3F9E] =	sst s1;
	(tag) =	ssettag s2;
	_ =	strace s9  }
0x27: {  	s1 =	sld [smem:$0x3FAE]  }
0x28: {  	s2 =	sld [smem:$0x3FAF]  }
0x29: {  	s4 =	sld [smem:$0x3FB1]  }
0x2a: {  	p0 =	seq.s32 s5, $0x0;
	s5 =	sld [smem:$0x3FB2]  }
0x2b: {  	s6 =	sld [smem:$0x3FB3]  }
0x2c: {  	s7 =	sld [smem:$0x3FB4]  }
0x2d: {  	s3 =	simm.s32 $0x108;
	s8 =	sld [smem:$0x3FB5]  }
0x2e: {  	s3 =	simm.s32 @!p0 $0x1082;
	s9 =	sld [smem:$0x3FB6]  }
0x2f: {  	lr =	sadd.s32 s0, s3;
	s0 =	sld [smem:$0x3FAD]  }
0x30: {  	s3 =	sld [smem:$0x3FB0]  }
0x31: {  	[smem:$0x3FB9] =	sst s10  }
0x32: {  	s10 =	sld [smem:$0x3FB7];
	_ =	sdelay $0x3  }
0x33: {  	p0 =	seq.s32 s10, $0x1;
	s10 =	sld [smem:$0x3FB9];
	_ =	sdelay $0x3  }
0x34: {  	[smem:$0x3FB9] =	sst s10  }
0x35: {  	s10 =	sld [smem:$0x3FB8];
	_ =	sdelay $0x3  }
0x36: {  	p1 =	seq.s32 s10, $0x1;
	s10 =	sld [smem:$0x3FB9];
	_ =	sdelay $0x3  }
0x37: {  	[smem:$0x3FB9] =	sst s10  }
0x38: {  	s10 =	sld [smem:$0x3FBA]  }
0x39: {  	_ = 	snop;
	(pc) =	sbr.ind lr, $3  }
0x3a: {  	_ = 	snop  }
0x3b: {  	_ = 	snop  }
0x3c: {  	p2 =	seq.s32 s10, $0x1;
	s10 =	sld [smem:$0x3FB9]  }
0x3d: {  	_ =	shalt  }
0x3e: {  	_ =	shalt  }
0x3f: {  	_ =	shalt  }
0x40: {  	_ =	shalt  }
0x41: {  	_ =	shalt  }
0x42: {  	_ =	shalt  }
0x43: {  	_ =	shalt  }
0x44: {  	_ =	shalt  }
0x45: {  	_ =	shalt  }
0x46: {  	_ =	shalt  }
0x47: {  	_ =	shalt  }
0x48: {  	_ =	shalt  }
0x49: {  	_ =	shalt  }
0x4a: {  	_ =	shalt  }
0x4b: {  	_ =	shalt  }
0x4c: {  	_ =	shalt  }
0x4d: {  	_ =	shalt  }
0x4e: {  	_ =	shalt  }
0x4f: {  	_ =	shalt  }
0x50: {  	_ =	shalt  }
0x51: {  	_ =	shalt  }
0x52: {  	_ =	shalt  }
0x53: {  	_ =	shalt  }
0x54: {  	_ =	shalt  }
0x55: {  	_ =	shalt  }
0x56: {  	_ =	shalt  }
0x57: {  	_ =	shalt  }
0x58: {  	_ =	shalt  }
0x59: {  	_ =	shalt  }
0x5a: {  	_ =	shalt  }
0x5b: {  	_ =	shalt  }
0x5c: {  	_ =	shalt  }
0x5d: {  	_ =	shalt  }
0x5e: {  	_ =	shalt  }
0x5f: {  	_ =	shalt  }
0x60: {  	_ =	shalt  }
0x61: {  	_ =	shalt  }
0x62: {  	_ =	shalt  }
0x63: {  	_ =	shalt  }
0x64: {  	_ =	shalt  }
0x65: {  	_ =	shalt  }
0x66: {  	_ =	shalt  }
0x67: {  	_ =	shalt  }
0x68: {  	_ =	shalt  }
0x69: {  	_ =	shalt  }
0x6a: {  	_ =	shalt  }
0x6b: {  	_ =	shalt  }
0x6c: {  	_ =	shalt  }
0x6d: {  	_ =	shalt  }
0x6e: {  	_ =	shalt  }
0x6f: {  	_ =	shalt  }
0x70: {  	_ =	shalt  }
0x71: {  	_ =	shalt  }
0x72: {  	_ =	shalt  }
0x73: {  	_ =	shalt  }
0x74: {  	_ =	shalt  }
0x75: {  	_ =	shalt  }
0x76: {  	_ =	shalt  }
0x77: {  	_ =	shalt  }
0x78: {  	_ =	shalt  }
0x79: {  	_ =	shalt  }
0x7a: {  	_ =	shalt  }
0x7b: {  	_ =	shalt  }
0x7c: {  	_ =	shalt  }
0x7d: {  	_ =	shalt  }
0x7e: {  	_ =	shalt  }
0x7f: {  	_ =	shalt  }
0x80: {  	_ =	shalt  }
0x81: {  	_ =	shalt  }
0x82: {  	_ =	shalt  }
0x83: {  	_ =	shalt  }
0x84: {  	_ =	shalt  }
0x85: {  	_ =	shalt  }
0x86: {  	_ =	shalt  }
0x87: {  	_ =	shalt  }
.Lfunc_end0:
.L_simem_size_0:
called_computation_lowered:
.L_overlay_start_0:
0x88: {  	s2 =	sld [smem:$0x3FD9]  }
0x89: {  	s3 =	sld [smem:$0x3FFE];
	_ =	sdelay $0x1  }
0x8a: {  	s1 =	srdreg.scid  }
0x8b: {  	s0 =	sand.u32 $0x1, s1  }
0x8c: {  	s18 =	sshll.u32 s0, $0xA;
	s2 =	sadd.s32 s3, s2  }
0x8d: {  	s2 =	sadd.s32 s2, s18  }
0x8e: {  	[smem:$0x3FC5] =	sst s2  }
0x8f: {  	_ = 	snop  }
0x90: {  	s2 =	sld [smem:$0x3FC9]  }
0x91: {  	s19 =	sld [smem:$0x3FC8]  }
0x92: {  	s4 =	sld [smem:$0x3FC7]  }
0x93: {  	s5 =	sld [smem:$0x3FD0];
	(tm) =	ssettm $0x1  }
0x94: {  	s6 =	sld [smem:$0x3FFB];
	_ =	sdelay $0x3  }
0x95: {  	_ =	strace s6  }
0x96: {  	s6 =	sld [smem:$0x3FFC];
	_ =	sdelay $0x3  }
0x97: {  	_ =	strace s6  }
0x98: {  	s6 =	sld [smem:$0x3FFD];
	_ =	sdelay $0x3  }
0x99: {  	_ =	strace s6  }
0x9a: {  	_ =	strace $0x8FFFFFFF  }
0x9b: {  	s20 =	sld [smem:$0x3FDB];
	_ =	sdelay $0x1  }
0x9c: {  	s7 =	simm.s32 $_scs_section_size  }
0x9d: {  	s8 =	simm.s32 $_size__tile_overlayer_lowered;
	s9 =	simm.s32 $_tile_overlayer_lowered  }
0x9e: {  	s23 =	simm.s32 $0x1BFF;
	s22 =	sshll.u32 s9, $0x1;
	s6 =	sadd.s32 s7, s20  }
0x9f: {  	s10 =	simm.s32 $0x0;
	s21 =	sshll.u32 s8, $0x1;
	s8 =	sadd.s32 s22, s6  }
0xa0: {  	[timem:s10], [sflag:s23] =	dma.local [hbm:s8], s21  }
0xa1: {  	_ =	swait.ge [sflag:s23], s21  }
0xa2: {  	s7 =	ssub.s32 $0x0, s21;
	[sflag:s23] =	ssyncset.done $0x0  }
0xa3: {  	[sflag:s23] =	ssyncadd.s32 s7;
	_ =	sdelay $0x1  }
0xa4: {  	s24 =	simm.s32 $0x1B8B  }
0xa5: {  	_ =	swait.ge [sflag:s24], $0x1  }
0xa6: {  	[sflag:s24] =	ssyncset.done $0x0  }
0xa7: {  	s25 =	simm.s32 $0x1B8E;
	[sflag:s24] =	ssyncadd.s32 $0xFFFFFFFF  }
0xa8: {  	s26 =	simm.s32 $execute0_lowered;
	[smem:$0x3FD2] =	sst s25  }
0xa9: {  	s7 =	sshll.u32 s26, $0x1;
	_ =	strace $0x80000046;
	[dreg:$0x1] =	wrdreg $0xFFFFFFFF  }
0xaa: {  	s28 =	simm.s32 $_size_execute0_lowered;
	s6 =	sadd.s32 s6, s7;
	[dreg:$0x0] =	wrdreg $0x0  }
0xab: {  	s7 =	sshll.u32 s28, $0x1;
	[dreg:$0x2] =	wrdreg s6  }
0xac: {  	[dreg:$0x3] =	wrdreg s7  }
0xad: {  	[dreg:$0x4] =	wrdreg $0xC0  }
0xae: {  	_ =	task [dreg:s10], $0x5FFFF  }
0xaf: {  	[dreg:$0x1] =	wrdreg $0xFFFFFFFF  }
0xb0: {  	[dreg:$0x0] =	wrdreg $0x60  }
0xb1: {  	[dreg:$0x2] =	wrdreg s2  }
0xb2: {  	[dreg:$0x3] =	wrdreg s19  }
0xb3: {  	[dreg:$0x4] =	wrdreg s4  }
0xb4: {  	[dreg:$0x5] =	wrdreg s5  }
0xb5: {  	[dreg:$0x6] =	wrdreg $0x9  }
0xb6: {  	_ =	task.clear_ibuf [dreg:s10], $0x7FFFF;
	_ =	strace $0x90000046  }
0xb7: {  	s29 =	simm.s32 $0x9;
	_ =	strace $0x80000048  }
0xb8: {  	_ =	swait.ge [sflag:s29], $0x1  }
0xb9: {  	[sflag:s29] =	ssyncadd.s32 $0xFFFFFFFF  }
0xba: {  	_ =	strace $0x90000048  }
0xbb: {  	_ =	sfence  }
0xbc: {  	s30 =	sld [smem:$0x0];
	_ =	sdelay $0x2  }
0xbd: {  	s31 =	sshll.u32 s1, $0xD;
	s1 =	sshrl.u32 s1, $0x2  }
0xbe: {  	s3 =	sand.u32 $0x4000, s31;
	s1 =	sadd.s32 s1, s30  }
0xbf: {  	s0 =	sor.u32 s3, s0;
	s1 =	sshll.u32 s1, $0x11  }
0xc0: {  	s0 =	sor.u32 s1, s0  }
0xc1: {  	s0 =	sadd.s32 $0x8F2B, s0  }
0xc2: {  	[sflag:s0] =	ssyncadd.remote.s32 $0x1  }
0xc3: {  	_ =	sfence.sel $0xFFFF  }
0xc4: {  	[dreg:$0x0] =	wrdreg $0xFFFFFFFF;
	(pc) =	sbr.abs _section_cstart, $3  }
0xc5: {  	[dreg:$0x1] =	wrdreg $0xFFFFFFFF  }
0xc6: {  	_ =	task.clear_ibuf [dreg:s10], $0x2FFFF;
	_ =	strace $0x9FFFFFFF  }
0xc7: {  	(tm) =	ssettm $0x7FFFFFFF  }
tec
execute0_lowered:
.L_overlay_start_1:
0x0: {  	(tag) =	ssettag $0x1  }
0x1: {  	s0 =	rddreg [dreg:$0x0]  }
0x2: {  	s1 =	rddreg [dreg:$0x1]  }
0x3: {  	s2 =	srdreg.scid;
	s3 =	rddreg [dreg:$0x2]  }
0x4: {  	s5 =	stileid.u32;
	s4 =	rddreg [dreg:$0x3];
	s2 =	sand.u32 $0x1, s2  }
0x5: {  	s6 =	sshll.u32 s5, $0x9;
	s5 =	simm.s32 $0x0;
	s7 =	sshll.u32 s2, $0x8  }
0x6: {  	[smem:$0x7FF] =	sst s5;
	s2 =	ssub.s32 $0x2, s2;
	s6 =	sor.u32 s7, s6  }
0x7: {  	s8 =	sshrl.u32 s2, $0x1;
	s7 =	sshrl.u32 s6, $0x3;
	s9 =	sshrl.u32 s6, $0x1  }
0x8: {  	s2 =	ssub.s32 s2, s8;
	s7 =	smul.u32 $0x300, s7;
	s0 =	sadd.s32 s0, s9  }
0x9: {  	v2 =	vlaneseq.u32;
	_ =	strace $0x80000047;
	s31 =	smax.u32 s2, $0x1;
	[dreg:$0x5] =	wrdreg s0  }
0xa: {  	vm0 =	vmmov $0xffff;
	s29 =	simm.s32 $0x0;
	v1 =	vshrl.u32 v2, $0x3;
	[dreg:$0x7] =	wrdreg s31;
	s30 =	sadd.s32 s3, s7  }
0xb: {  	s10 =	sadd.s32 $0x200, s1;
	v0 =	vand.u32 $0x7, v2;
	v2 =	vor.u32 $0x8, v2;
	v1 =	vmul.u32 $0x8, v1;
	s9 =	sadd.s32 $0x100, s1;
	[dreg:$0x6] =	wrdreg s30  }
.LBB2_1:
0xc: {  	s0 =	rddreg [dreg:$0x5];
	s16 =	simm.s32 $0x9  }
0xd: {  	[tilespmem:s5], [sflag:$0x9] =	stream.linear.gather [hbm4b:s0+s5], $0x400, $0x38;
	[tilespmem:$0x1E400] =	vst v63  }
0xe: {  	_ =	swait.ge [sflag:s16], $0x400  }
0xf: {  	[sflag:s16] =	ssyncset.done $0x0  }
0x10: {  	s2 =	simm.s32 $0x12400;
	s17 =	rddreg [dreg:$0x6];
	[sflag:s16] =	ssyncadd.s32 $0xFFFFFC00  }
0x11: {  	[tilespmem:s2], [sflag:$0x4] =	stream.linear.gather [hbm4b:s17+s5], $0x6000, $0x38;
	[tilespmem:$0x1E400] =	vst v63  }
0x12: {  	v3 =	vld [tilespmem:$0x0];
	_ =	sdelay $0x4  }
0x13: {  	v4 =	vshrl.u32 v3, $0x3  }
0x14: {  	v4 =	vmul.u32 $0x30, v4  }
0x15: {  	v3 =	vand.u32 $0x7, v3  }
0x16: {  	v3 =	vor.u32 v3, v4  }
0x17: {  	v4 =	vperm.xlane v3, v0;
	_ =	sdelay $0x1  }
0x18: {  	v4 =	vadd.s32 v1, v4;
	_ =	sdelay $0x3  }
0x19: {  	s18 =	simm.s32 $0x400;
	v3 =	vperm.xlane v3, v2  }
0x1a: {  	[tilespmem:s18], [sflag:$0x1] =	stream.indirect_vreg.gather [hbm4b:s1+s5], $0x80, v4, vm0, $0xb8;
	[tilespmem:$0x1E400] =	vst v63  }
0x1b: {  	s19 =	simm.s32 $0xC00;
	v3 =	vadd.s32 v1, v3  }
0x1c: {  	[tilespmem:s19], [sflag:$0x1] =	stream.indirect_vreg.gather [hbm4b:s9+s5], $0x80, v4, vm0, $0xb8;
	[tilespmem:$0x1E400] =	vst v63  }
0x1d: {  	s20 =	simm.s32 $0x1400  }
0x1e: {  	[tilespmem:s20], [sflag:$0x1] =	stream.indirect_vreg.gather [hbm4b:s10+s5], $0x80, v4, vm0, $0xb8;
	[tilespmem:$0x1E400] =	vst v63  }
0x1f: {  	s21 =	simm.s32 $0x1C00  }
0x20: {  	[tilespmem:s21], [sflag:$0x1] =	stream.indirect_vreg.gather [hbm4b:s1+s5], $0x80, v3, vm0, $0xb8;
	[tilespmem:$0x1E400] =	vst v63  }
0x21: {  	s22 =	simm.s32 $0x2400  }
0x22: {  	[tilespmem:s22], [sflag:$0x1] =	stream.indirect_vreg.gather [hbm4b:s9+s5], $0x80, v3, vm0, $0xb8;
	[tilespmem:$0x1E400] =	vst v63  }
0x23: {  	s23 =	simm.s32 $0x2C00  }
0x24: {  	[tilespmem:s23], [sflag:$0x1] =	stream.indirect_vreg.gather [hbm4b:s10+s5], $0x80, v3, vm0, $0xb8;
	[tilespmem:$0x1E400] =	vst v63  }
0x25: {  	v3 =	vld [tilespmem:$0x10];
	_ =	sdelay $0x4  }
0x26: {  	v63 =	vshrl.u32 v3, $0x3  }
0x27: {  	v4 =	vmul.u32 $0x30, v63  }
0x28: {  	v3 =	vand.u32 $0x7, v3  }
0x29: {  	v3 =	vor.u32 v3, v4  }
0x2a: {  	v4 =	vperm.xlane v3, v0;
	_ =	sdelay $0x1  }
0x2b: {  	v4 =	vadd.s32 v1, v4;
	_ =	sdelay $0x3  }
0x2c: {  	s24 =	simm.s32 $0x3400;
	v3 =	vperm.xlane v3, v2  }
0x2d: {  	[tilespmem:s24], [sflag:$0x1] =	stream.indirect_vreg.gather [hbm4b:s1+s5], $0x80, v4, vm0, $0xb8;
	[tilespmem:$0x1E400] =	vst v63  }
0x2e: {  	s25 =	simm.s32 $0x3C00;
	v3 =	vadd.s32 v1, v3  }
0x2f: {  	[tilespmem:s25], [sflag:$0x1] =	stream.indirect_vreg.gather [hbm4b:s9+s5], $0x80, v4, vm0, $0xb8;
	[tilespmem:$0x1E400] =	vst v63  }
0x30: {  	s26 =	simm.s32 $0x4400  }
0x31: {  	[tilespmem:s26], [sflag:$0x1] =	stream.indirect_vreg.gather [hbm4b:s10+s5], $0x80, v4, vm0, $0xb8;
	[tilespmem:$0x1E400] =	vst v63  }
0x32: {  	s28 =	simm.s32 $0x4C00  }
0x33: {  	[tilespmem:s28], [sflag:$0x1] =	stream.indirect_vreg.gather [hbm4b:s1+s5], $0x80, v3, vm0, $0xb8;
	[tilespmem:$0x1E400] =	vst v63  }
0x34: {  	s30 =	simm.s32 $0x5400  }
0x35: {  	[tilespmem:s30], [sflag:$0x1] =	stream.indirect_vreg.gather [hbm4b:s9+s5], $0x80, v3, vm0, $0xb8;
	[tilespmem:$0x1E400] =	vst v63  }
0x36: {  	s31 =	simm.s32 $0x5C00;
	s2 =	simm.s32 $0x0  }
0x37: {  	[tilespmem:s31], [sflag:$0x1] =	stream.indirect_vreg.gather [hbm4b:s10+s5], $0x80, v3, vm0, $0xb8;
	[tilespmem:$0x1E400] =	vst v63  }
.LBB2_2:
0x38: {  	p0 =	seq.s32 s2, $0x1F  }
.Ltmp0:
0x39: {  	_ = 	snop;
	(pc) =	sbr.rel @p0 .LBB2_8-.Ltmp0, $2  }
0x3a: {  	_ =	sdelay $0x2  }
0x3b: {  	s13 =	sshrl.u32 s2, $0x2;
	s0 =	sand.u32 $0x3, s2;
	s30 =	sadd.s32 $0x1, s2  }
0x3c: {  	p0 =	sne.s32 s0, $0x3  }
.Ltmp1:
0x3d: {  	_ = 	snop;
	(pc) =	sbr.rel @p0 .LBB2_5-.Ltmp1, $1  }
0x3e: {  	_ =	sdelay $0x3  }
0x3f: {  	s7 =	sadd.s32 $0x1, s13  }
0x40: {  	s8 =	sshll.u32 s7, $0x5;
	s7 =	sand.u32 $0x1, s7  }
0x41: {  	s8 =	sadd.s32 s6, s8;
	s11 =	smul.u32 $0x18000, s7  }
.Ltmp2:
0x42: {  	s8 =	sshrl.u32 s8, $0x3;
	(pc) =	sbr.rel .LBB2_6-.Ltmp2, $4  }
0x43: {  	s8 =	smul.u32 $0x300, s8  }
0x44: {  	s11 =	sshrl.u32 s11, $0x2  }
0x45: {  	s7 =	sor.u32 $0x4, s7;
	s11 =	sadd.s32 $0x12400, s11;
	s8 =	sadd.s32 s3, s8  }
0x46: {  	[tilespmem:s11], [sflag:s7] =	stream.linear.gather [hbm4b:s8+s5], $0x6000, $0x38;
	[tilespmem:$0x1E400] =	vst v63  }
.LBB2_5:
0x47: {  	p0 =	slt.u32 s2, $0x2  }
.Ltmp3:
0x48: {  	_ = 	snop;
	(pc) =	sbr.rel @p0 .LBB2_7-.Ltmp3, $2  }
0x49: {  	_ =	sdelay $0x2  }
0x4a: {  	s7 =	smov.u32 s30  }
.LBB2_6:
0x4b: {  	s7 =	smul.u32 $0xAB, s30;
	_ =	sdelay $0x1  }
0x4c: {  	s7 =	sshrl.u32 s7, $0x9  }
0x4d: {  	s7 =	sand.u32 $0x7F, s7  }
0x4e: {  	s7 =	smul.u32 $0x3, s7;
	_ =	sdelay $0x1  }
0x4f: {  	s7 =	ssub.s32 s30, s7  }
0x50: {  	s7 =	sand.u32 $0xFF, s7  }
0x51: {  	s8 =	sadd.s32 $0x6, s7  }
0x52: {  	_ =	swait.ge [sflag:s8], $0x6000  }
0x53: {  	[sflag:s8] =	ssyncset.done $0x0  }
0x54: {  	[sflag:s8] =	ssyncadd.s32 $0xFFFFA000  }
.LBB2_7:
0x55: {  	s8 =	sshll.u32 s30, $0x5;
	s11 =	sshll.u32 s30, $0x7  }
0x56: {  	s12 =	sshll.u32 s30, $0x3;
	s8 =	sand.u32 $0x600, s8;
	s11 =	sand.u32 $0x180, s11  }
0x57: {  	s12 =	sand.u32 $0x60, s12;
	s8 =	sor.u32 s11, s8  }
0x58: {  	s8 =	sor.u32 s12, s8  }
0x59: {  	v3 =	vld [tilespmem:s8+$0x0];
	_ =	sdelay $0x4  }
0x5a: {  	v4 =	vshrl.u32 v3, $0x3  }
0x5b: {  	v4 =	vmul.u32 $0x30, v4  }
0x5c: {  	v3 =	vand.u32 $0x7, v3  }
0x5d: {  	v3 =	vor.u32 v3, v4  }
0x5e: {  	v4 =	vperm.xlane v3, v0;
	_ =	sdelay $0x1  }
0x5f: {  	v4 =	vadd.s32 v1, v4  }
0x60: {  	s15 =	smul.u32 $0x18000, s7;
	_ =	sdelay $0x1  }
0x61: {  	s11 =	sshra.s32 s15, $0x2  }
0x62: {  	s17 =	sadd.s32 $0x1, s7;
	s16 =	sor.u32 $0x400, s11;
	v3 =	vperm.xlane v3, v2  }
0x63: {  	[tilespmem:s16], [sflag:s17] =	stream.indirect_vreg.gather [hbm4b:s1+s5], $0x80, v4, vm0, $0xb8;
	[tilespmem:$0x1E400] =	vst v63  }
0x64: {  	s18 =	sor.u32 $0xC00, s11;
	v3 =	vadd.s32 v1, v3  }
0x65: {  	[tilespmem:s18], [sflag:s17] =	stream.indirect_vreg.gather [hbm4b:s9+s5], $0x80, v4, vm0, $0xb8;
	[tilespmem:$0x1E400] =	vst v63  }
0x66: {  	s19 =	sor.u32 $0x1400, s11  }
0x67: {  	[tilespmem:s19], [sflag:s17] =	stream.indirect_vreg.gather [hbm4b:s10+s5], $0x80, v4, vm0, $0xb8;
	[tilespmem:$0x1E400] =	vst v63  }
0x68: {  	s20 =	sor.u32 $0x1C00, s11  }
0x69: {  	[tilespmem:s20], [sflag:s17] =	stream.indirect_vreg.gather [hbm4b:s1+s5], $0x80, v3, vm0, $0xb8;
	[tilespmem:$0x1E400] =	vst v63  }
0x6a: {  	s21 =	sadd.s32 $0x2400, s11  }
0x6b: {  	[tilespmem:s21], [sflag:s17] =	stream.indirect_vreg.gather [hbm4b:s9+s5], $0x80, v3, vm0, $0xb8;
	[tilespmem:$0x1E400] =	vst v63  }
0x6c: {  	s22 =	sadd.s32 $0x2C00, s11  }
0x6d: {  	[tilespmem:s22], [sflag:s17] =	stream.indirect_vreg.gather [hbm4b:s10+s5], $0x80, v3, vm0, $0xb8;
	[tilespmem:$0x1E400] =	vst v63  }
0x6e: {  	v3 =	vld [tilespmem:s8+$0x10];
	_ =	sdelay $0x4  }
0x6f: {  	v63 =	vshrl.u32 v3, $0x3  }
0x70: {  	v4 =	vmul.u32 $0x30, v63  }
0x71: {  	v3 =	vand.u32 $0x7, v3  }
0x72: {  	v3 =	vor.u32 v3, v4  }
0x73: {  	v4 =	vperm.xlane v3, v0;
	_ =	sdelay $0x1  }
0x74: {  	v4 =	vadd.s32 v1, v4;
	_ =	sdelay $0x3  }
0x75: {  	s23 =	sadd.s32 $0x3400, s11;
	v3 =	vperm.xlane v3, v2  }
0x76: {  	[tilespmem:s23], [sflag:s17] =	stream.indirect_vreg.gather [hbm4b:s1+s5], $0x80, v4, vm0, $0xb8;
	[tilespmem:$0x1E400] =	vst v63  }
0x77: {  	s24 =	sadd.s32 $0x3C00, s11;
	v3 =	vadd.s32 v1, v3  }
0x78: {  	[tilespmem:s24], [sflag:s17] =	stream.indirect_vreg.gather [hbm4b:s9+s5], $0x80, v4, vm0, $0xb8;
	[tilespmem:$0x1E400] =	vst v63  }
0x79: {  	s25 =	sadd.s32 $0x4400, s11  }
0x7a: {  	[tilespmem:s25], [sflag:s17] =	stream.indirect_vreg.gather [hbm4b:s10+s5], $0x80, v4, vm0, $0xb8;
	[tilespmem:$0x1E400] =	vst v63  }
0x7b: {  	s26 =	sadd.s32 $0x4C00, s11  }
0x7c: {  	[tilespmem:s26], [sflag:s17] =	stream.indirect_vreg.gather [hbm4b:s1+s5], $0x80, v3, vm0, $0xb8;
	[tilespmem:$0x1E400] =	vst v63  }
0x7d: {  	s28 =	sadd.s32 $0x5400, s11  }
0x7e: {  	[tilespmem:s28], [sflag:s17] =	stream.indirect_vreg.gather [hbm4b:s9+s5], $0x80, v3, vm0, $0xb8;
	[tilespmem:$0x1E400] =	vst v63  }
0x7f: {  	s31 =	sadd.s32 $0x5C00, s11  }
0x80: {  	[tilespmem:s31], [sflag:s17] =	stream.indirect_vreg.gather [hbm4b:s10+s5], $0x80, v3, vm0, $0xb8;
	[tilespmem:$0x1E400] =	vst v63  }
.LBB2_8:
0x81: {  	s7 =	smul.u32 $0xAB, s2;
	_ =	sdelay $0x1  }
0x82: {  	s7 =	sshrl.u32 s7, $0x9  }
0x83: {  	s7 =	sand.u32 $0x7F, s7  }
0x84: {  	s7 =	smul.u32 $0x3, s7;
	_ =	sdelay $0x1  }
0x85: {  	s24 =	ssub.s32 s2, s7  }
0x86: {  	s14 =	sand.u32 $0xFF, s24  }
0x87: {  	s8 =	simm.s32 $0x0;
	s25 =	sadd.s32 $0x1, s14  }
0x88: {  	p0 =	sne.s32 s0, $0x0;
	s21 =	smul.u32 $0x1800, s8;
	_ =	swait.ge [sflag:s25], $0x6000  }
0x89: {  	s2 =	sand.u32 $0x1, s13;
	s31 =	smul.u32 $0x6000, s14;
	[sflag:s25] =	ssyncset.done $0x0  }
0x8a: {  	s15 =	simm.s32 $0x0;
	s8 =	sor.u32 @!p0 $0x4, s2;
	[sflag:s25] =	ssyncadd.s32 $0xFFFFA000  }
0x8b: {  	s16 =	sand.u32 $0x300, s15;
	s18 =	sadd.s32 s31, s21;
	_ =	swait.ge @!p0 [sflag:s8], $0x6000  }
0x8c: {  	s17 =	sor.u32 $0x80, s16;
	s7 =	sadd.s32 $0x1400, s18;
	[sflag:s8] =	ssyncset.done @!p0 $0x0  }
0x8d: {  	s12 =	sadd.s32 $0xC00, s18;
	s20 =	sadd.s32 s17, s7;
	[sflag:s8] =	ssyncadd.s32 @!p0 $0xFFFFA000  }
0x8e: {  	s23 =	sadd.s32 $0x400, s18;
	s25 =	sadd.s32 s17, s12;
	v3 =	vld [tilespmem:s20+$0x0]  }
0x8f: {  	s19 =	sadd.s32 s17, s23;
	v5 =	vld [tilespmem:s25+$0x0]  }
0x90: {  	v6 =	vld [tilespmem:s19+$0x0]  }
0x91: {  	v7 =	vld [tilespmem:s19+$0x10]  }
0x92: {  	s2 =	smul.u32 $0x6000, s2;
	v8 =	vld [tilespmem:s19+$0x20]  }
0x93: {  	v9 =	vld [tilespmem:s19+$0x30]  }
0x94: {  	s21 =	sadd.s32 s2, s21;
	v10 =	vld [tilespmem:s19+$0x40]  }
0x95: {  	s24 =	sadd.s32 $0x12400, s21;
	v11 =	vld [tilespmem:s19+$0x50]  }
0x96: {  	s22 =	sadd.s32 s17, s24;
	v12 =	vld [tilespmem:s19+$0x60]  }
0x97: {  	v13 =	vld [tilespmem:s22+$0x0]  }
0x98: {  	v14 =	vld [tilespmem:s22+$0x10]  }
0x99: {  	v15 =	vld [tilespmem:s22+$0x20]  }
0x9a: {  	v16 =	vld [tilespmem:s22+$0x30]  }
0x9b: {  	v17 =	vld [tilespmem:s22+$0x40]  }
0x9c: {  	v18 =	vld [tilespmem:s22+$0x50]  }
0x9d: {  	s23 =	sadd.s32 s16, s23;
	v19 =	vld [tilespmem:s19+$0x70]  }
0x9e: {  	v20 =	vld [tilespmem:s23+$0x50]  }
0x9f: {  	s24 =	sadd.s32 s16, s24;
	v21 =	vld [tilespmem:s23+$0x60]  }
0xa0: {  	v22 =	vld [tilespmem:s24+$0x0]  }
0xa1: {  	v23 =	vld [tilespmem:s24+$0x10]  }
0xa2: {  	v24 =	vld [tilespmem:s24+$0x20]  }
0xa3: {  	s8 =	sadd.s32 $0x1000, s18;
	v25 =	vld [tilespmem:s24+$0x30]  }
0xa4: {  	s11 =	sadd.s32 s17, s8;
	v26 =	vld [tilespmem:s24+$0x40]  }
0xa5: {  	v4 =	vld [tilespmem:s11+$0x0];
	v6 =	vadd.f32 v13, v6  }
0xa6: {  	v13 =	vld [tilespmem:s22+$0x60];
	v7 =	vadd.f32 v14, v7  }
0xa7: {  	v14 =	vld [tilespmem:s22+$0x70];
	[tilespmem:s19+$0x0] =	vst v6;
	v6 =	vadd.f32 v15, v8  }
0xa8: {  	v46 =	vld [tilespmem:s24+$0x60];
	[tilespmem:s19+$0x10] =	vst v7;
	v7 =	vadd.f32 v16, v9  }
0xa9: {  	v8 =	vld [tilespmem:s19+$0x400];
	[tilespmem:s19+$0x20] =	vst v6;
	v6 =	vadd.f32 v17, v10  }
0xaa: {  	v9 =	vld [tilespmem:s19+$0x410];
	[tilespmem:s19+$0x30] =	vst v7;
	v7 =	vadd.f32 v18, v11  }
0xab: {  	v16 =	vld [tilespmem:s19+$0x440];
	[tilespmem:s19+$0x40] =	vst v6;
	v6 =	vadd.f32 v13, v12  }
0xac: {  	v10 =	vld [tilespmem:s19+$0x420];
	[tilespmem:s19+$0x50] =	vst v7;
	v7 =	vadd.f32 v14, v19  }
0xad: {  	v18 =	vld [tilespmem:s23+$0x30];
	[tilespmem:s19+$0x60] =	vst v6  }
0xae: {  	v6 =	vld [tilespmem:s19+$0x430];
	[tilespmem:s19+$0x70] =	vst v7  }
0xaf: {  	v7 =	vld [tilespmem:s22+$0x400]  }
0xb0: {  	v11 =	vld [tilespmem:s22+$0x410]  }
0xb1: {  	v12 =	vld [tilespmem:s22+$0x420]  }
0xb2: {  	v13 =	vld [tilespmem:s22+$0x430]  }
0xb3: {  	v14 =	vld [tilespmem:s22+$0x440]  }
0xb4: {  	v15 =	vld [tilespmem:s22+$0x450]  }
0xb5: {  	v7 =	vadd.f32 v7, v8;
	v8 =	vld [tilespmem:s22+$0x460]  }
0xb6: {  	v9 =	vadd.f32 v11, v9;
	v11 =	vld [tilespmem:s22+$0x470]  }
0xb7: {  	[tilespmem:s19+$0x400] =	vst v7;
	v7 =	vld [tilespmem:s19+$0x450]  }
0xb8: {  	v10 =	vadd.f32 v12, v10;
	v12 =	vld [tilespmem:s19+$0x460]  }
0xb9: {  	v6 =	vadd.f32 v13, v6;
	v13 =	vld [tilespmem:s19+$0x470]  }
0xba: {  	v19 =	vld [tilespmem:s23+$0x40];
	[tilespmem:s19+$0x410] =	vst v9  }
0xbb: {  	v14 =	vadd.f32 v14, v16;
	v9 =	vld [tilespmem:s25+$0x10];
	[tilespmem:s19+$0x420] =	vst v10  }
0xbc: {  	v10 =	vld [tilespmem:s25+$0x20];
	[tilespmem:s19+$0x430] =	vst v6;
	v7 =	vadd.f32 v15, v7  }
0xbd: {  	v6 =	vld [tilespmem:s25+$0x30];
	[tilespmem:s19+$0x440] =	vst v14;
	v8 =	vadd.f32 v8, v12  }
0xbe: {  	v11 =	vadd.f32 v11, v13;
	v14 =	vld [tilespmem:s25+$0x40];
	[tilespmem:s19+$0x450] =	vst v7  }
0xbf: {  	s22 =	sadd.s32 $0x12C00, s21;
	v7 =	vld [tilespmem:s25+$0x50];
	[tilespmem:s19+$0x460] =	vst v8  }
0xc0: {  	s26 =	sadd.s32 s17, s22;
	v8 =	vld [tilespmem:s25+$0x60];
	[tilespmem:s19+$0x470] =	vst v11  }
0xc1: {  	v11 =	vld [tilespmem:s26+$0x0]  }
0xc2: {  	v12 =	vld [tilespmem:s26+$0x10]  }
0xc3: {  	v13 =	vld [tilespmem:s26+$0x20]  }
0xc4: {  	v15 =	vld [tilespmem:s26+$0x30]  }
0xc5: {  	v17 =	vld [tilespmem:s26+$0x50]  }
0xc6: {  	v16 =	vld [tilespmem:s26+$0x40]  }
0xc7: {  	v5 =	vadd.f32 v11, v5;
	v11 =	vld [tilespmem:s26+$0x60]  }
0xc8: {  	v9 =	vadd.f32 v12, v9;
	v12 =	vld [tilespmem:s26+$0x70]  }
0xc9: {  	[tilespmem:s25+$0x0] =	vst v5;
	v5 =	vadd.f32 v13, v10;
	v10 =	vld [tilespmem:s25+$0x70]  }
0xca: {  	v6 =	vadd.f32 v15, v6;
	v7 =	vadd.f32 v17, v7;
	v17 =	vld [tilespmem:s23+$0x20];
	[tilespmem:s25+$0x10] =	vst v9  }
0xcb: {  	v13 =	vadd.f32 v16, v14;
	v9 =	vld [tilespmem:s11+$0x10];
	[tilespmem:s25+$0x20] =	vst v5  }
0xcc: {  	v5 =	vld [tilespmem:s11+$0x20];
	[tilespmem:s25+$0x30] =	vst v6  }
0xcd: {  	v8 =	vadd.f32 v11, v8;
	v6 =	vld [tilespmem:s11+$0x30];
	[tilespmem:s25+$0x40] =	vst v13  }
0xce: {  	v13 =	vld [tilespmem:s11+$0x40];
	[tilespmem:s25+$0x50] =	vst v7;
	v10 =	vadd.f32 v12, v10  }
0xcf: {  	s19 =	sadd.s32 $0x13000, s21;
	v7 =	vld [tilespmem:s11+$0x50];
	[tilespmem:s25+$0x60] =	vst v8  }
0xd0: {  	s28 =	sadd.s32 s17, s19;
	v8 =	vld [tilespmem:s11+$0x60];
	[tilespmem:s25+$0x70] =	vst v10  }
0xd1: {  	v10 =	vld [tilespmem:s28+$0x0]  }
0xd2: {  	v11 =	vld [tilespmem:s28+$0x10]  }
0xd3: {  	v12 =	vld [tilespmem:s28+$0x20]  }
0xd4: {  	v14 =	vld [tilespmem:s28+$0x30]  }
0xd5: {  	v15 =	vld [tilespmem:s28+$0x40]  }
0xd6: {  	v16 =	vld [tilespmem:s28+$0x50]  }
0xd7: {  	v47 =	vld [tilespmem:s11+$0x70]  }
0xd8: {  	v4 =	vadd.f32 v10, v4;
	v10 =	vld [tilespmem:s28+$0x60];
	v9 =	vadd.f32 v11, v9  }
0xd9: {  	v11 =	vld [tilespmem:s28+$0x70]  }
0xda: {  	[tilespmem:s11+$0x10] =	vst v9;
	v9 =	vld [tilespmem:s23+$0x0]  }
0xdb: {  	v5 =	vadd.f32 v12, v5;
	v12 =	vld [tilespmem:s23+$0x10]  }
0xdc: {  	v6 =	vadd.f32 v14, v6;
	v14 =	vld [tilespmem:s24+$0x50]  }
0xdd: {  	v7 =	vadd.f32 v16, v7;
	v16 =	vld [tilespmem:s23+$0x450];
	[tilespmem:s11+$0x0] =	vst v4  }
0xde: {  	v17 =	vadd.f32 v24, v17;
	v4 =	vld [tilespmem:s20+$0x10];
	[tilespmem:s11+$0x20] =	vst v5  }
0xdf: {  	v5 =	vld [tilespmem:s20+$0x20];
	[tilespmem:s11+$0x30] =	vst v6;
	v9 =	vadd.f32 v22, v9  }
0xe0: {  	v6 =	vadd.f32 v23, v12;
	v12 =	vld [tilespmem:s24+$0x70];
	[tilespmem:s23+$0x20] =	vst v17  }
0xe1: {  	[tilespmem:s23+$0x0] =	vst v9;
	v9 =	vld [tilespmem:s23+$0x70]  }
0xe2: {  	v17 =	vadd.f32 v26, v19;
	v19 =	vld [tilespmem:s23+$0x400];
	[tilespmem:s23+$0x10] =	vst v6;
	v6 =	vadd.f32 v25, v18  }
0xe3: {  	v8 =	vadd.f32 v10, v8;
	v10 =	vld [tilespmem:s23+$0x470]  }
0xe4: {  	v18 =	vld [tilespmem:s20+$0x30];
	[tilespmem:s23+$0x30] =	vst v6;
	v6 =	vadd.f32 v14, v20  }
0xe5: {  	[tilespmem:s23+$0x40] =	vst v17;
	v17 =	vadd.f32 v46, v21;
	v14 =	vld [tilespmem:s23+$0x410]  }
0xe6: {  	v20 =	vld [tilespmem:s23+$0x420];
	[tilespmem:s23+$0x50] =	vst v6;
	v6 =	vadd.f32 v12, v9  }
0xe7: {  	[tilespmem:s23+$0x60] =	vst v17;
	v9 =	vld [tilespmem:s23+$0x430]  }
0xe8: {  	v12 =	vld [tilespmem:s23+$0x440];
	[tilespmem:s23+$0x70] =	vst v6  }
0xe9: {  	v6 =	vld [tilespmem:s24+$0x400]  }
0xea: {  	v17 =	vld [tilespmem:s24+$0x410]  }
0xeb: {  	v48 =	vld [tilespmem:s24+$0x420]  }
0xec: {  	v49 =	vld [tilespmem:s24+$0x430]  }
0xed: {  	v13 =	vadd.f32 v15, v13;
	v50 =	vld [tilespmem:s24+$0x440]  }
0xee: {  	v15 =	vld [tilespmem:s24+$0x450]  }
0xef: {  	[tilespmem:s11+$0x40] =	vst v13;
	v6 =	vadd.f32 v6, v19;
	v19 =	vld [tilespmem:s24+$0x460]  }
0xf0: {  	v13 =	vadd.f32 v17, v14;
	v17 =	vld [tilespmem:s20+$0x40];
	[tilespmem:s11+$0x50] =	vst v7  }
0xf1: {  	v14 =	vld [tilespmem:s24+$0x470];
	[tilespmem:s23+$0x400] =	vst v6;
	v6 =	vadd.f32 v48, v20  }
0xf2: {  	v9 =	vadd.f32 v49, v9;
	v7 =	vld [tilespmem:s20+$0x50];
	[tilespmem:s23+$0x410] =	vst v13  }
0xf3: {  	s26 =	sadd.s32 s16, s12;
	v13 =	vld [tilespmem:s23+$0x460];
	[tilespmem:s23+$0x420] =	vst v6  }
0xf4: {  	v12 =	vadd.f32 v50, v12;
	v6 =	vld [tilespmem:s26+$0x0];
	[tilespmem:s23+$0x430] =	vst v9  }
0xf5: {  	v11 =	vadd.f32 v11, v47;
	[tilespmem:s11+$0x60] =	vst v8;
	v9 =	vld [tilespmem:s26+$0x10]  }
0xf6: {  	s12 =	sadd.s32 $0x13400, s21;
	v15 =	vadd.f32 v15, v16;
	[tilespmem:s23+$0x440] =	vst v12;
	v12 =	vld [tilespmem:s20+$0x60]  }
0xf7: {  	s28 =	sadd.s32 s17, s12;
	[tilespmem:s11+$0x70] =	vst v11;
	v8 =	vld [tilespmem:s26+$0x20]  }
0xf8: {  	[tilespmem:s23+$0x450] =	vst v15;
	v15 =	vld [tilespmem:s28+$0x0]  }
0xf9: {  	v16 =	vld [tilespmem:s28+$0x10]  }
0xfa: {  	v54 =	vld [tilespmem:s28+$0x20]  }
0xfb: {  	v13 =	vadd.f32 v19, v13;
	v56 =	vld [tilespmem:s28+$0x50]  }
0xfc: {  	v58 =	vld [tilespmem:s28+$0x70]  }
0xfd: {  	v10 =	vadd.f32 v14, v10;
	v11 =	vld [tilespmem:s26+$0x30];
	[tilespmem:s23+$0x460] =	vst v13  }
0xfe: {  	v13 =	vld [tilespmem:s26+$0x40]  }
0xff: {  	s22 =	sadd.s32 s16, s22;
	v14 =	vld [tilespmem:s26+$0x50];
	[tilespmem:s23+$0x470] =	vst v10  }
0x100: {  	v10 =	vld [tilespmem:s22+$0x0]  }
0x101: {  	v19 =	vld [tilespmem:s22+$0x10]  }
0x102: {  	v20 =	vld [tilespmem:s22+$0x20]  }
0x103: {  	v51 =	vld [tilespmem:s22+$0x30]  }
0x104: {  	v52 =	vld [tilespmem:s22+$0x40]  }
0x105: {  	v53 =	vld [tilespmem:s22+$0x50]  }
0x106: {  	v55 =	vld [tilespmem:s26+$0x70];
	v6 =	vadd.f32 v10, v6  }
0x107: {  	v10 =	vld [tilespmem:s22+$0x60];
	v9 =	vadd.f32 v19, v9  }
0x108: {  	v19 =	vld [tilespmem:s22+$0x70];
	[tilespmem:s26+$0x0] =	vst v6  }
0x109: {  	v6 =	vadd.f32 v20, v8;
	[tilespmem:s26+$0x10] =	vst v9;
	v9 =	vld [tilespmem:s26+$0x60]  }
0x10a: {  	v11 =	vadd.f32 v51, v11;
	v8 =	vld [tilespmem:s28+$0x30]  }
0x10b: {  	s8 =	sadd.s32 s16, s8;
	v13 =	vadd.f32 v52, v13;
	v20 =	vld [tilespmem:s28+$0x40];
	[tilespmem:s26+$0x20] =	vst v6  }
0x10c: {  	v6 =	vld [tilespmem:s8+$0x0];
	[tilespmem:s26+$0x30] =	vst v11  }
0x10d: {  	v14 =	vadd.f32 v53, v14;
	v11 =	vld [tilespmem:s8+$0x10];
	[tilespmem:s26+$0x40] =	vst v13  }
0x10e: {  	v13 =	vld [tilespmem:s8+$0x20];
	v9 =	vadd.f32 v10, v9  }
0x10f: {  	[tilespmem:s26+$0x50] =	vst v14;
	v14 =	vld [tilespmem:s28+$0x60]  }
0x110: {  	v10 =	vld [tilespmem:s8+$0x30];
	[tilespmem:s26+$0x60] =	vst v9;
	v9 =	vadd.f32 v19, v55  }
0x111: {  	v19 =	vld [tilespmem:s8+$0x40]  }
0x112: {  	s19 =	sadd.s32 s16, s19;
	v57 =	vld [tilespmem:s8+$0x50];
	[tilespmem:s26+$0x70] =	vst v9  }
0x113: {  	v9 =	vld [tilespmem:s19+$0x0]  }
0x114: {  	v3 =	vadd.f32 v15, v3;
	v59 =	vld [tilespmem:s19+$0x10]  }
0x115: {  	v4 =	vadd.f32 v16, v4;
	v15 =	vld [tilespmem:s19+$0x20]  }
0x116: {  	[tilespmem:s20+$0x0] =	vst v3;
	v3 =	vadd.f32 v54, v5;
	v16 =	vld [tilespmem:s19+$0x30]  }
0x117: {  	[tilespmem:s20+$0x10] =	vst v4;
	v4 =	vadd.f32 v8, v18;
	v5 =	vld [tilespmem:s19+$0x40]  }
0x118: {  	[tilespmem:s20+$0x20] =	vst v3;
	v8 =	vld [tilespmem:s19+$0x50];
	v3 =	vadd.f32 v9, v6  }
0x119: {  	[tilespmem:s20+$0x30] =	vst v4;
	v6 =	vld [tilespmem:s19+$0x60];
	v4 =	vadd.f32 v59, v11  }
0x11a: {  	v9 =	vld [tilespmem:s19+$0x70];
	[tilespmem:s8+$0x0] =	vst v3;
	v3 =	vadd.f32 v15, v13  }
0x11b: {  	v13 =	vadd.f32 v20, v17;
	[tilespmem:s8+$0x10] =	vst v4  }
0x11c: {  	v11 =	vld [tilespmem:s20+$0x70];
	v10 =	vadd.f32 v16, v10;
	[tilespmem:s8+$0x20] =	vst v3  }
0x11d: {  	s7 =	sadd.s32 s16, s7;
	v4 =	vld [tilespmem:s8+$0x60];
	v3 =	vadd.f32 v56, v7;
	[tilespmem:s20+$0x40] =	vst v13  }
0x11e: {  	v5 =	vadd.f32 v5, v19;
	v7 =	vld [tilespmem:s7+$0x0];
	[tilespmem:s8+$0x30] =	vst v10  }
0x11f: {  	v10 =	vadd.f32 v14, v12;
	v12 =	vld [tilespmem:s8+$0x70];
	[tilespmem:s20+$0x50] =	vst v3  }
0x120: {  	v8 =	vadd.f32 v8, v57;
	v3 =	vld [tilespmem:s7+$0x10];
	[tilespmem:s8+$0x40] =	vst v5  }
0x121: {  	v5 =	vadd.f32 v58, v11;
	[tilespmem:s20+$0x60] =	vst v10  }
0x122: {  	s25 =	sadd.s32 $0x1800, s18;
	v10 =	vld [tilespmem:s7+$0x20];
	[tilespmem:s8+$0x50] =	vst v8  }
0x123: {  	s26 =	sadd.s32 $0x13800, s21;
	s19 =	sadd.s32 s17, s25;
	v4 =	vadd.f32 v6, v4;
	[tilespmem:s20+$0x70] =	vst v5;
	v5 =	vld [tilespmem:s7+$0x30]  }
0x124: {  	s17 =	sadd.s32 s17, s26;
	v13 =	vld [tilespmem:s19+$0x70]  }
0x125: {  	[tilespmem:s8+$0x60] =	vst v4;
	v15 =	vld [tilespmem:s17+$0x70];
	v4 =	vadd.f32 v9, v12  }
0x126: {  	v6 =	vld [tilespmem:s7+$0x40]  }
0x127: {  	s12 =	sadd.s32 s16, s12;
	v9 =	vld [tilespmem:s7+$0x50];
	[tilespmem:s8+$0x70] =	vst v4  }
0x128: {  	v4 =	vld [tilespmem:s12+$0x0]  }
0x129: {  	v8 =	vld [tilespmem:s12+$0x10]  }
0x12a: {  	v11 =	vld [tilespmem:s12+$0x20]  }
0x12b: {  	v12 =	vld [tilespmem:s12+$0x30]  }
0x12c: {  	v14 =	vld [tilespmem:s12+$0x40]  }
0x12d: {  	v16 =	vld [tilespmem:s12+$0x50]  }
0x12e: {  	v17 =	vld [tilespmem:s12+$0x60]  }
0x12f: {  	v18 =	vld [tilespmem:s12+$0x70];
	v4 =	vadd.f32 v4, v7  }
0x130: {  	v3 =	vadd.f32 v8, v3;
	v8 =	vld [tilespmem:s17+$0x0]  }
0x131: {  	v7 =	vld [tilespmem:s17+$0x10];
	[tilespmem:s7+$0x0] =	vst v4  }
0x132: {  	v4 =	vadd.f32 v11, v10;
	[tilespmem:s7+$0x10] =	vst v3;
	v3 =	vld [tilespmem:s7+$0x60]  }
0x133: {  	v10 =	vadd.f32 v12, v5;
	v5 =	vld [tilespmem:s17+$0x20]  }
0x134: {  	s21 =	sadd.s32 s16, s25;
	[tilespmem:s7+$0x20] =	vst v4;
	v4 =	vadd.f32 v14, v6;
	v6 =	vld [tilespmem:s17+$0x30]  }
0x135: {  	v19 =	vld [tilespmem:s21+$0x0]  }
0x136: {  	[tilespmem:s7+$0x30] =	vst v10;
	v10 =	vld [tilespmem:s7+$0x70]  }
0x137: {  	v9 =	vadd.f32 v16, v9;
	v20 =	vld [tilespmem:s21+$0x10];
	[tilespmem:s7+$0x40] =	vst v4  }
0x138: {  	v60 =	vld [tilespmem:s21+$0x20]  }
0x139: {  	v4 =	vadd.f32 v17, v3;
	[tilespmem:s7+$0x50] =	vst v9;
	v3 =	vld [tilespmem:s17+$0x40]  }
0x13a: {  	v61 =	vld [tilespmem:s21+$0x30]  }
0x13b: {  	[tilespmem:s7+$0x60] =	vst v4;
	v4 =	vld [tilespmem:s17+$0x50];
	v9 =	vadd.f32 v18, v10  }
0x13c: {  	v12 =	vld [tilespmem:s21+$0x40]  }
0x13d: {  	v11 =	vld [tilespmem:s21+$0x50];
	[tilespmem:s7+$0x70] =	vst v9  }
0x13e: {  	s28 =	sadd.s32 s16, s26;
	v10 =	vld [tilespmem:s21+$0x60]  }
0x13f: {  	v9 =	vld [tilespmem:s28+$0x0]  }
0x140: {  	v18 =	vld [tilespmem:s28+$0x10]  }
0x141: {  	v62 =	vld [tilespmem:s28+$0x20]  }
0x142: {  	v63 =	vld [tilespmem:s28+$0x30]  }
0x143: {  	v17 =	vld [tilespmem:s28+$0x40]  }
0x144: {  	v15 =	vadd.f32 v15, v13;
	v16 =	vld [tilespmem:s28+$0x50]  }
0x145: {  	v14 =	vld [tilespmem:s28+$0x60];
	v19 =	vadd.f32 v9, v19  }
0x146: {  	v18 =	vadd.f32 v18, v20;
	v9 =	vld [tilespmem:s17+$0x60];
	[tilespmem:s19+$0x70] =	vst v15  }
0x147: {  	v13 =	vld [tilespmem:s28+$0x70];
	[tilespmem:s21+$0x0] =	vst v19;
	v19 =	vadd.f32 v62, v60  }
0x148: {  	s16 =	simm.s32 $0x0;
	v15 =	vld [tilespmem:s21+$0x70];
	[tilespmem:s21+$0x10] =	vst v18;
	v18 =	vadd.f32 v63, v61  }
.LBB2_9:
0x149: {  	s16 =	sadd.s32 $0x2, s16;
	[tilespmem:s21+$0x20] =	vst v19;
	v12 =	vadd.f32 v17, v12;
	v17 =	vld [tilespmem:s19+$0x0]  }
0x14a: {  	s7 =	sshrl.u32 s16, $0x3;
	p0 =	slt.u32 s16, $0xE;
	[tilespmem:s21+$0x30] =	vst v18;
	v11 =	vadd.f32 v16, v11;
	v16 =	vld [tilespmem:s19+$0x10]  }
0x14b: {  	s11 =	smul.u32 $0x1800, s7;
	[tilespmem:s21+$0x40] =	vst v12;
	v10 =	vadd.f32 v14, v10;
	v12 =	vld [tilespmem:s19+$0x20]  }
0x14c: {  	s15 =	sadd.s32 $0x100, s15;
	[tilespmem:s21+$0x50] =	vst v11;
	v11 =	vld [tilespmem:s19+$0x30]  }
0x14d: {  	s24 =	sand.u32 $0x300, s15;
	s7 =	sadd.s32 s31, s11;
	[tilespmem:s21+$0x60] =	vst v10;
	v10 =	vadd.f32 v13, v15;
	v13 =	vld [tilespmem:s19+$0x40]  }
0x14e: {  	s25 =	sor.u32 $0x80, s24;
	s8 =	sadd.s32 $0x1400, s7;
	v14 =	vld [tilespmem:s19+$0x50];
	v8 =	vadd.f32 v8, v17  }
0x14f: {  	s12 =	sadd.s32 $0x1000, s7;
	s17 =	sadd.s32 s24, s8;
	s8 =	sadd.s32 s25, s8;
	[tilespmem:s21+$0x70] =	vst v10;
	v10 =	vld [tilespmem:s19+$0x60];
	v15 =	vadd.f32 v7, v16  }
0x150: {  	s22 =	sadd.s32 $0xC00, s7;
	s18 =	sadd.s32 s24, s12;
	s21 =	sadd.s32 s25, s12;
	v7 =	vld [tilespmem:s8+$0x0];
	[tilespmem:s19+$0x0] =	vst v8;
	v8 =	vadd.f32 v5, v12  }
0x151: {  	s12 =	sadd.s32 $0x400, s7;
	s20 =	sadd.s32 s24, s22;
	s26 =	sadd.s32 s25, s22;
	v5 =	vld [tilespmem:s21+$0x0];
	[tilespmem:s19+$0x10] =	vst v15;
	v11 =	vadd.f32 v6, v11  }
0x152: {  	s22 =	sadd.s32 s24, s12;
	s12 =	sadd.s32 s25, s12;
	v6 =	vld [tilespmem:s26+$0x0];
	[tilespmem:s19+$0x20] =	vst v8;
	v3 =	vadd.f32 v3, v13  }
0x153: {  	v8 =	vld [tilespmem:s12+$0x400];
	[tilespmem:s19+$0x30] =	vst v11;
	v4 =	vadd.f32 v4, v14  }
0x154: {  	v11 =	vld [tilespmem:s12+$0x0];
	[tilespmem:s19+$0x40] =	vst v3;
	v3 =	vadd.f32 v9, v10  }
0x155: {  	v9 =	vld [tilespmem:s12+$0x10];
	[tilespmem:s19+$0x50] =	vst v4  }
0x156: {  	v4 =	vld [tilespmem:s12+$0x20];
	[tilespmem:s19+$0x60] =	vst v3  }
0x157: {  	v3 =	vld [tilespmem:s12+$0x30]  }
0x158: {  	v10 =	vld [tilespmem:s12+$0x40]  }
0x159: {  	s19 =	sadd.s32 s2, s11;
	v12 =	vld [tilespmem:s12+$0x50]  }
0x15a: {  	s11 =	sadd.s32 $0x12400, s19;
	v13 =	vld [tilespmem:s12+$0x60]  }
0x15b: {  	s23 =	sadd.s32 s24, s11;
	s11 =	sadd.s32 s25, s11;
	v14 =	vld [tilespmem:s12+$0x70]  }
0x15c: {  	v15 =	vld [tilespmem:s11+$0x0]  }
0x15d: {  	v16 =	vld [tilespmem:s11+$0x10]  }
0x15e: {  	v17 =	vld [tilespmem:s11+$0x20]  }
0x15f: {  	v18 =	vld [tilespmem:s11+$0x30]  }
0x160: {  	v19 =	vld [tilespmem:s11+$0x40]  }
0x161: {  	v20 =	vld [tilespmem:s11+$0x50];
	v11 =	vadd.f32 v15, v11  }
0x162: {  	v15 =	vld [tilespmem:s11+$0x60];
	v9 =	vadd.f32 v16, v9  }
0x163: {  	v16 =	vld [tilespmem:s11+$0x70];
	[tilespmem:s12+$0x0] =	vst v11;
	v4 =	vadd.f32 v17, v4  }
0x164: {  	[tilespmem:s12+$0x10] =	vst v9;
	v3 =	vadd.f32 v18, v3;
	v9 =	vld [tilespmem:s12+$0x410]  }
0x165: {  	[tilespmem:s12+$0x20] =	vst v4;
	v4 =	vadd.f32 v19, v10;
	v10 =	vld [tilespmem:s12+$0x420]  }
0x166: {  	[tilespmem:s12+$0x30] =	vst v3;
	v3 =	vadd.f32 v20, v12;
	v11 =	vld [tilespmem:s12+$0x430]  }
0x167: {  	[tilespmem:s12+$0x40] =	vst v4;
	v4 =	vadd.f32 v15, v13;
	v12 =	vld [tilespmem:s12+$0x440]  }
0x168: {  	[tilespmem:s12+$0x50] =	vst v3;
	v3 =	vadd.f32 v16, v14;
	v13 =	vld [tilespmem:s12+$0x450]  }
0x169: {  	[tilespmem:s12+$0x60] =	vst v4;
	v4 =	vld [tilespmem:s12+$0x460]  }
0x16a: {  	[tilespmem:s12+$0x70] =	vst v3;
	v3 =	vld [tilespmem:s12+$0x470]  }
0x16b: {  	v14 =	vld [tilespmem:s11+$0x400]  }
0x16c: {  	v15 =	vld [tilespmem:s11+$0x410]  }
0x16d: {  	v16 =	vld [tilespmem:s11+$0x420]  }
0x16e: {  	v17 =	vld [tilespmem:s11+$0x430]  }
0x16f: {  	v18 =	vld [tilespmem:s11+$0x440]  }
0x170: {  	v19 =	vld [tilespmem:s11+$0x450];
	v8 =	vadd.f32 v14, v8  }
0x171: {  	v14 =	vld [tilespmem:s11+$0x460];
	v9 =	vadd.f32 v15, v9  }
0x172: {  	v15 =	vld [tilespmem:s11+$0x470];
	[tilespmem:s12+$0x400] =	vst v8;
	v8 =	vadd.f32 v16, v10  }
0x173: {  	[tilespmem:s12+$0x410] =	vst v9;
	v9 =	vadd.f32 v17, v11;
	v10 =	vld [tilespmem:s26+$0x10]  }
0x174: {  	[tilespmem:s12+$0x420] =	vst v8;
	v8 =	vadd.f32 v18, v12;
	v11 =	vld [tilespmem:s26+$0x20]  }
0x175: {  	[tilespmem:s12+$0x430] =	vst v9;
	v9 =	vadd.f32 v19, v13;
	v12 =	vld [tilespmem:s26+$0x30]  }
0x176: {  	[tilespmem:s12+$0x440] =	vst v8;
	v4 =	vadd.f32 v14, v4;
	v8 =	vld [tilespmem:s26+$0x40]  }
0x177: {  	[tilespmem:s12+$0x450] =	vst v9;
	v3 =	vadd.f32 v15, v3;
	v9 =	vld [tilespmem:s26+$0x50]  }
0x178: {  	s28 =	sadd.s32 $0x12C00, s19;
	[tilespmem:s12+$0x460] =	vst v4;
	v4 =	vld [tilespmem:s26+$0x60]  }
0x179: {  	s11 =	sadd.s32 s24, s28;
	[tilespmem:s12+$0x470] =	vst v3;
	v3 =	vld [tilespmem:s26+$0x70];
	s12 =	sadd.s32 s25, s28  }
0x17a: {  	v13 =	vld [tilespmem:s12+$0x0]  }
0x17b: {  	v14 =	vld [tilespmem:s12+$0x10]  }
0x17c: {  	v15 =	vld [tilespmem:s12+$0x20]  }
0x17d: {  	v16 =	vld [tilespmem:s12+$0x30]  }
0x17e: {  	v17 =	vld [tilespmem:s12+$0x40]  }
0x17f: {  	v18 =	vld [tilespmem:s12+$0x50];
	v6 =	vadd.f32 v13, v6  }
0x180: {  	v13 =	vld [tilespmem:s12+$0x60];
	v10 =	vadd.f32 v14, v10  }
0x181: {  	v14 =	vld [tilespmem:s12+$0x70];
	[tilespmem:s26+$0x0] =	vst v6;
	v6 =	vadd.f32 v15, v11  }
0x182: {  	[tilespmem:s26+$0x10] =	vst v10;
	v10 =	vadd.f32 v16, v12;
	v11 =	vld [tilespmem:s21+$0x10]  }
0x183: {  	[tilespmem:s26+$0x20] =	vst v6;
	v6 =	vadd.f32 v17, v8;
	v8 =	vld [tilespmem:s21+$0x20]  }
0x184: {  	[tilespmem:s26+$0x30] =	vst v10;
	v9 =	vadd.f32 v18, v9;
	v10 =	vld [tilespmem:s21+$0x30]  }
0x185: {  	[tilespmem:s26+$0x40] =	vst v6;
	v4 =	vadd.f32 v13, v4;
	v6 =	vld [tilespmem:s21+$0x40]  }
0x186: {  	[tilespmem:s26+$0x50] =	vst v9;
	v3 =	vadd.f32 v14, v3;
	v9 =	vld [tilespmem:s21+$0x50]  }
0x187: {  	s28 =	sadd.s32 $0x13000, s19;
	[tilespmem:s26+$0x60] =	vst v4;
	v4 =	vld [tilespmem:s21+$0x60]  }
0x188: {  	s12 =	sadd.s32 s24, s28;
	[tilespmem:s26+$0x70] =	vst v3;
	v3 =	vld [tilespmem:s21+$0x70];
	s26 =	sadd.s32 s25, s28  }
0x189: {  	v12 =	vld [tilespmem:s26+$0x0]  }
0x18a: {  	v13 =	vld [tilespmem:s26+$0x10]  }
0x18b: {  	v14 =	vld [tilespmem:s26+$0x20]  }
0x18c: {  	v15 =	vld [tilespmem:s26+$0x30]  }
0x18d: {  	v16 =	vld [tilespmem:s26+$0x40]  }
0x18e: {  	v17 =	vld [tilespmem:s26+$0x50];
	v5 =	vadd.f32 v12, v5  }
0x18f: {  	v12 =	vld [tilespmem:s26+$0x60];
	v11 =	vadd.f32 v13, v11  }
0x190: {  	v13 =	vld [tilespmem:s26+$0x70];
	[tilespmem:s21+$0x0] =	vst v5;
	v5 =	vadd.f32 v14, v8  }
0x191: {  	[tilespmem:s21+$0x10] =	vst v11;
	v8 =	vadd.f32 v15, v10;
	v10 =	vld [tilespmem:s8+$0x10]  }
0x192: {  	[tilespmem:s21+$0x20] =	vst v5;
	v5 =	vadd.f32 v16, v6;
	v6 =	vld [tilespmem:s8+$0x20]  }
0x193: {  	[tilespmem:s21+$0x30] =	vst v8;
	v8 =	vadd.f32 v17, v9;
	v9 =	vld [tilespmem:s8+$0x30]  }
0x194: {  	[tilespmem:s21+$0x40] =	vst v5;
	v4 =	vadd.f32 v12, v4;
	v5 =	vld [tilespmem:s8+$0x40]  }
0x195: {  	[tilespmem:s21+$0x50] =	vst v8;
	v3 =	vadd.f32 v13, v3;
	v8 =	vld [tilespmem:s8+$0x50]  }
0x196: {  	s28 =	sadd.s32 $0x13400, s19;
	[tilespmem:s21+$0x60] =	vst v4;
	v4 =	vld [tilespmem:s8+$0x60]  }
0x197: {  	s26 =	sadd.s32 s24, s28;
	[tilespmem:s21+$0x70] =	vst v3;
	v3 =	vld [tilespmem:s8+$0x70];
	s21 =	sadd.s32 s25, s28  }
0x198: {  	v11 =	vld [tilespmem:s21+$0x0]  }
0x199: {  	v12 =	vld [tilespmem:s21+$0x10]  }
0x19a: {  	v13 =	vld [tilespmem:s21+$0x20]  }
0x19b: {  	v14 =	vld [tilespmem:s21+$0x30]  }
0x19c: {  	v15 =	vld [tilespmem:s21+$0x40]  }
0x19d: {  	v16 =	vld [tilespmem:s21+$0x50];
	v7 =	vadd.f32 v11, v7  }
0x19e: {  	v11 =	vld [tilespmem:s21+$0x60];
	v10 =	vadd.f32 v12, v10  }
0x19f: {  	v12 =	vld [tilespmem:s21+$0x70];
	[tilespmem:s8+$0x0] =	vst v7;
	v6 =	vadd.f32 v13, v6  }
0x1a0: {  	v13 =	vld [tilespmem:s22+$0x0];
	[tilespmem:s8+$0x10] =	vst v10;
	v7 =	vadd.f32 v14, v9  }
0x1a1: {  	v10 =	vld [tilespmem:s22+$0x10];
	[tilespmem:s8+$0x20] =	vst v6;
	v5 =	vadd.f32 v15, v5  }
0x1a2: {  	v14 =	vld [tilespmem:s22+$0x20];
	[tilespmem:s8+$0x30] =	vst v7;
	v6 =	vadd.f32 v16, v8  }
0x1a3: {  	v15 =	vld [tilespmem:s22+$0x30];
	[tilespmem:s8+$0x40] =	vst v5;
	v4 =	vadd.f32 v11, v4  }
0x1a4: {  	s7 =	sadd.s32 $0x1800, s7;
	v11 =	vld [tilespmem:s22+$0x40];
	[tilespmem:s8+$0x50] =	vst v6;
	v3 =	vadd.f32 v12, v3  }
0x1a5: {  	s28 =	sadd.s32 $0x13800, s19;
	s19 =	sadd.s32 s25, s7;
	s21 =	sadd.s32 s24, s7;
	v12 =	vld [tilespmem:s22+$0x50];
	[tilespmem:s8+$0x60] =	vst v4  }
0x1a6: {  	s7 =	sadd.s32 s24, s28;
	[tilespmem:s8+$0x70] =	vst v3;
	v4 =	vld [tilespmem:s19+$0x70];
	s8 =	sadd.s32 s25, s28  }
0x1a7: {  	v9 =	vld [tilespmem:s8+$0x70]  }
0x1a8: {  	v8 =	vld [tilespmem:s8+$0x0]  }
0x1a9: {  	v7 =	vld [tilespmem:s8+$0x10]  }
0x1aa: {  	v5 =	vld [tilespmem:s8+$0x20]  }
0x1ab: {  	v6 =	vld [tilespmem:s8+$0x30]  }
0x1ac: {  	v3 =	vld [tilespmem:s8+$0x40];
	v16 =	vadd.f32 v9, v4  }
0x1ad: {  	v4 =	vld [tilespmem:s8+$0x50]  }
0x1ae: {  	v9 =	vld [tilespmem:s8+$0x60];
	[tilespmem:s19+$0x70] =	vst v16  }
0x1af: {  	v16 =	vld [tilespmem:s22+$0x60]  }
0x1b0: {  	v17 =	vld [tilespmem:s22+$0x70]  }
0x1b1: {  	v18 =	vld [tilespmem:s23+$0x0]  }
0x1b2: {  	v19 =	vld [tilespmem:s23+$0x10]  }
0x1b3: {  	v20 =	vld [tilespmem:s23+$0x20]  }
0x1b4: {  	v21 =	vld [tilespmem:s23+$0x30]  }
0x1b5: {  	v22 =	vld [tilespmem:s23+$0x40]  }
0x1b6: {  	v23 =	vld [tilespmem:s23+$0x50];
	v13 =	vadd.f32 v18, v13  }
0x1b7: {  	v18 =	vld [tilespmem:s23+$0x60];
	v10 =	vadd.f32 v19, v10  }
0x1b8: {  	v19 =	vld [tilespmem:s23+$0x70];
	[tilespmem:s22+$0x0] =	vst v13;
	v13 =	vadd.f32 v20, v14  }
0x1b9: {  	[tilespmem:s22+$0x10] =	vst v10;
	v10 =	vadd.f32 v21, v15;
	v14 =	vld [tilespmem:s22+$0x400]  }
0x1ba: {  	[tilespmem:s22+$0x20] =	vst v13;
	v11 =	vadd.f32 v22, v11;
	v13 =	vld [tilespmem:s22+$0x410]  }
0x1bb: {  	[tilespmem:s22+$0x30] =	vst v10;
	v10 =	vadd.f32 v23, v12;
	v12 =	vld [tilespmem:s22+$0x420]  }
0x1bc: {  	[tilespmem:s22+$0x40] =	vst v11;
	v11 =	vadd.f32 v18, v16;
	v15 =	vld [tilespmem:s22+$0x430]  }
0x1bd: {  	[tilespmem:s22+$0x50] =	vst v10;
	v10 =	vadd.f32 v19, v17;
	v16 =	vld [tilespmem:s22+$0x440]  }
0x1be: {  	[tilespmem:s22+$0x60] =	vst v11;
	v11 =	vld [tilespmem:s22+$0x450]  }
0x1bf: {  	[tilespmem:s22+$0x70] =	vst v10;
	v10 =	vld [tilespmem:s22+$0x460]  }
0x1c0: {  	v17 =	vld [tilespmem:s23+$0x400]  }
0x1c1: {  	v18 =	vld [tilespmem:s23+$0x410]  }
0x1c2: {  	v19 =	vld [tilespmem:s23+$0x420]  }
0x1c3: {  	v20 =	vld [tilespmem:s23+$0x430]  }
0x1c4: {  	v21 =	vld [tilespmem:s23+$0x440]  }
0x1c5: {  	v22 =	vld [tilespmem:s23+$0x450];
	v14 =	vadd.f32 v17, v14  }
0x1c6: {  	v17 =	vld [tilespmem:s23+$0x460];
	v13 =	vadd.f32 v18, v13  }
0x1c7: {  	v18 =	vld [tilespmem:s23+$0x470];
	[tilespmem:s22+$0x400] =	vst v14;
	v12 =	vadd.f32 v19, v12  }
0x1c8: {  	v14 =	vld [tilespmem:s22+$0x470];
	[tilespmem:s22+$0x410] =	vst v13;
	v13 =	vadd.f32 v20, v15  }
0x1c9: {  	[tilespmem:s22+$0x420] =	vst v12;
	v12 =	vadd.f32 v21, v16;
	v15 =	vld [tilespmem:s20+$0x0]  }
0x1ca: {  	[tilespmem:s22+$0x430] =	vst v13;
	v11 =	vadd.f32 v22, v11;
	v13 =	vld [tilespmem:s20+$0x10]  }
0x1cb: {  	[tilespmem:s22+$0x440] =	vst v12;
	v10 =	vadd.f32 v17, v10;
	v12 =	vld [tilespmem:s20+$0x20]  }
0x1cc: {  	[tilespmem:s22+$0x450] =	vst v11;
	v11 =	vld [tilespmem:s20+$0x30]  }
0x1cd: {  	[tilespmem:s22+$0x460] =	vst v10;
	v10 =	vadd.f32 v18, v14;
	v14 =	vld [tilespmem:s20+$0x40]  }
0x1ce: {  	v16 =	vld [tilespmem:s20+$0x50]  }
0x1cf: {  	[tilespmem:s22+$0x470] =	vst v10;
	v10 =	vld [tilespmem:s20+$0x60]  }
0x1d0: {  	v17 =	vld [tilespmem:s11+$0x0]  }
0x1d1: {  	v18 =	vld [tilespmem:s11+$0x10]  }
0x1d2: {  	v19 =	vld [tilespmem:s11+$0x20]  }
0x1d3: {  	v20 =	vld [tilespmem:s11+$0x30]  }
0x1d4: {  	v21 =	vld [tilespmem:s11+$0x40]  }
0x1d5: {  	v22 =	vld [tilespmem:s11+$0x50];
	v15 =	vadd.f32 v17, v15  }
0x1d6: {  	v17 =	vld [tilespmem:s11+$0x60];
	v13 =	vadd.f32 v18, v13  }
0x1d7: {  	v18 =	vld [tilespmem:s11+$0x70];
	[tilespmem:s20+$0x0] =	vst v15;
	v12 =	vadd.f32 v19, v12  }
0x1d8: {  	v15 =	vld [tilespmem:s20+$0x70];
	[tilespmem:s20+$0x10] =	vst v13;
	v11 =	vadd.f32 v20, v11  }
0x1d9: {  	[tilespmem:s20+$0x20] =	vst v12;
	v12 =	vadd.f32 v21, v14;
	v13 =	vld [tilespmem:s18+$0x0]  }
0x1da: {  	[tilespmem:s20+$0x30] =	vst v11;
	v11 =	vadd.f32 v22, v16;
	v14 =	vld [tilespmem:s18+$0x10]  }
0x1db: {  	[tilespmem:s20+$0x40] =	vst v12;
	v10 =	vadd.f32 v17, v10;
	v12 =	vld [tilespmem:s18+$0x20]  }
0x1dc: {  	[tilespmem:s20+$0x50] =	vst v11;
	v11 =	vld [tilespmem:s18+$0x30]  }
0x1dd: {  	[tilespmem:s20+$0x60] =	vst v10;
	v10 =	vadd.f32 v18, v15;
	v15 =	vld [tilespmem:s18+$0x40]  }
0x1de: {  	v16 =	vld [tilespmem:s18+$0x50]  }
0x1df: {  	[tilespmem:s20+$0x70] =	vst v10;
	v10 =	vld [tilespmem:s18+$0x60]  }
0x1e0: {  	v17 =	vld [tilespmem:s12+$0x0]  }
0x1e1: {  	v18 =	vld [tilespmem:s12+$0x10]  }
0x1e2: {  	v19 =	vld [tilespmem:s12+$0x20]  }
0x1e3: {  	v20 =	vld [tilespmem:s12+$0x30]  }
0x1e4: {  	v21 =	vld [tilespmem:s12+$0x40]  }
0x1e5: {  	v22 =	vld [tilespmem:s12+$0x50];
	v13 =	vadd.f32 v17, v13  }
0x1e6: {  	v17 =	vld [tilespmem:s12+$0x60];
	v14 =	vadd.f32 v18, v14  }
0x1e7: {  	v18 =	vld [tilespmem:s12+$0x70];
	[tilespmem:s18+$0x0] =	vst v13;
	v12 =	vadd.f32 v19, v12  }
0x1e8: {  	v13 =	vld [tilespmem:s18+$0x70];
	[tilespmem:s18+$0x10] =	vst v14;
	v11 =	vadd.f32 v20, v11  }
0x1e9: {  	[tilespmem:s18+$0x20] =	vst v12;
	v12 =	vadd.f32 v21, v15;
	v14 =	vld [tilespmem:s17+$0x0]  }
0x1ea: {  	[tilespmem:s18+$0x30] =	vst v11;
	v11 =	vadd.f32 v22, v16;
	v15 =	vld [tilespmem:s17+$0x10]  }
0x1eb: {  	[tilespmem:s18+$0x40] =	vst v12;
	v10 =	vadd.f32 v17, v10;
	v12 =	vld [tilespmem:s17+$0x20]  }
0x1ec: {  	[tilespmem:s18+$0x50] =	vst v11;
	v11 =	vld [tilespmem:s17+$0x30]  }
0x1ed: {  	[tilespmem:s18+$0x60] =	vst v10;
	v10 =	vadd.f32 v18, v13;
	v13 =	vld [tilespmem:s17+$0x40]  }
0x1ee: {  	v16 =	vld [tilespmem:s17+$0x50]  }
0x1ef: {  	[tilespmem:s18+$0x70] =	vst v10;
	v10 =	vld [tilespmem:s17+$0x60]  }
0x1f0: {  	v17 =	vld [tilespmem:s26+$0x0]  }
0x1f1: {  	v18 =	vld [tilespmem:s26+$0x10]  }
0x1f2: {  	v19 =	vld [tilespmem:s26+$0x20]  }
0x1f3: {  	v20 =	vld [tilespmem:s26+$0x30]  }
0x1f4: {  	v21 =	vld [tilespmem:s26+$0x40]  }
0x1f5: {  	v22 =	vld [tilespmem:s26+$0x50];
	v14 =	vadd.f32 v17, v14  }
0x1f6: {  	v17 =	vld [tilespmem:s26+$0x60];
	v15 =	vadd.f32 v18, v15  }
0x1f7: {  	v18 =	vld [tilespmem:s26+$0x70];
	[tilespmem:s17+$0x0] =	vst v14;
	v12 =	vadd.f32 v19, v12  }
0x1f8: {  	v14 =	vld [tilespmem:s17+$0x70];
	[tilespmem:s17+$0x10] =	vst v15;
	v11 =	vadd.f32 v20, v11  }
0x1f9: {  	[tilespmem:s17+$0x20] =	vst v12;
	v12 =	vadd.f32 v21, v13;
	v13 =	vld [tilespmem:s21+$0x0]  }
0x1fa: {  	[tilespmem:s17+$0x30] =	vst v11;
	v11 =	vadd.f32 v22, v16;
	v15 =	vld [tilespmem:s21+$0x10]  }
0x1fb: {  	[tilespmem:s17+$0x40] =	vst v12;
	v10 =	vadd.f32 v17, v10;
	v19 =	vld [tilespmem:s21+$0x20]  }
0x1fc: {  	[tilespmem:s17+$0x50] =	vst v11;
	v20 =	vld [tilespmem:s21+$0x30]  }
0x1fd: {  	[tilespmem:s17+$0x60] =	vst v10;
	v10 =	vadd.f32 v18, v14;
	v12 =	vld [tilespmem:s21+$0x40]  }
0x1fe: {  	v11 =	vld [tilespmem:s21+$0x50]  }
0x1ff: {  	[tilespmem:s17+$0x70] =	vst v10;
	v10 =	vld [tilespmem:s21+$0x60]  }
0x200: {  	v14 =	vld [tilespmem:s7+$0x0]  }
0x201: {  	v18 =	vld [tilespmem:s7+$0x10]  }
0x202: {  	v21 =	vld [tilespmem:s7+$0x20]  }
0x203: {  	v22 =	vld [tilespmem:s7+$0x30]  }
.Ltmp4:
0x204: {  	v17 =	vld [tilespmem:s7+$0x40];
	(pc) =	sbr.rel @p0 .LBB2_9-.Ltmp4, $4  }
0x205: {  	v16 =	vld [tilespmem:s7+$0x50];
	v23 =	vadd.f32 v14, v13  }
0x206: {  	v14 =	vld [tilespmem:s7+$0x60];
	v18 =	vadd.f32 v18, v15  }
0x207: {  	v13 =	vld [tilespmem:s7+$0x70];
	[tilespmem:s21+$0x0] =	vst v23;
	v19 =	vadd.f32 v21, v19  }
0x208: {  	v15 =	vld [tilespmem:s21+$0x70];
	[tilespmem:s21+$0x10] =	vst v18;
	v18 =	vadd.f32 v22, v20  }
0x209: {  	v20 =	vld [tilespmem:s19+$0x0]  }
0x20a: {  	[tilespmem:s21+$0x20] =	vst v19;
	v12 =	vadd.f32 v17, v12;
	v17 =	vld [tilespmem:s19+$0x10]  }
0x20b: {  	[tilespmem:s21+$0x30] =	vst v18;
	v11 =	vadd.f32 v16, v11;
	v16 =	vld [tilespmem:s19+$0x20]  }
0x20c: {  	[tilespmem:s21+$0x40] =	vst v12;
	v10 =	vadd.f32 v14, v10;
	v12 =	vld [tilespmem:s19+$0x30]  }
0x20d: {  	s7 =	sshll.u32 s13, $0x5;
	[tilespmem:s21+$0x50] =	vst v11;
	v11 =	vadd.f32 v13, v15;
	v13 =	vld [tilespmem:s19+$0x40]  }
0x20e: {  	s7 =	sadd.s32 s6, s7;
	[tilespmem:s21+$0x60] =	vst v10;
	v10 =	vld [tilespmem:s19+$0x50];
	v8 =	vadd.f32 v8, v20  }
0x20f: {  	s0 =	smul.u32 $0x600000, s0;
	s7 =	sshrl.u32 s7, $0x3;
	v7 =	vadd.f32 v7, v17;
	[tilespmem:s21+$0x70] =	vst v11;
	v11 =	vld [tilespmem:s19+$0x60]  }
0x210: {  	s7 =	smul.u32 $0x1800, s7;
	v5 =	vadd.f32 v5, v16;
	[tilespmem:s19+$0x0] =	vst v8  }
0x211: {  	s25 =	simm.s32 $0x2;
	[tilespmem:s19+$0x10] =	vst v7;
	v6 =	vadd.f32 v6, v12  }
0x212: {  	s20 =	smul.u32 $0x1800, s25;
	s0 =	sadd.s32 s0, s7;
	[tilespmem:s19+$0x20] =	vst v5;
	v3 =	vadd.f32 v3, v13  }
0x213: {  	s7 =	sshrl.u32 s0, $0x3;
	s0 =	sadd.s32 $0x6, s14;
	s14 =	simm.s32 $0x800;
	[tilespmem:s19+$0x30] =	vst v6;
	v4 =	vadd.f32 v4, v10  }
0x214: {  	s17 =	sadd.s32 s31, s20;
	s15 =	sand.u32 $0x300, s14;
	[tilespmem:s19+$0x40] =	vst v3;
	v3 =	vadd.f32 v9, v11  }
0x215: {  	s13 =	sadd.s32 s4, s7;
	s7 =	sadd.s32 $0x1400, s17;
	s16 =	sor.u32 $0x80, s15;
	[tilespmem:s19+$0x50] =	vst v4  }
0x216: {  	s24 =	sadd.s32 $0x400, s31;
	s8 =	sadd.s32 $0x1000, s17;
	[tilespmem:s19+$0x60] =	vst v3;
	s19 =	sadd.s32 s16, s7  }
0x217: {  	[hbm4b:s13+s5] =	stream.linear.scatter [tilespmem:s24], [sflag:s0], $0x3000, $0x38;
	[tilespmem:$0x1E400] =	vst v63  }
0x218: {  	s12 =	sadd.s32 $0xC00, s17;
	s11 =	sadd.s32 s16, s8;
	v3 =	vld [tilespmem:s19+$0x0]  }
0x219: {  	s22 =	sadd.s32 $0x400, s17;
	s24 =	sadd.s32 s16, s12;
	v4 =	vld [tilespmem:s11+$0x0]  }
0x21a: {  	s18 =	sadd.s32 s16, s22;
	v5 =	vld [tilespmem:s24+$0x0]  }
0x21b: {  	v6 =	vld [tilespmem:s18+$0x0]  }
0x21c: {  	v7 =	vld [tilespmem:s18+$0x10]  }
0x21d: {  	v8 =	vld [tilespmem:s18+$0x20]  }
0x21e: {  	v9 =	vld [tilespmem:s18+$0x30]  }
0x21f: {  	s20 =	sadd.s32 s2, s20;
	v10 =	vld [tilespmem:s18+$0x40]  }
0x220: {  	s23 =	sadd.s32 $0x12400, s20;
	v11 =	vld [tilespmem:s18+$0x50]  }
0x221: {  	s26 =	sadd.s32 s16, s23;
	v12 =	vld [tilespmem:s18+$0x60]  }
0x222: {  	v13 =	vld [tilespmem:s26+$0x0]  }
0x223: {  	v14 =	vld [tilespmem:s26+$0x10]  }
0x224: {  	v15 =	vld [tilespmem:s26+$0x20]  }
0x225: {  	v16 =	vld [tilespmem:s26+$0x30]  }
0x226: {  	v17 =	vld [tilespmem:s26+$0x40]  }
0x227: {  	v18 =	vld [tilespmem:s26+$0x50]  }
0x228: {  	s22 =	sadd.s32 s15, s22;
	v19 =	vld [tilespmem:s18+$0x70]  }
0x229: {  	v20 =	vld [tilespmem:s22+$0x50]  }
0x22a: {  	s23 =	sadd.s32 s15, s23;
	v21 =	vld [tilespmem:s22+$0x60]  }
0x22b: {  	v22 =	vld [tilespmem:s23+$0x0]  }
0x22c: {  	v23 =	vld [tilespmem:s23+$0x10]  }
0x22d: {  	v24 =	vld [tilespmem:s23+$0x20]  }
0x22e: {  	v25 =	vld [tilespmem:s23+$0x30]  }
0x22f: {  	v26 =	vld [tilespmem:s23+$0x40];
	v6 =	vadd.f32 v13, v6  }
0x230: {  	v13 =	vld [tilespmem:s26+$0x60];
	v7 =	vadd.f32 v14, v7  }
0x231: {  	v14 =	vld [tilespmem:s26+$0x70];
	[tilespmem:s18+$0x0] =	vst v6;
	v6 =	vadd.f32 v15, v8  }
0x232: {  	v46 =	vld [tilespmem:s23+$0x60];
	[tilespmem:s18+$0x10] =	vst v7;
	v7 =	vadd.f32 v16, v9  }
0x233: {  	v8 =	vld [tilespmem:s18+$0x400];
	[tilespmem:s18+$0x20] =	vst v6;
	v6 =	vadd.f32 v17, v10  }
0x234: {  	v9 =	vld [tilespmem:s18+$0x410];
	[tilespmem:s18+$0x30] =	vst v7;
	v7 =	vadd.f32 v18, v11  }
0x235: {  	v16 =	vld [tilespmem:s18+$0x440];
	[tilespmem:s18+$0x40] =	vst v6;
	v6 =	vadd.f32 v13, v12  }
0x236: {  	v10 =	vld [tilespmem:s18+$0x420];
	[tilespmem:s18+$0x50] =	vst v7;
	v7 =	vadd.f32 v14, v19  }
0x237: {  	v18 =	vld [tilespmem:s22+$0x30];
	[tilespmem:s18+$0x60] =	vst v6  }
0x238: {  	v6 =	vld [tilespmem:s18+$0x430];
	[tilespmem:s18+$0x70] =	vst v7  }
0x239: {  	v7 =	vld [tilespmem:s26+$0x400]  }
0x23a: {  	v11 =	vld [tilespmem:s26+$0x410]  }
0x23b: {  	v12 =	vld [tilespmem:s26+$0x420]  }
0x23c: {  	v13 =	vld [tilespmem:s26+$0x430]  }
0x23d: {  	v14 =	vld [tilespmem:s26+$0x440]  }
0x23e: {  	v15 =	vld [tilespmem:s26+$0x450]  }
0x23f: {  	v7 =	vadd.f32 v7, v8;
	v8 =	vld [tilespmem:s26+$0x460]  }
0x240: {  	v9 =	vadd.f32 v11, v9;
	v11 =	vld [tilespmem:s26+$0x470]  }
0x241: {  	[tilespmem:s18+$0x400] =	vst v7;
	v7 =	vld [tilespmem:s18+$0x450]  }
0x242: {  	v10 =	vadd.f32 v12, v10;
	v12 =	vld [tilespmem:s18+$0x460]  }
0x243: {  	v6 =	vadd.f32 v13, v6;
	v13 =	vld [tilespmem:s18+$0x470]  }
0x244: {  	v19 =	vld [tilespmem:s22+$0x40];
	[tilespmem:s18+$0x410] =	vst v9  }
0x245: {  	v14 =	vadd.f32 v14, v16;
	v9 =	vld [tilespmem:s24+$0x10];
	[tilespmem:s18+$0x420] =	vst v10  }
0x246: {  	v10 =	vld [tilespmem:s24+$0x20];
	[tilespmem:s18+$0x430] =	vst v6;
	v7 =	vadd.f32 v15, v7  }
0x247: {  	v6 =	vld [tilespmem:s24+$0x30];
	[tilespmem:s18+$0x440] =	vst v14;
	v8 =	vadd.f32 v8, v12  }
0x248: {  	v11 =	vadd.f32 v11, v13;
	v14 =	vld [tilespmem:s24+$0x40];
	[tilespmem:s18+$0x450] =	vst v7  }
0x249: {  	s21 =	sadd.s32 $0x12C00, s20;
	v7 =	vld [tilespmem:s24+$0x50];
	[tilespmem:s18+$0x460] =	vst v8  }
0x24a: {  	s28 =	sadd.s32 s16, s21;
	v8 =	vld [tilespmem:s24+$0x60];
	[tilespmem:s18+$0x470] =	vst v11  }
0x24b: {  	v11 =	vld [tilespmem:s28+$0x0]  }
0x24c: {  	v12 =	vld [tilespmem:s28+$0x10]  }
0x24d: {  	v13 =	vld [tilespmem:s28+$0x20]  }
0x24e: {  	v15 =	vld [tilespmem:s28+$0x30]  }
0x24f: {  	v17 =	vld [tilespmem:s28+$0x50]  }
0x250: {  	v16 =	vld [tilespmem:s28+$0x40]  }
0x251: {  	v5 =	vadd.f32 v11, v5;
	v11 =	vld [tilespmem:s28+$0x60]  }
0x252: {  	v9 =	vadd.f32 v12, v9;
	v12 =	vld [tilespmem:s28+$0x70]  }
0x253: {  	[tilespmem:s24+$0x0] =	vst v5;
	v5 =	vadd.f32 v13, v10;
	v10 =	vld [tilespmem:s24+$0x70]  }
0x254: {  	v6 =	vadd.f32 v15, v6;
	v7 =	vadd.f32 v17, v7;
	v17 =	vld [tilespmem:s22+$0x20];
	[tilespmem:s24+$0x10] =	vst v9  }
0x255: {  	v13 =	vadd.f32 v16, v14;
	v9 =	vld [tilespmem:s11+$0x10];
	[tilespmem:s24+$0x20] =	vst v5  }
0x256: {  	v5 =	vld [tilespmem:s11+$0x20];
	[tilespmem:s24+$0x30] =	vst v6  }
0x257: {  	v8 =	vadd.f32 v11, v8;
	v6 =	vld [tilespmem:s11+$0x30];
	[tilespmem:s24+$0x40] =	vst v13  }
0x258: {  	v13 =	vld [tilespmem:s11+$0x40];
	[tilespmem:s24+$0x50] =	vst v7;
	v10 =	vadd.f32 v12, v10  }
0x259: {  	s18 =	sadd.s32 $0x13000, s20;
	v7 =	vld [tilespmem:s11+$0x50];
	[tilespmem:s24+$0x60] =	vst v8  }
0x25a: {  	s25 =	sadd.s32 s16, s18;
	v8 =	vld [tilespmem:s11+$0x60];
	[tilespmem:s24+$0x70] =	vst v10  }
0x25b: {  	v10 =	vld [tilespmem:s25+$0x0]  }
0x25c: {  	v11 =	vld [tilespmem:s25+$0x10]  }
0x25d: {  	v12 =	vld [tilespmem:s25+$0x20]  }
0x25e: {  	v14 =	vld [tilespmem:s25+$0x30]  }
0x25f: {  	v15 =	vld [tilespmem:s25+$0x40]  }
0x260: {  	v16 =	vld [tilespmem:s25+$0x50]  }
0x261: {  	v47 =	vld [tilespmem:s11+$0x70]  }
0x262: {  	v4 =	vadd.f32 v10, v4;
	v10 =	vld [tilespmem:s25+$0x60];
	v9 =	vadd.f32 v11, v9  }
0x263: {  	v11 =	vld [tilespmem:s25+$0x70]  }
0x264: {  	[tilespmem:s11+$0x10] =	vst v9;
	v9 =	vld [tilespmem:s22+$0x0]  }
0x265: {  	v5 =	vadd.f32 v12, v5;
	v12 =	vld [tilespmem:s22+$0x10]  }
0x266: {  	v6 =	vadd.f32 v14, v6;
	v14 =	vld [tilespmem:s23+$0x50]  }
0x267: {  	v7 =	vadd.f32 v16, v7;
	v16 =	vld [tilespmem:s22+$0x450];
	[tilespmem:s11+$0x0] =	vst v4  }
0x268: {  	v17 =	vadd.f32 v24, v17;
	v4 =	vld [tilespmem:s19+$0x10];
	[tilespmem:s11+$0x20] =	vst v5  }
0x269: {  	v5 =	vld [tilespmem:s19+$0x20];
	[tilespmem:s11+$0x30] =	vst v6;
	v9 =	vadd.f32 v22, v9  }
0x26a: {  	v6 =	vadd.f32 v23, v12;
	v12 =	vld [tilespmem:s23+$0x70];
	[tilespmem:s22+$0x20] =	vst v17  }
0x26b: {  	[tilespmem:s22+$0x0] =	vst v9;
	v9 =	vld [tilespmem:s22+$0x70]  }
0x26c: {  	v17 =	vadd.f32 v26, v19;
	v19 =	vld [tilespmem:s22+$0x400];
	[tilespmem:s22+$0x10] =	vst v6;
	v6 =	vadd.f32 v25, v18  }
0x26d: {  	v8 =	vadd.f32 v10, v8;
	v10 =	vld [tilespmem:s22+$0x470]  }
0x26e: {  	v18 =	vld [tilespmem:s19+$0x30];
	[tilespmem:s22+$0x30] =	vst v6;
	v6 =	vadd.f32 v14, v20  }
0x26f: {  	[tilespmem:s22+$0x40] =	vst v17;
	v17 =	vadd.f32 v46, v21;
	v14 =	vld [tilespmem:s22+$0x410]  }
0x270: {  	v20 =	vld [tilespmem:s22+$0x420];
	[tilespmem:s22+$0x50] =	vst v6;
	v6 =	vadd.f32 v12, v9  }
0x271: {  	[tilespmem:s22+$0x60] =	vst v17;
	v9 =	vld [tilespmem:s22+$0x430]  }
0x272: {  	v12 =	vld [tilespmem:s22+$0x440];
	[tilespmem:s22+$0x70] =	vst v6  }
0x273: {  	v6 =	vld [tilespmem:s23+$0x400]  }
0x274: {  	v17 =	vld [tilespmem:s23+$0x410]  }
0x275: {  	v48 =	vld [tilespmem:s23+$0x420]  }
0x276: {  	v49 =	vld [tilespmem:s23+$0x430]  }
0x277: {  	v13 =	vadd.f32 v15, v13;
	v50 =	vld [tilespmem:s23+$0x440]  }
0x278: {  	v15 =	vld [tilespmem:s23+$0x450]  }
0x279: {  	[tilespmem:s11+$0x40] =	vst v13;
	v6 =	vadd.f32 v6, v19;
	v19 =	vld [tilespmem:s23+$0x460]  }
0x27a: {  	v13 =	vadd.f32 v17, v14;
	v17 =	vld [tilespmem:s19+$0x40];
	[tilespmem:s11+$0x50] =	vst v7  }
0x27b: {  	v14 =	vld [tilespmem:s23+$0x470];
	[tilespmem:s22+$0x400] =	vst v6;
	v6 =	vadd.f32 v48, v20  }
0x27c: {  	v9 =	vadd.f32 v49, v9;
	v7 =	vld [tilespmem:s19+$0x50];
	[tilespmem:s22+$0x410] =	vst v13  }
0x27d: {  	s26 =	sadd.s32 s15, s12;
	v13 =	vld [tilespmem:s22+$0x460];
	[tilespmem:s22+$0x420] =	vst v6  }
0x27e: {  	v12 =	vadd.f32 v50, v12;
	v6 =	vld [tilespmem:s26+$0x0];
	[tilespmem:s22+$0x430] =	vst v9  }
0x27f: {  	v11 =	vadd.f32 v11, v47;
	[tilespmem:s11+$0x60] =	vst v8;
	v9 =	vld [tilespmem:s26+$0x10]  }
0x280: {  	s28 =	sadd.s32 $0x13400, s20;
	v15 =	vadd.f32 v15, v16;
	[tilespmem:s22+$0x440] =	vst v12;
	v12 =	vld [tilespmem:s19+$0x60]  }
0x281: {  	s24 =	sadd.s32 s16, s28;
	[tilespmem:s11+$0x70] =	vst v11;
	v8 =	vld [tilespmem:s26+$0x20]  }
0x282: {  	[tilespmem:s22+$0x450] =	vst v15;
	v15 =	vld [tilespmem:s24+$0x0]  }
0x283: {  	v16 =	vld [tilespmem:s24+$0x10]  }
0x284: {  	v54 =	vld [tilespmem:s24+$0x20]  }
0x285: {  	v13 =	vadd.f32 v19, v13;
	v56 =	vld [tilespmem:s24+$0x50]  }
0x286: {  	v58 =	vld [tilespmem:s24+$0x70]  }
0x287: {  	v10 =	vadd.f32 v14, v10;
	v11 =	vld [tilespmem:s26+$0x30];
	[tilespmem:s22+$0x460] =	vst v13  }
0x288: {  	v13 =	vld [tilespmem:s26+$0x40]  }
0x289: {  	s21 =	sadd.s32 s15, s21;
	v14 =	vld [tilespmem:s26+$0x50];
	[tilespmem:s22+$0x470] =	vst v10  }
0x28a: {  	v10 =	vld [tilespmem:s21+$0x0]  }
0x28b: {  	v19 =	vld [tilespmem:s21+$0x10]  }
0x28c: {  	v20 =	vld [tilespmem:s21+$0x20]  }
0x28d: {  	v51 =	vld [tilespmem:s21+$0x30]  }
0x28e: {  	v52 =	vld [tilespmem:s21+$0x40]  }
0x28f: {  	v53 =	vld [tilespmem:s21+$0x50]  }
0x290: {  	v55 =	vld [tilespmem:s26+$0x70];
	v6 =	vadd.f32 v10, v6  }
0x291: {  	v10 =	vld [tilespmem:s21+$0x60];
	v9 =	vadd.f32 v19, v9  }
0x292: {  	v19 =	vld [tilespmem:s21+$0x70];
	[tilespmem:s26+$0x0] =	vst v6  }
0x293: {  	v6 =	vadd.f32 v20, v8;
	[tilespmem:s26+$0x10] =	vst v9;
	v9 =	vld [tilespmem:s26+$0x60]  }
0x294: {  	v11 =	vadd.f32 v51, v11;
	v8 =	vld [tilespmem:s24+$0x30]  }
0x295: {  	s8 =	sadd.s32 s15, s8;
	v13 =	vadd.f32 v52, v13;
	v20 =	vld [tilespmem:s24+$0x40];
	[tilespmem:s26+$0x20] =	vst v6  }
0x296: {  	v6 =	vld [tilespmem:s8+$0x0];
	[tilespmem:s26+$0x30] =	vst v11  }
0x297: {  	v14 =	vadd.f32 v53, v14;
	v11 =	vld [tilespmem:s8+$0x10];
	[tilespmem:s26+$0x40] =	vst v13  }
0x298: {  	v13 =	vld [tilespmem:s8+$0x20];
	v9 =	vadd.f32 v10, v9  }
0x299: {  	[tilespmem:s26+$0x50] =	vst v14;
	v14 =	vld [tilespmem:s24+$0x60]  }
0x29a: {  	v10 =	vld [tilespmem:s8+$0x30];
	[tilespmem:s26+$0x60] =	vst v9;
	v9 =	vadd.f32 v19, v55  }
0x29b: {  	v19 =	vld [tilespmem:s8+$0x40]  }
0x29c: {  	s18 =	sadd.s32 s15, s18;
	v57 =	vld [tilespmem:s8+$0x50];
	[tilespmem:s26+$0x70] =	vst v9  }
0x29d: {  	v9 =	vld [tilespmem:s18+$0x0]  }
0x29e: {  	v3 =	vadd.f32 v15, v3;
	v59 =	vld [tilespmem:s18+$0x10]  }
0x29f: {  	v4 =	vadd.f32 v16, v4;
	v15 =	vld [tilespmem:s18+$0x20]  }
0x2a0: {  	[tilespmem:s19+$0x0] =	vst v3;
	v3 =	vadd.f32 v54, v5;
	v16 =	vld [tilespmem:s18+$0x30]  }
0x2a1: {  	[tilespmem:s19+$0x10] =	vst v4;
	v4 =	vadd.f32 v8, v18;
	v5 =	vld [tilespmem:s18+$0x40]  }
0x2a2: {  	[tilespmem:s19+$0x20] =	vst v3;
	v8 =	vld [tilespmem:s18+$0x50];
	v3 =	vadd.f32 v9, v6  }
0x2a3: {  	[tilespmem:s19+$0x30] =	vst v4;
	v6 =	vld [tilespmem:s18+$0x60];
	v4 =	vadd.f32 v59, v11  }
0x2a4: {  	v9 =	vld [tilespmem:s18+$0x70];
	[tilespmem:s8+$0x0] =	vst v3;
	v3 =	vadd.f32 v15, v13  }
0x2a5: {  	v13 =	vadd.f32 v20, v17;
	[tilespmem:s8+$0x10] =	vst v4  }
0x2a6: {  	v11 =	vld [tilespmem:s19+$0x70];
	v10 =	vadd.f32 v16, v10;
	[tilespmem:s8+$0x20] =	vst v3  }
0x2a7: {  	s7 =	sadd.s32 s15, s7;
	v4 =	vld [tilespmem:s8+$0x60];
	v3 =	vadd.f32 v56, v7;
	[tilespmem:s19+$0x40] =	vst v13  }
0x2a8: {  	v5 =	vadd.f32 v5, v19;
	v7 =	vld [tilespmem:s7+$0x0];
	[tilespmem:s8+$0x30] =	vst v10  }
0x2a9: {  	v10 =	vadd.f32 v14, v12;
	v12 =	vld [tilespmem:s8+$0x70];
	[tilespmem:s19+$0x50] =	vst v3  }
0x2aa: {  	v8 =	vadd.f32 v8, v57;
	v3 =	vld [tilespmem:s7+$0x10];
	[tilespmem:s8+$0x40] =	vst v5  }
0x2ab: {  	v5 =	vadd.f32 v58, v11;
	[tilespmem:s19+$0x60] =	vst v10  }
0x2ac: {  	s25 =	sadd.s32 $0x1800, s17;
	v10 =	vld [tilespmem:s7+$0x20];
	[tilespmem:s8+$0x50] =	vst v8  }
0x2ad: {  	s26 =	sadd.s32 $0x13800, s20;
	s18 =	sadd.s32 s16, s25;
	v4 =	vadd.f32 v6, v4;
	[tilespmem:s19+$0x70] =	vst v5;
	v5 =	vld [tilespmem:s7+$0x30]  }
0x2ae: {  	s16 =	sadd.s32 s16, s26;
	v13 =	vld [tilespmem:s18+$0x70]  }
0x2af: {  	[tilespmem:s8+$0x60] =	vst v4;
	v15 =	vld [tilespmem:s16+$0x70];
	v4 =	vadd.f32 v9, v12  }
0x2b0: {  	v6 =	vld [tilespmem:s7+$0x40]  }
0x2b1: {  	s12 =	sadd.s32 s15, s28;
	v9 =	vld [tilespmem:s7+$0x50];
	[tilespmem:s8+$0x70] =	vst v4  }
0x2b2: {  	v4 =	vld [tilespmem:s12+$0x0]  }
0x2b3: {  	v8 =	vld [tilespmem:s12+$0x10]  }
0x2b4: {  	v11 =	vld [tilespmem:s12+$0x20]  }
0x2b5: {  	v12 =	vld [tilespmem:s12+$0x30]  }
0x2b6: {  	v14 =	vld [tilespmem:s12+$0x40]  }
0x2b7: {  	v16 =	vld [tilespmem:s12+$0x50]  }
0x2b8: {  	v17 =	vld [tilespmem:s12+$0x70]  }
0x2b9: {  	v4 =	vadd.f32 v4, v7;
	v7 =	vld [tilespmem:s12+$0x60]  }
0x2ba: {  	v3 =	vadd.f32 v8, v3;
	v8 =	vld [tilespmem:s16+$0x0]  }
0x2bb: {  	v10 =	vadd.f32 v11, v10;
	v11 =	vadd.f32 v12, v5;
	v5 =	vld [tilespmem:s16+$0x20]  }
0x2bc: {  	[tilespmem:s7+$0x0] =	vst v4;
	v4 =	vld [tilespmem:s16+$0x10]  }
0x2bd: {  	[tilespmem:s7+$0x10] =	vst v3;
	v3 =	vld [tilespmem:s7+$0x60]  }
0x2be: {  	s20 =	sadd.s32 s15, s25;
	[tilespmem:s7+$0x20] =	vst v10;
	v10 =	vld [tilespmem:s7+$0x70]  }
0x2bf: {  	v6 =	vadd.f32 v14, v6;
	v18 =	vld [tilespmem:s20+$0x0];
	[tilespmem:s7+$0x30] =	vst v11  }
0x2c0: {  	v9 =	vadd.f32 v16, v9;
	v19 =	vld [tilespmem:s20+$0x10]  }
0x2c1: {  	[tilespmem:s7+$0x40] =	vst v6;
	v6 =	vld [tilespmem:s16+$0x30]  }
0x2c2: {  	v20 =	vld [tilespmem:s20+$0x20];
	[tilespmem:s7+$0x50] =	vst v9  }
0x2c3: {  	v60 =	vld [tilespmem:s20+$0x30];
	v7 =	vadd.f32 v7, v3  }
0x2c4: {  	v3 =	vld [tilespmem:s16+$0x40]  }
0x2c5: {  	v9 =	vadd.f32 v17, v10;
	[tilespmem:s7+$0x60] =	vst v7;
	v7 =	vld [tilespmem:s16+$0x50]  }
0x2c6: {  	v12 =	vld [tilespmem:s20+$0x40]  }
0x2c7: {  	v11 =	vld [tilespmem:s20+$0x50];
	[tilespmem:s7+$0x70] =	vst v9  }
0x2c8: {  	s28 =	sadd.s32 s15, s26;
	v10 =	vld [tilespmem:s20+$0x60]  }
0x2c9: {  	v9 =	vld [tilespmem:s28+$0x0]  }
0x2ca: {  	v61 =	vld [tilespmem:s28+$0x10]  }
0x2cb: {  	v62 =	vld [tilespmem:s28+$0x20]  }
0x2cc: {  	v63 =	vld [tilespmem:s28+$0x30]  }
0x2cd: {  	v17 =	vld [tilespmem:s28+$0x40]  }
0x2ce: {  	v15 =	vadd.f32 v15, v13;
	v16 =	vld [tilespmem:s28+$0x50]  }
0x2cf: {  	v14 =	vld [tilespmem:s28+$0x60];
	v18 =	vadd.f32 v9, v18  }
0x2d0: {  	v22 =	vadd.f32 v61, v19;
	v9 =	vld [tilespmem:s16+$0x60];
	[tilespmem:s18+$0x70] =	vst v15  }
0x2d1: {  	v13 =	vld [tilespmem:s28+$0x70];
	v19 =	vadd.f32 v62, v20;
	[tilespmem:s20+$0x0] =	vst v18  }
0x2d2: {  	s15 =	simm.s32 $0x10;
	v15 =	vld [tilespmem:s20+$0x70];
	[tilespmem:s20+$0x10] =	vst v22;
	v18 =	vadd.f32 v63, v60  }
.LBB2_11:
0x2d3: {  	s15 =	sadd.s32 $0x2, s15;
	[tilespmem:s20+$0x20] =	vst v19;
	v12 =	vadd.f32 v17, v12;
	v17 =	vld [tilespmem:s18+$0x0]  }
0x2d4: {  	s7 =	sshrl.u32 s15, $0x3;
	p0 =	slt.u32 s15, $0x1E;
	[tilespmem:s20+$0x30] =	vst v18;
	v11 =	vadd.f32 v16, v11;
	v16 =	vld [tilespmem:s18+$0x10]  }
0x2d5: {  	s11 =	smul.u32 $0x1800, s7;
	[tilespmem:s20+$0x40] =	vst v12;
	v10 =	vadd.f32 v14, v10;
	v12 =	vld [tilespmem:s18+$0x20]  }
0x2d6: {  	s14 =	sadd.s32 $0x100, s14;
	[tilespmem:s20+$0x50] =	vst v11;
	v11 =	vld [tilespmem:s18+$0x30]  }
0x2d7: {  	s23 =	sand.u32 $0x300, s14;
	s7 =	sadd.s32 s31, s11;
	[tilespmem:s20+$0x60] =	vst v10;
	v10 =	vadd.f32 v13, v15;
	v13 =	vld [tilespmem:s18+$0x40]  }
0x2d8: {  	s24 =	sor.u32 $0x80, s23;
	s8 =	sadd.s32 $0x1400, s7;
	v14 =	vld [tilespmem:s18+$0x50];
	v8 =	vadd.f32 v8, v17  }
0x2d9: {  	s12 =	sadd.s32 $0x1000, s7;
	s16 =	sadd.s32 s23, s8;
	s8 =	sadd.s32 s24, s8;
	[tilespmem:s20+$0x70] =	vst v10;
	v10 =	vld [tilespmem:s18+$0x60];
	v15 =	vadd.f32 v4, v16  }
0x2da: {  	s21 =	sadd.s32 $0xC00, s7;
	s17 =	sadd.s32 s23, s12;
	s20 =	sadd.s32 s24, s12;
	v4 =	vld [tilespmem:s8+$0x0];
	[tilespmem:s18+$0x0] =	vst v8;
	v8 =	vadd.f32 v5, v12  }
0x2db: {  	s12 =	sadd.s32 $0x400, s7;
	s19 =	sadd.s32 s23, s21;
	s25 =	sadd.s32 s24, s21;
	v5 =	vld [tilespmem:s20+$0x0];
	[tilespmem:s18+$0x10] =	vst v15;
	v11 =	vadd.f32 v6, v11  }
0x2dc: {  	s21 =	sadd.s32 s23, s12;
	s12 =	sadd.s32 s24, s12;
	v6 =	vld [tilespmem:s25+$0x0];
	[tilespmem:s18+$0x20] =	vst v8;
	v3 =	vadd.f32 v3, v13  }
0x2dd: {  	v8 =	vld [tilespmem:s12+$0x400];
	[tilespmem:s18+$0x30] =	vst v11;
	v7 =	vadd.f32 v7, v14  }
0x2de: {  	v11 =	vld [tilespmem:s12+$0x0];
	[tilespmem:s18+$0x40] =	vst v3;
	v3 =	vadd.f32 v9, v10  }
0x2df: {  	v9 =	vld [tilespmem:s12+$0x10];
	[tilespmem:s18+$0x50] =	vst v7  }
0x2e0: {  	v7 =	vld [tilespmem:s12+$0x20];
	[tilespmem:s18+$0x60] =	vst v3  }
0x2e1: {  	v3 =	vld [tilespmem:s12+$0x30]  }
0x2e2: {  	v10 =	vld [tilespmem:s12+$0x40]  }
0x2e3: {  	s18 =	sadd.s32 s2, s11;
	v12 =	vld [tilespmem:s12+$0x50]  }
0x2e4: {  	s11 =	sadd.s32 $0x12400, s18;
	v13 =	vld [tilespmem:s12+$0x60]  }
0x2e5: {  	s22 =	sadd.s32 s23, s11;
	s11 =	sadd.s32 s24, s11;
	v14 =	vld [tilespmem:s12+$0x70]  }
0x2e6: {  	v15 =	vld [tilespmem:s11+$0x0]  }
0x2e7: {  	v16 =	vld [tilespmem:s11+$0x10]  }
0x2e8: {  	v17 =	vld [tilespmem:s11+$0x20]  }
0x2e9: {  	v18 =	vld [tilespmem:s11+$0x30]  }
0x2ea: {  	v19 =	vld [tilespmem:s11+$0x40]  }
0x2eb: {  	v20 =	vld [tilespmem:s11+$0x50];
	v11 =	vadd.f32 v15, v11  }
0x2ec: {  	v15 =	vld [tilespmem:s11+$0x60];
	v9 =	vadd.f32 v16, v9  }
0x2ed: {  	v16 =	vld [tilespmem:s11+$0x70];
	[tilespmem:s12+$0x0] =	vst v11;
	v7 =	vadd.f32 v17, v7  }
0x2ee: {  	[tilespmem:s12+$0x10] =	vst v9;
	v3 =	vadd.f32 v18, v3;
	v9 =	vld [tilespmem:s12+$0x410]  }
0x2ef: {  	[tilespmem:s12+$0x20] =	vst v7;
	v7 =	vadd.f32 v19, v10;
	v10 =	vld [tilespmem:s12+$0x420]  }
0x2f0: {  	[tilespmem:s12+$0x30] =	vst v3;
	v3 =	vadd.f32 v20, v12;
	v11 =	vld [tilespmem:s12+$0x430]  }
0x2f1: {  	[tilespmem:s12+$0x40] =	vst v7;
	v7 =	vadd.f32 v15, v13;
	v12 =	vld [tilespmem:s12+$0x440]  }
0x2f2: {  	[tilespmem:s12+$0x50] =	vst v3;
	v3 =	vadd.f32 v16, v14;
	v13 =	vld [tilespmem:s12+$0x450]  }
0x2f3: {  	[tilespmem:s12+$0x60] =	vst v7;
	v7 =	vld [tilespmem:s12+$0x460]  }
0x2f4: {  	[tilespmem:s12+$0x70] =	vst v3;
	v3 =	vld [tilespmem:s12+$0x470]  }
0x2f5: {  	v14 =	vld [tilespmem:s11+$0x400]  }
0x2f6: {  	v15 =	vld [tilespmem:s11+$0x410]  }
0x2f7: {  	v16 =	vld [tilespmem:s11+$0x420]  }
0x2f8: {  	v17 =	vld [tilespmem:s11+$0x430]  }
0x2f9: {  	v18 =	vld [tilespmem:s11+$0x440]  }
0x2fa: {  	v19 =	vld [tilespmem:s11+$0x450];
	v8 =	vadd.f32 v14, v8  }
0x2fb: {  	v14 =	vld [tilespmem:s11+$0x460];
	v9 =	vadd.f32 v15, v9  }
0x2fc: {  	v15 =	vld [tilespmem:s11+$0x470];
	[tilespmem:s12+$0x400] =	vst v8;
	v8 =	vadd.f32 v16, v10  }
0x2fd: {  	[tilespmem:s12+$0x410] =	vst v9;
	v9 =	vadd.f32 v17, v11;
	v10 =	vld [tilespmem:s25+$0x10]  }
0x2fe: {  	[tilespmem:s12+$0x420] =	vst v8;
	v8 =	vadd.f32 v18, v12;
	v11 =	vld [tilespmem:s25+$0x20]  }
0x2ff: {  	[tilespmem:s12+$0x430] =	vst v9;
	v9 =	vadd.f32 v19, v13;
	v12 =	vld [tilespmem:s25+$0x30]  }
0x300: {  	[tilespmem:s12+$0x440] =	vst v8;
	v7 =	vadd.f32 v14, v7;
	v8 =	vld [tilespmem:s25+$0x40]  }
0x301: {  	[tilespmem:s12+$0x450] =	vst v9;
	v3 =	vadd.f32 v15, v3;
	v9 =	vld [tilespmem:s25+$0x50]  }
0x302: {  	s26 =	sadd.s32 $0x12C00, s18;
	[tilespmem:s12+$0x460] =	vst v7;
	v7 =	vld [tilespmem:s25+$0x60]  }
0x303: {  	s11 =	sadd.s32 s23, s26;
	[tilespmem:s12+$0x470] =	vst v3;
	v3 =	vld [tilespmem:s25+$0x70];
	s12 =	sadd.s32 s24, s26  }
0x304: {  	v13 =	vld [tilespmem:s12+$0x0]  }
0x305: {  	v14 =	vld [tilespmem:s12+$0x10]  }
0x306: {  	v15 =	vld [tilespmem:s12+$0x20]  }
0x307: {  	v16 =	vld [tilespmem:s12+$0x30]  }
0x308: {  	v17 =	vld [tilespmem:s12+$0x40]  }
0x309: {  	v18 =	vld [tilespmem:s12+$0x50];
	v6 =	vadd.f32 v13, v6  }
0x30a: {  	v13 =	vld [tilespmem:s12+$0x60];
	v10 =	vadd.f32 v14, v10  }
0x30b: {  	v14 =	vld [tilespmem:s12+$0x70];
	[tilespmem:s25+$0x0] =	vst v6;
	v6 =	vadd.f32 v15, v11  }
0x30c: {  	[tilespmem:s25+$0x10] =	vst v10;
	v10 =	vadd.f32 v16, v12;
	v11 =	vld [tilespmem:s20+$0x10]  }
0x30d: {  	[tilespmem:s25+$0x20] =	vst v6;
	v6 =	vadd.f32 v17, v8;
	v8 =	vld [tilespmem:s20+$0x20]  }
0x30e: {  	[tilespmem:s25+$0x30] =	vst v10;
	v9 =	vadd.f32 v18, v9;
	v10 =	vld [tilespmem:s20+$0x30]  }
0x30f: {  	[tilespmem:s25+$0x40] =	vst v6;
	v6 =	vadd.f32 v13, v7;
	v7 =	vld [tilespmem:s20+$0x40]  }
0x310: {  	[tilespmem:s25+$0x50] =	vst v9;
	v3 =	vadd.f32 v14, v3;
	v9 =	vld [tilespmem:s20+$0x50]  }
0x311: {  	s26 =	sadd.s32 $0x13000, s18;
	[tilespmem:s25+$0x60] =	vst v6;
	v6 =	vld [tilespmem:s20+$0x60]  }
0x312: {  	s12 =	sadd.s32 s23, s26;
	[tilespmem:s25+$0x70] =	vst v3;
	v3 =	vld [tilespmem:s20+$0x70];
	s25 =	sadd.s32 s24, s26  }
0x313: {  	v12 =	vld [tilespmem:s25+$0x0]  }
0x314: {  	v13 =	vld [tilespmem:s25+$0x10]  }
0x315: {  	v14 =	vld [tilespmem:s25+$0x20]  }
0x316: {  	v15 =	vld [tilespmem:s25+$0x30]  }
0x317: {  	v16 =	vld [tilespmem:s25+$0x40]  }
0x318: {  	v17 =	vld [tilespmem:s25+$0x50];
	v5 =	vadd.f32 v12, v5  }
0x319: {  	v12 =	vld [tilespmem:s25+$0x60];
	v11 =	vadd.f32 v13, v11  }
0x31a: {  	v13 =	vld [tilespmem:s25+$0x70];
	[tilespmem:s20+$0x0] =	vst v5;
	v5 =	vadd.f32 v14, v8  }
0x31b: {  	[tilespmem:s20+$0x10] =	vst v11;
	v8 =	vadd.f32 v15, v10;
	v10 =	vld [tilespmem:s8+$0x10]  }
0x31c: {  	[tilespmem:s20+$0x20] =	vst v5;
	v5 =	vadd.f32 v16, v7;
	v7 =	vld [tilespmem:s8+$0x20]  }
0x31d: {  	[tilespmem:s20+$0x30] =	vst v8;
	v8 =	vadd.f32 v17, v9;
	v9 =	vld [tilespmem:s8+$0x30]  }
0x31e: {  	[tilespmem:s20+$0x40] =	vst v5;
	v5 =	vadd.f32 v12, v6;
	v6 =	vld [tilespmem:s8+$0x40]  }
0x31f: {  	[tilespmem:s20+$0x50] =	vst v8;
	v3 =	vadd.f32 v13, v3;
	v8 =	vld [tilespmem:s8+$0x50]  }
0x320: {  	s26 =	sadd.s32 $0x13400, s18;
	[tilespmem:s20+$0x60] =	vst v5;
	v5 =	vld [tilespmem:s8+$0x60]  }
0x321: {  	s25 =	sadd.s32 s23, s26;
	[tilespmem:s20+$0x70] =	vst v3;
	v3 =	vld [tilespmem:s8+$0x70];
	s20 =	sadd.s32 s24, s26  }
0x322: {  	v11 =	vld [tilespmem:s20+$0x0]  }
0x323: {  	v12 =	vld [tilespmem:s20+$0x10]  }
0x324: {  	v13 =	vld [tilespmem:s20+$0x20]  }
0x325: {  	v14 =	vld [tilespmem:s20+$0x30]  }
0x326: {  	v15 =	vld [tilespmem:s20+$0x40]  }
0x327: {  	v16 =	vld [tilespmem:s20+$0x50];
	v4 =	vadd.f32 v11, v4  }
0x328: {  	v11 =	vld [tilespmem:s20+$0x60];
	v10 =	vadd.f32 v12, v10  }
0x329: {  	v12 =	vld [tilespmem:s20+$0x70];
	[tilespmem:s8+$0x0] =	vst v4;
	v4 =	vadd.f32 v13, v7  }
0x32a: {  	v13 =	vld [tilespmem:s21+$0x0];
	[tilespmem:s8+$0x10] =	vst v10;
	v7 =	vadd.f32 v14, v9  }
0x32b: {  	v10 =	vld [tilespmem:s21+$0x10];
	[tilespmem:s8+$0x20] =	vst v4;
	v4 =	vadd.f32 v15, v6  }
0x32c: {  	v14 =	vld [tilespmem:s21+$0x20];
	[tilespmem:s8+$0x30] =	vst v7;
	v6 =	vadd.f32 v16, v8  }
0x32d: {  	v15 =	vld [tilespmem:s21+$0x30];
	[tilespmem:s8+$0x40] =	vst v4;
	v4 =	vadd.f32 v11, v5  }
0x32e: {  	s7 =	sadd.s32 $0x1800, s7;
	v11 =	vld [tilespmem:s21+$0x40];
	[tilespmem:s8+$0x50] =	vst v6;
	v3 =	vadd.f32 v12, v3  }
0x32f: {  	s26 =	sadd.s32 $0x13800, s18;
	s18 =	sadd.s32 s24, s7;
	s20 =	sadd.s32 s23, s7;
	v12 =	vld [tilespmem:s21+$0x50];
	[tilespmem:s8+$0x60] =	vst v4  }
0x330: {  	s7 =	sadd.s32 s23, s26;
	[tilespmem:s8+$0x70] =	vst v3;
	v7 =	vld [tilespmem:s18+$0x70];
	s8 =	sadd.s32 s24, s26  }
0x331: {  	v9 =	vld [tilespmem:s8+$0x70]  }
0x332: {  	v8 =	vld [tilespmem:s8+$0x0]  }
0x333: {  	v4 =	vld [tilespmem:s8+$0x10]  }
0x334: {  	v5 =	vld [tilespmem:s8+$0x20]  }
0x335: {  	v6 =	vld [tilespmem:s8+$0x30]  }
0x336: {  	v3 =	vld [tilespmem:s8+$0x40];
	v16 =	vadd.f32 v9, v7  }
0x337: {  	v7 =	vld [tilespmem:s8+$0x50]  }
0x338: {  	v9 =	vld [tilespmem:s8+$0x60];
	[tilespmem:s18+$0x70] =	vst v16  }
0x339: {  	v16 =	vld [tilespmem:s21+$0x60]  }
0x33a: {  	v17 =	vld [tilespmem:s21+$0x70]  }
0x33b: {  	v18 =	vld [tilespmem:s22+$0x0]  }
0x33c: {  	v19 =	vld [tilespmem:s22+$0x10]  }
0x33d: {  	v20 =	vld [tilespmem:s22+$0x20]  }
0x33e: {  	v21 =	vld [tilespmem:s22+$0x30]  }
0x33f: {  	v22 =	vld [tilespmem:s22+$0x40]  }
0x340: {  	v23 =	vld [tilespmem:s22+$0x50];
	v13 =	vadd.f32 v18, v13  }
0x341: {  	v18 =	vld [tilespmem:s22+$0x60];
	v10 =	vadd.f32 v19, v10  }
0x342: {  	v19 =	vld [tilespmem:s22+$0x70];
	[tilespmem:s21+$0x0] =	vst v13;
	v13 =	vadd.f32 v20, v14  }
0x343: {  	[tilespmem:s21+$0x10] =	vst v10;
	v10 =	vadd.f32 v21, v15;
	v14 =	vld [tilespmem:s21+$0x400]  }
0x344: {  	[tilespmem:s21+$0x20] =	vst v13;
	v11 =	vadd.f32 v22, v11;
	v13 =	vld [tilespmem:s21+$0x410]  }
0x345: {  	[tilespmem:s21+$0x30] =	vst v10;
	v10 =	vadd.f32 v23, v12;
	v12 =	vld [tilespmem:s21+$0x420]  }
0x346: {  	[tilespmem:s21+$0x40] =	vst v11;
	v11 =	vadd.f32 v18, v16;
	v15 =	vld [tilespmem:s21+$0x430]  }
0x347: {  	[tilespmem:s21+$0x50] =	vst v10;
	v10 =	vadd.f32 v19, v17;
	v16 =	vld [tilespmem:s21+$0x440]  }
0x348: {  	[tilespmem:s21+$0x60] =	vst v11;
	v11 =	vld [tilespmem:s21+$0x450]  }
0x349: {  	[tilespmem:s21+$0x70] =	vst v10;
	v10 =	vld [tilespmem:s21+$0x460]  }
0x34a: {  	v17 =	vld [tilespmem:s22+$0x400]  }
0x34b: {  	v18 =	vld [tilespmem:s22+$0x410]  }
0x34c: {  	v19 =	vld [tilespmem:s22+$0x420]  }
0x34d: {  	v20 =	vld [tilespmem:s22+$0x430]  }
0x34e: {  	v21 =	vld [tilespmem:s22+$0x440]  }
0x34f: {  	v22 =	vld [tilespmem:s22+$0x450];
	v14 =	vadd.f32 v17, v14  }
0x350: {  	v17 =	vld [tilespmem:s22+$0x460];
	v13 =	vadd.f32 v18, v13  }
0x351: {  	v18 =	vld [tilespmem:s22+$0x470];
	[tilespmem:s21+$0x400] =	vst v14;
	v12 =	vadd.f32 v19, v12  }
0x352: {  	v14 =	vld [tilespmem:s21+$0x470];
	[tilespmem:s21+$0x410] =	vst v13;
	v13 =	vadd.f32 v20, v15  }
0x353: {  	[tilespmem:s21+$0x420] =	vst v12;
	v12 =	vadd.f32 v21, v16;
	v15 =	vld [tilespmem:s19+$0x0]  }
0x354: {  	[tilespmem:s21+$0x430] =	vst v13;
	v11 =	vadd.f32 v22, v11;
	v13 =	vld [tilespmem:s19+$0x10]  }
0x355: {  	[tilespmem:s21+$0x440] =	vst v12;
	v10 =	vadd.f32 v17, v10;
	v12 =	vld [tilespmem:s19+$0x20]  }
0x356: {  	[tilespmem:s21+$0x450] =	vst v11;
	v11 =	vld [tilespmem:s19+$0x30]  }
0x357: {  	[tilespmem:s21+$0x460] =	vst v10;
	v10 =	vadd.f32 v18, v14;
	v14 =	vld [tilespmem:s19+$0x40]  }
0x358: {  	v16 =	vld [tilespmem:s19+$0x50]  }
0x359: {  	[tilespmem:s21+$0x470] =	vst v10;
	v10 =	vld [tilespmem:s19+$0x60]  }
0x35a: {  	v17 =	vld [tilespmem:s11+$0x0]  }
0x35b: {  	v18 =	vld [tilespmem:s11+$0x10]  }
0x35c: {  	v19 =	vld [tilespmem:s11+$0x20]  }
0x35d: {  	v20 =	vld [tilespmem:s11+$0x30]  }
0x35e: {  	v21 =	vld [tilespmem:s11+$0x40]  }
0x35f: {  	v22 =	vld [tilespmem:s11+$0x50];
	v15 =	vadd.f32 v17, v15  }
0x360: {  	v17 =	vld [tilespmem:s11+$0x60];
	v13 =	vadd.f32 v18, v13  }
0x361: {  	v18 =	vld [tilespmem:s11+$0x70];
	[tilespmem:s19+$0x0] =	vst v15;
	v12 =	vadd.f32 v19, v12  }
0x362: {  	v15 =	vld [tilespmem:s19+$0x70];
	[tilespmem:s19+$0x10] =	vst v13;
	v11 =	vadd.f32 v20, v11  }
0x363: {  	[tilespmem:s19+$0x20] =	vst v12;
	v12 =	vadd.f32 v21, v14;
	v13 =	vld [tilespmem:s17+$0x0]  }
0x364: {  	[tilespmem:s19+$0x30] =	vst v11;
	v11 =	vadd.f32 v22, v16;
	v14 =	vld [tilespmem:s17+$0x10]  }
0x365: {  	[tilespmem:s19+$0x40] =	vst v12;
	v10 =	vadd.f32 v17, v10;
	v12 =	vld [tilespmem:s17+$0x20]  }
0x366: {  	[tilespmem:s19+$0x50] =	vst v11;
	v11 =	vld [tilespmem:s17+$0x30]  }
0x367: {  	[tilespmem:s19+$0x60] =	vst v10;
	v10 =	vadd.f32 v18, v15;
	v15 =	vld [tilespmem:s17+$0x40]  }
0x368: {  	v16 =	vld [tilespmem:s17+$0x50]  }
0x369: {  	[tilespmem:s19+$0x70] =	vst v10;
	v10 =	vld [tilespmem:s17+$0x60]  }
0x36a: {  	v17 =	vld [tilespmem:s12+$0x0]  }
0x36b: {  	v18 =	vld [tilespmem:s12+$0x10]  }
0x36c: {  	v19 =	vld [tilespmem:s12+$0x20]  }
0x36d: {  	v20 =	vld [tilespmem:s12+$0x30]  }
0x36e: {  	v21 =	vld [tilespmem:s12+$0x40]  }
0x36f: {  	v22 =	vld [tilespmem:s12+$0x50];
	v13 =	vadd.f32 v17, v13  }
0x370: {  	v17 =	vld [tilespmem:s12+$0x60];
	v14 =	vadd.f32 v18, v14  }
0x371: {  	v18 =	vld [tilespmem:s12+$0x70];
	[tilespmem:s17+$0x0] =	vst v13;
	v12 =	vadd.f32 v19, v12  }
0x372: {  	v13 =	vld [tilespmem:s17+$0x70];
	[tilespmem:s17+$0x10] =	vst v14;
	v11 =	vadd.f32 v20, v11  }
0x373: {  	[tilespmem:s17+$0x20] =	vst v12;
	v12 =	vadd.f32 v21, v15;
	v14 =	vld [tilespmem:s16+$0x0]  }
0x374: {  	[tilespmem:s17+$0x30] =	vst v11;
	v11 =	vadd.f32 v22, v16;
	v15 =	vld [tilespmem:s16+$0x10]  }
0x375: {  	[tilespmem:s17+$0x40] =	vst v12;
	v10 =	vadd.f32 v17, v10;
	v12 =	vld [tilespmem:s16+$0x20]  }
0x376: {  	[tilespmem:s17+$0x50] =	vst v11;
	v11 =	vld [tilespmem:s16+$0x30]  }
0x377: {  	[tilespmem:s17+$0x60] =	vst v10;
	v10 =	vadd.f32 v18, v13;
	v13 =	vld [tilespmem:s16+$0x40]  }
0x378: {  	v16 =	vld [tilespmem:s16+$0x50]  }
0x379: {  	[tilespmem:s17+$0x70] =	vst v10;
	v10 =	vld [tilespmem:s16+$0x60]  }
0x37a: {  	v17 =	vld [tilespmem:s25+$0x0]  }
0x37b: {  	v18 =	vld [tilespmem:s25+$0x10]  }
0x37c: {  	v19 =	vld [tilespmem:s25+$0x20]  }
0x37d: {  	v20 =	vld [tilespmem:s25+$0x30]  }
0x37e: {  	v21 =	vld [tilespmem:s25+$0x40]  }
0x37f: {  	v22 =	vld [tilespmem:s25+$0x50];
	v14 =	vadd.f32 v17, v14  }
0x380: {  	v17 =	vld [tilespmem:s25+$0x60];
	v15 =	vadd.f32 v18, v15  }
0x381: {  	v18 =	vld [tilespmem:s25+$0x70];
	[tilespmem:s16+$0x0] =	vst v14;
	v12 =	vadd.f32 v19, v12  }
0x382: {  	v14 =	vld [tilespmem:s16+$0x70];
	[tilespmem:s16+$0x10] =	vst v15;
	v11 =	vadd.f32 v20, v11  }
0x383: {  	[tilespmem:s16+$0x20] =	vst v12;
	v12 =	vadd.f32 v21, v13;
	v13 =	vld [tilespmem:s20+$0x0]  }
0x384: {  	[tilespmem:s16+$0x30] =	vst v11;
	v11 =	vadd.f32 v22, v16;
	v15 =	vld [tilespmem:s20+$0x10]  }
0x385: {  	[tilespmem:s16+$0x40] =	vst v12;
	v10 =	vadd.f32 v17, v10;
	v19 =	vld [tilespmem:s20+$0x20]  }
0x386: {  	[tilespmem:s16+$0x50] =	vst v11;
	v20 =	vld [tilespmem:s20+$0x30]  }
0x387: {  	[tilespmem:s16+$0x60] =	vst v10;
	v10 =	vadd.f32 v18, v14;
	v12 =	vld [tilespmem:s20+$0x40]  }
0x388: {  	v11 =	vld [tilespmem:s20+$0x50]  }
0x389: {  	[tilespmem:s16+$0x70] =	vst v10;
	v10 =	vld [tilespmem:s20+$0x60]  }
0x38a: {  	v14 =	vld [tilespmem:s7+$0x0]  }
0x38b: {  	v18 =	vld [tilespmem:s7+$0x10]  }
0x38c: {  	v21 =	vld [tilespmem:s7+$0x20]  }
0x38d: {  	v22 =	vld [tilespmem:s7+$0x30]  }
.Ltmp5:
0x38e: {  	v17 =	vld [tilespmem:s7+$0x40];
	(pc) =	sbr.rel @p0 .LBB2_11-.Ltmp5, $4  }
0x38f: {  	v16 =	vld [tilespmem:s7+$0x50];
	v23 =	vadd.f32 v14, v13  }
0x390: {  	v14 =	vld [tilespmem:s7+$0x60];
	v18 =	vadd.f32 v18, v15  }
0x391: {  	v13 =	vld [tilespmem:s7+$0x70];
	[tilespmem:s20+$0x0] =	vst v23;
	v19 =	vadd.f32 v21, v19  }
0x392: {  	v15 =	vld [tilespmem:s20+$0x70];
	[tilespmem:s20+$0x10] =	vst v18;
	v18 =	vadd.f32 v22, v20  }
0x393: {  	v20 =	vld [tilespmem:s18+$0x0]  }
0x394: {  	[tilespmem:s20+$0x20] =	vst v19;
	v12 =	vadd.f32 v17, v12;
	v55 =	vld [tilespmem:s18+$0x10]  }
0x395: {  	v56 =	vld [tilespmem:s18+$0x20];
	[tilespmem:s20+$0x30] =	vst v18;
	v11 =	vadd.f32 v16, v11  }
0x396: {  	v57 =	vld [tilespmem:s18+$0x30];
	[tilespmem:s20+$0x40] =	vst v12;
	v10 =	vadd.f32 v14, v10  }
0x397: {  	v59 =	vld [tilespmem:s18+$0x40];
	[tilespmem:s20+$0x50] =	vst v11;
	v58 =	vadd.f32 v13, v15  }
0x398: {  	v60 =	vld [tilespmem:s18+$0x50];
	[tilespmem:s20+$0x60] =	vst v10;
	v8 =	vadd.f32 v8, v20  }
0x399: {  	v61 =	vld [tilespmem:s18+$0x60];
	v4 =	vadd.f32 v4, v55;
	[tilespmem:s20+$0x70] =	vst v58  }
0x39a: {  	v5 =	vadd.f32 v5, v56;
	[tilespmem:s18+$0x0] =	vst v8  }
0x39b: {  	v62 =	vadd.f32 v6, v57;
	[tilespmem:s18+$0x10] =	vst v4  }
0x39c: {  	v3 =	vadd.f32 v3, v59;
	[tilespmem:s18+$0x20] =	vst v5  }
0x39d: {  	p0 =	sne.s32 s30, $0x20;
	v63 =	vadd.f32 v7, v60;
	[tilespmem:s18+$0x30] =	vst v62  }
.Ltmp6:
0x39e: {  	[tilespmem:s18+$0x40] =	vst v3;
	v3 =	vadd.f32 v9, v61;
	(pc) =	sbr.rel @p0 .LBB2_2-.Ltmp6, $4  }
0x39f: {  	[tilespmem:s18+$0x50] =	vst v63  }
0x3a0: {  	s2 =	sadd.s32 $0x600, s13;
	s7 =	sadd.s32 $0x3400, s31;
	[tilespmem:s18+$0x60] =	vst v3  }
0x3a1: {  	[hbm4b:s2+s5] =	stream.linear.scatter [tilespmem:s7], [sflag:s0], $0x3000, $0x38;
	[tilespmem:$0x1E400] =	vst v63  }
0x3a2: {  	s2 =	smov.u32 s30  }
0x3a3: {  	s0 =	simm.s32 $0x6  }
0x3a4: {  	_ =	swait.ge [sflag:s0], $0x6000  }
0x3a5: {  	[sflag:s0] =	ssyncset.done $0x0  }
0x3a6: {  	s2 =	simm.s32 $0x7;
	[sflag:s0] =	ssyncadd.s32 $0xFFFFA000  }
0x3a7: {  	_ =	swait.ge [sflag:s2], $0x6000  }
0x3a8: {  	s29 =	sadd.s32 $0x1, s29;
	s31 =	rddreg [dreg:$0x7]  }
0x3a9: {  	p0 =	sne.s32 s29, s31  }
.Ltmp7:
0x3aa: {  	_ = 	snop;
	(pc) =	sbr.rel @p0 .LBB2_1-.Ltmp7, $3  }
0x3ab: {  	_ =	sdelay $0x1  }
0x3ac: {  	[sflag:s2] =	ssyncset.done $0x0  }
0x3ad: {  	[sflag:s2] =	ssyncadd.s32 $0xFFFFA000  }
0x3ae: {  	_ =	sfence.sel $0x180000  }
0x3af: {  	[bflag:$0x0] =	sbarrier.arrive $0xFFFF  }
0x3b0: {  	_ =	strace $0x90000047  }
0x3b1: {  	s0 =	stileid.u32;
	[bflag:$0x2] =	sbarrier.arrive $0xFFFF  }
0x3b2: {  	p0 =	sne.s32 s0, $0x0;
	s0 =	rddreg [dreg:$0x4]  }
0x3b3: {  	s0 =	sadd.s32 @!p0 $0x100000, s0  }
0x3b4: {  	[sflag:s0] =	ssyncadd.tile.s32 @!p0 $0x1;
	_ =	shalt  }
.Lfunc_end2:
_tile_overlayer_lowered:
.L_overlay_start_2:
0x3b5: {  	(tag) =	ssettag $0x2  }
0x3b6: {  	s0 =	rddreg [dreg:$0x0];
	s2 =	stileid.u32  }
0x3b7: {  	s1 =	rddreg [dreg:$0x1];
	p0 =	sne.s32 s2, $0x0  }
0x3b8: {  	s3 =	rddreg [dreg:$0x2];
	[bflag:$0x3] =	sbarrier.arrive $0xFFFF;
	s2 =	simm.s32 @!p0 $0x1C09  }
0x3b9: {  	[timem:s3], [sflag:s2] =	dma.local @!p0 [hbm:s0], s1  }
0x3ba: {  	s0 =	simm.s32 @!p0 $0x9  }
0x3bb: {  	_ =	swait.ge @!p0 [sflag:s0], s1  }
0x3bc: {  	s1 =	ssub.s32 @!p0 $0x0, s1;
	[sflag:s0] =	ssyncset.done @!p0 $0x0  }
0x3bd: {  	[sflag:s0] =	ssyncadd.s32 @!p0 s1  }
0x3be: {  	[bflag:$0x3] =	sbarrier.arrive $0xFFFF  }
0x3bf: {  	_ =	shalt  }

</sc_bundles>
